<compile_context>
chip_gen: v7x
topology: tpu7x:2x2x1
jax: 0.10.2.dev20260603
libtpu: 0.0.44.dev20260713+nightly
codegen_flags: <defaults>
</compile_context>

<pallas_src>
import functools

import jax
import jax.numpy as jnp
from jax import lax
from jax.experimental import pallas as pl
from jax.experimental.pallas import tpu as pltpu
from jax.experimental.pallas import tpu_sc as plsc

N = 10000
E = 320000
D_IN = 128
D_HID = 64
D_OUT = 10

NC = 2
NS = 16
NW = NC * NS

K = 128
NBLK = 80
GB = 5
NG = NBLK // GB
EPT = NBLK * K
E_PAD = EPT * NW
NP = 10240
RPT = NP // NS

B = 1000
NB = N // B

_MESH = plsc.VectorSubcoreMesh(core_axis_name="c", subcore_axis_name="s")
_SC_PARAMS = pltpu.CompilerParams(use_tc_tiling_on_sc=False)



def _sc_degree(edg4, zrow):

    @functools.partial(
        pl.kernel,
        out_type=jax.ShapeDtypeStruct((NC, NP), jnp.float32),
        mesh=_MESH,
        compiler_params=_SC_PARAMS,
        scratch_types=[
            pltpu.VMEM((NBLK, K), jnp.int32),
            pltpu.VMEM((K,), jnp.float32),
            pltpu.VMEM_SHARED((NP,), jnp.float32),
        ],
    )
    def k(edg_hbm, z_hbm, out_hbm, didx, ones_v, deg_sh):
        c = lax.axis_index("c")
        s = lax.axis_index("s")
        w = c * NS + s
        for i in range(K // 16):
            ones_v[pl.ds(i * 16, 16)] = jnp.ones((16,), jnp.float32)
        pltpu.sync_copy(z_hbm, deg_sh.at[pl.ds(s * RPT, RPT)])
        pltpu.sync_copy(edg_hbm.at[1, w], didx)
        plsc.subcore_barrier()

        def body(b, carry):
            pltpu.sync_copy(ones_v, deg_sh.at[didx.at[b]], add=True)
            return carry

        lax.fori_loop(0, NBLK, body, 0)
        plsc.subcore_barrier()
        pltpu.sync_copy(deg_sh.at[pl.ds(s * RPT, RPT)],
                        out_hbm.at[c, pl.ds(s * RPT, RPT)])

    return k(edg4, zrow)


def _sc_gather_scatter(y, edg4, zrows, d):

    @functools.partial(
        pl.kernel,
        out_type=jax.ShapeDtypeStruct((NC, NP, d), jnp.float32),
        mesh=_MESH,
        compiler_params=_SC_PARAMS,
        scratch_types=[
            pltpu.VMEM((4 * GB, K), jnp.int32),
            pltpu.VMEM((4 * GB, K), jnp.int32),
            pltpu.VMEM((2 * GB, K, d), jnp.float32),
            pltpu.VMEM_SHARED((NP, d), jnp.float32),
            pltpu.SemaphoreType.DMA,
            pltpu.SemaphoreType.DMA,
            pltpu.SemaphoreType.DMA,
        ],
    )
    def k(y_hbm, edg_hbm, z_hbm, out_hbm, sidx, didx, rows, agg,
          gsem, ssem, isem):
        c = lax.axis_index("c")
        s = lax.axis_index("s")
        w = c * NS + s
        pltpu.sync_copy(z_hbm, agg.at[pl.ds(s * RPT, RPT)])
        pltpu.sync_copy(edg_hbm.at[0, w, pl.ds(0, 2 * GB)],
                        sidx.at[pl.ds(0, 2 * GB)])
        pltpu.sync_copy(edg_hbm.at[1, w, pl.ds(0, 2 * GB)],
                        didx.at[pl.ds(0, 2 * GB)])
        plsc.subcore_barrier()

        def _idx_copies(g):
            slot = (g % 4) * GB
            return (
                pltpu.make_async_copy(
                    edg_hbm.at[0, w, pl.ds(g * GB, GB)],
                    sidx.at[pl.ds(slot, GB)], isem),
                pltpu.make_async_copy(
                    edg_hbm.at[1, w, pl.ds(g * GB, GB)],
                    didx.at[pl.ds(slot, GB)], isem),
            )

        def body(g, carry):
            @pl.when(jnp.logical_and(g >= 2, g - 2 < NG))
            def _drain_scatters():
                p = g - 2
                h = (p % 2) * GB
                for j in range(GB):
                    pltpu.make_async_copy(
                        rows.at[h + j], agg.at[didx.at[j]], ssem).wait()

            @pl.when(g + 2 < NG)
            def _fire_idx():
                for cp in _idx_copies(g + 2):
                    cp.start()

            @pl.when(jnp.logical_and(g >= 2, g < NG))
            def _wait_idx():
                for cp in _idx_copies(g):
                    cp.wait()

            @pl.when(g < NG)
            def _fire_gathers():
                slot = (g % 4) * GB
                h = (g % 2) * GB
                for j in range(GB):
                    pltpu.async_copy(
                        y_hbm.at[sidx.at[slot + j]], rows.at[h + j], gsem)

            @pl.when(jnp.logical_and(g >= 1, g - 1 < NG))
            def _scatter_prev():
                p = g - 1
                slot = (p % 4) * GB
                h = (p % 2) * GB
                for j in range(GB):
                    pltpu.make_async_copy(
                        y_hbm.at[sidx.at[slot + j]], rows.at[h + j],
                        gsem).wait()
                for j in range(GB):
                    pltpu.async_copy(
                        rows.at[h + j], agg.at[didx.at[slot + j]], ssem,
                        add=True)

            return carry

        lax.fori_loop(0, NG + 2, body, 0)
        plsc.subcore_barrier()
        pltpu.sync_copy(agg.at[pl.ds(s * RPT, RPT)],
                        out_hbm.at[c, pl.ds(s * RPT, RPT)])

    return k(y, edg4, zrows)



def _deg_specs():
    return [
        pl.BlockSpec((1, B, 1), lambda r: (0, r, 0)),
        pl.BlockSpec((1, B, 1), lambda r: (1, r, 0)),
    ]


def _tc1(features, W1, deg):
    def body(f_ref, w_ref, d0_ref, d1_ref, y_ref):
        dinv = lax.rsqrt(d0_ref[0] + d1_ref[0] + 1.0)
        xw = jnp.dot(f_ref[...], w_ref[...], preferred_element_type=jnp.float32)
        y_ref[...] = xw * dinv

    d0s, d1s = _deg_specs()
    return pl.pallas_call(
        body,
        grid=(NB,),
        in_specs=[
            pl.BlockSpec((B, D_IN), lambda r: (r, 0)),
            pl.BlockSpec((D_IN, D_HID), lambda r: (0, 0)),
            d0s, d1s,
        ],
        out_specs=pl.BlockSpec((B, D_HID), lambda r: (r, 0)),
        out_shape=jax.ShapeDtypeStruct((N, D_HID), jnp.float32),
    )(features, W1, deg, deg)


def _tc2(agg1, y1, deg, b1, W2p):
    def body(a0_ref, a1_ref, y1_ref, d0_ref, d1_ref, b1_ref, w2_ref, y2_ref):
        dinv = lax.rsqrt(d0_ref[0] + d1_ref[0] + 1.0)
        h1 = jnp.maximum(
            dinv * (a0_ref[0] + a1_ref[0] + y1_ref[...]) + b1_ref[...], 0.0)
        w2p = jnp.concatenate(
            [w2_ref[...], jnp.zeros((D_HID, 16 - D_OUT), jnp.float32)], axis=1)
        xw2 = jnp.dot(h1, w2p, preferred_element_type=jnp.float32)
        y2_ref[...] = xw2 * dinv

    d0s, d1s = _deg_specs()
    return pl.pallas_call(
        body,
        grid=(NB,),
        in_specs=[
            pl.BlockSpec((1, B, D_HID), lambda r: (0, r, 0)),
            pl.BlockSpec((1, B, D_HID), lambda r: (1, r, 0)),
            pl.BlockSpec((B, D_HID), lambda r: (r, 0)),
            d0s, d1s,
            pl.BlockSpec((1, D_HID), lambda r: (0, 0)),
            pl.BlockSpec((D_HID, D_OUT), lambda r: (0, 0)),
        ],
        out_specs=pl.BlockSpec((B, 16), lambda r: (r, 0)),
        out_shape=jax.ShapeDtypeStruct((N, 16), jnp.float32),
    )(agg1, agg1, y1, deg, deg, b1, W2p)


def _tc3(agg2, y2, deg, b2p):
    def body(a0_ref, a1_ref, y2_ref, d0_ref, d1_ref, b2_ref, o_ref):
        dinv = lax.rsqrt(d0_ref[0] + d1_ref[0] + 1.0)
        b2p = jnp.concatenate(
            [b2_ref[...], jnp.zeros((1, 16 - D_OUT), jnp.float32)], axis=1)
        z = dinv * (a0_ref[0] + a1_ref[0] + y2_ref[...]) + b2p
        col = lax.broadcasted_iota(jnp.int32, (B, 16), 1)
        zm = jnp.where(col < D_OUT, z, -1e30)
        m = jnp.max(zm, axis=1, keepdims=True)
        lse = jnp.log(jnp.sum(jnp.exp(zm - m), axis=1, keepdims=True)) + m
        o_ref[...] = (z - lse)[:, :D_OUT]

    d0s, d1s = _deg_specs()
    return pl.pallas_call(
        body,
        grid=(NB,),
        in_specs=[
            pl.BlockSpec((1, B, 16), lambda r: (0, r, 0)),
            pl.BlockSpec((1, B, 16), lambda r: (1, r, 0)),
            pl.BlockSpec((B, 16), lambda r: (r, 0)),
            d0s, d1s,
            pl.BlockSpec((1, D_OUT), lambda r: (0, 0)),
        ],
        out_specs=pl.BlockSpec((B, D_OUT), lambda r: (r, 0)),
        out_shape=jax.ShapeDtypeStruct((N, D_OUT), jnp.float32),
    )(agg2, agg2, y2, deg, deg, b2p)



def kernel(features, edges, W1, b1, W2, b2):
    pad = E_PAD - E
    pad_idx = lax.iota(jnp.int32, pad)
    pad2 = jnp.stack([pad_idx % 4096, N + pad_idx % (NP - N)])
    edg4 = jnp.concatenate([edges, pad2], axis=1).reshape(2, NW, NBLK, K)

    z1 = jnp.zeros((RPT,), jnp.float32)
    z64 = jnp.zeros((RPT, D_HID), jnp.float32)
    z16 = jnp.zeros((RPT, 16), jnp.float32)
    b1r = b1.reshape(1, D_HID)
    b2r = b2.reshape(1, D_OUT)

    deg = _sc_degree(edg4, z1)[:, :, None]
    y1 = _tc1(features, W1, deg)
    agg1 = _sc_gather_scatter(y1, edg4, z64, D_HID)
    y2 = _tc2(agg1, y1, deg, b1r, W2)
    agg2 = _sc_gather_scatter(y2, edg4, z16, 16)
    return _tc3(agg2, y2, deg, b2r)

# --- scband reference (transcript-rebuilt; emitter-appended) ---
"""Pipeline reference for scband-macro-gcn-41970420418160 (READ-ONLY COPY).

The authoritative reference and input builder live on the scoring server;
editing this copy changes nothing except your own understanding.
"""

import jax, jax.numpy as jnp
import numpy as np

N = 10000
E = 320000
D_IN = 128
D_HID = 64
D_OUT = 10


def setup_inputs(seed: int = 0) -> dict:
    key = jax.random.key(seed)
    k1, k2, k3, k4, k5, k6 = jax.random.split(key, 6)
    features = jax.random.normal(k1, (N, D_IN), dtype=jnp.float32)
    edges = jax.random.randint(k2, (2, E), 0, N, dtype=jnp.int32)
    W1 = jax.random.normal(k3, (D_IN, D_HID), dtype=jnp.float32) * (1.0 / np.sqrt(D_IN))
    b1 = jnp.zeros((D_HID,), dtype=jnp.float32)
    W2 = jax.random.normal(k4, (D_HID, D_OUT), dtype=jnp.float32) * (1.0 / np.sqrt(D_HID))
    b2 = jnp.zeros((D_OUT,), dtype=jnp.float32)
    return {"features": features, "edges": edges, "W1": W1, "b1": b1, "W2": W2, "b2": b2}


def _gcn_conv(x, src, dst, W, b, n):
    # GCNConv: symmetric normalization with self-loops: D^-1/2 (A+I) D^-1/2 X W + b
    loops = jnp.arange(n, dtype=src.dtype)
    s = jnp.concatenate([src, loops])
    d = jnp.concatenate([dst, loops])
    deg = jax.ops.segment_sum(jnp.ones_like(d, dtype=x.dtype), d, num_segments=n)
    dinv = jnp.where(deg > 0, 1.0 / jnp.sqrt(deg), 0.0)
    norm = dinv[s] * dinv[d]
    xw = x @ W
    msgs = xw[s] * norm[:, None]
    out = jax.ops.segment_sum(msgs, d, num_segments=n)
    return out + b


def reference(features, edges, W1, b1, W2, b2):
    src = edges[0]
    dst = edges[1]
    h1 = jax.nn.relu(_gcn_conv(features, src, dst, W1, b1, N))
    h2 = _gcn_conv(h1, src, dst, W2, b2, N)
    return jax.nn.log_softmax(h2, axis=1)

if __name__ == "__main__":
    import jax
    _d = setup_inputs()
    print(jax.jit(kernel)(*tuple(_d.values())))

</pallas_src>

<mosaic_0001>
#map = affine_map<(d0, d1) -> (0, 0, 0, 0)>
#map1 = affine_map<(d0, d1) -> (0)>
#map2 = affine_map<(d0, d1) -> (0, 0)>
module attributes {stable_mosaic.version = 14 : i64} {
  func.func @k(%arg0: i32, %arg1: i32, %arg2: memref<2x32x80x128xi32, #tpu.memory_space<hbm>>, %arg3: memref<640xf32, #tpu.memory_space<hbm>>, %arg4: memref<2x10240xf32, #tpu.memory_space<hbm>>, %arg5: memref<80x128xi32, #tpu.memory_space<vmem>>, %arg6: memref<128xf32, #tpu.memory_space<vmem>>, %arg7: memref<10240xf32, #tpu.memory_space<vmem_shared>>) attributes {dimension_semantics = [#tpu.dimension_semantics<core_parallel>, #tpu.dimension_semantics<subcore_parallel>], iteration_bounds = array<i64: 2, 16>, scalar_prefetch = 0 : i64, scratch_operands = 3 : i64, tpu.core_type = #tpu.core_type<sc_vector_subcore>, window_params = [{transform_indices = #map}, {transform_indices = #map1}, {transform_indices = #map2}]} {
    %mul3A = arith.constant 16 : i32
    %mul3A_0 = arith.muli %arg0, %mul3A : i32
    %add3A = arith.addi %mul3A_0, %arg1 : i32
    %broadcast_in_dim3A = arith.constant 1.000000e+00 : f32
    %broadcast_in_dim3A_1 = vector.broadcast %broadcast_in_dim3A : f32 to vector<16xf32>
    %swap3A = arith.constant 0 : index
    %swap3A_2 = tpu.vector_load %arg6[%swap3A] {strides = array<i32>} : memref<128xf32, #tpu.memory_space<vmem>>, vector<16xf32>,
    %swap3A_3 = vector.shape_cast %swap3A_2 : vector<16xf32> to vector<16xf32>
    %swap3A_4 = vector.shape_cast %broadcast_in_dim3A_1 : vector<16xf32> to vector<16xf32>
    tpu.vector_store %arg6[%swap3A], %swap3A_4 {strides = array<i32>} : memref<128xf32, #tpu.memory_space<vmem>>, vector<16xf32>,
    %broadcast_in_dim3A_5 = arith.constant 1.000000e+00 : f32
    %broadcast_in_dim3A_6 = vector.broadcast %broadcast_in_dim3A_5 : f32 to vector<16xf32>
    %swap3A_7 = arith.constant 16 : index
    %swap3A_8 = tpu.vector_load %arg6[%swap3A_7] {strides = array<i32>} : memref<128xf32, #tpu.memory_space<vmem>>, vector<16xf32>,
    %swap3A_9 = vector.shape_cast %swap3A_8 : vector<16xf32> to vector<16xf32>
    %swap3A_10 = vector.shape_cast %broadcast_in_dim3A_6 : vector<16xf32> to vector<16xf32>
    tpu.vector_store %arg6[%swap3A_7], %swap3A_10 {strides = array<i32>} : memref<128xf32, #tpu.memory_space<vmem>>, vector<16xf32>,
    %broadcast_in_dim3A_11 = arith.constant 1.000000e+00 : f32
    %broadcast_in_dim3A_12 = vector.broadcast %broadcast_in_dim3A_11 : f32 to vector<16xf32>
    %swap3A_13 = arith.constant 32 : index
    %swap3A_14 = tpu.vector_load %arg6[%swap3A_13] {strides = array<i32>} : memref<128xf32, #tpu.memory_space<vmem>>, vector<16xf32>,
    %swap3A_15 = vector.shape_cast %swap3A_14 : vector<16xf32> to vector<16xf32>
    %swap3A_16 = vector.shape_cast %broadcast_in_dim3A_12 : vector<16xf32> to vector<16xf32>
    tpu.vector_store %arg6[%swap3A_13], %swap3A_16 {strides = array<i32>} : memref<128xf32, #tpu.memory_space<vmem>>, vector<16xf32>,
    %broadcast_in_dim3A_17 = arith.constant 1.000000e+00 : f32
    %broadcast_in_dim3A_18 = vector.broadcast %broadcast_in_dim3A_17 : f32 to vector<16xf32>
    %swap3A_19 = arith.constant 48 : index
    %swap3A_20 = tpu.vector_load %arg6[%swap3A_19] {strides = array<i32>} : memref<128xf32, #tpu.memory_space<vmem>>, vector<16xf32>,
    %swap3A_21 = vector.shape_cast %swap3A_20 : vector<16xf32> to vector<16xf32>
    %swap3A_22 = vector.shape_cast %broadcast_in_dim3A_18 : vector<16xf32> to vector<16xf32>
    tpu.vector_store %arg6[%swap3A_19], %swap3A_22 {strides = array<i32>} : memref<128xf32, #tpu.memory_space<vmem>>, vector<16xf32>,
    %broadcast_in_dim3A_23 = arith.constant 1.000000e+00 : f32
    %broadcast_in_dim3A_24 = vector.broadcast %broadcast_in_dim3A_23 : f32 to vector<16xf32>
    %swap3A_25 = arith.constant 64 : index
    %swap3A_26 = tpu.vector_load %arg6[%swap3A_25] {strides = array<i32>} : memref<128xf32, #tpu.memory_space<vmem>>, vector<16xf32>,
    %swap3A_27 = vector.shape_cast %swap3A_26 : vector<16xf32> to vector<16xf32>
    %swap3A_28 = vector.shape_cast %broadcast_in_dim3A_24 : vector<16xf32> to vector<16xf32>
    tpu.vector_store %arg6[%swap3A_25], %swap3A_28 {strides = array<i32>} : memref<128xf32, #tpu.memory_space<vmem>>, vector<16xf32>,
    %broadcast_in_dim3A_29 = arith.constant 1.000000e+00 : f32
    %broadcast_in_dim3A_30 = vector.broadcast %broadcast_in_dim3A_29 : f32 to vector<16xf32>
    %swap3A_31 = arith.constant 80 : index
    %swap3A_32 = tpu.vector_load %arg6[%swap3A_31] {strides = array<i32>} : memref<128xf32, #tpu.memory_space<vmem>>, vector<16xf32>,
    %swap3A_33 = vector.shape_cast %swap3A_32 : vector<16xf32> to vector<16xf32>
    %swap3A_34 = vector.shape_cast %broadcast_in_dim3A_30 : vector<16xf32> to vector<16xf32>
    tpu.vector_store %arg6[%swap3A_31], %swap3A_34 {strides = array<i32>} : memref<128xf32, #tpu.memory_space<vmem>>, vector<16xf32>,
    %broadcast_in_dim3A_35 = arith.constant 1.000000e+00 : f32
    %broadcast_in_dim3A_36 = vector.broadcast %broadcast_in_dim3A_35 : f32 to vector<16xf32>
    %swap3A_37 = arith.constant 96 : index
    %swap3A_38 = tpu.vector_load %arg6[%swap3A_37] {strides = array<i32>} : memref<128xf32, #tpu.memory_space<vmem>>, vector<16xf32>,
    %swap3A_39 = vector.shape_cast %swap3A_38 : vector<16xf32> to vector<16xf32>
    %swap3A_40 = vector.shape_cast %broadcast_in_dim3A_36 : vector<16xf32> to vector<16xf32>
    tpu.vector_store %arg6[%swap3A_37], %swap3A_40 {strides = array<i32>} : memref<128xf32, #tpu.memory_space<vmem>>, vector<16xf32>,
    %broadcast_in_dim3A_41 = arith.constant 1.000000e+00 : f32
    %broadcast_in_dim3A_42 = vector.broadcast %broadcast_in_dim3A_41 : f32 to vector<16xf32>
    %swap3A_43 = arith.constant 112 : index
    %swap3A_44 = tpu.vector_load %arg6[%swap3A_43] {strides = array<i32>} : memref<128xf32, #tpu.memory_space<vmem>>, vector<16xf32>,
    %swap3A_45 = vector.shape_cast %swap3A_44 : vector<16xf32> to vector<16xf32>
    %swap3A_46 = vector.shape_cast %broadcast_in_dim3A_42 : vector<16xf32> to vector<16xf32>
    tpu.vector_store %arg6[%swap3A_43], %swap3A_46 {strides = array<i32>} : memref<128xf32, #tpu.memory_space<vmem>>, vector<16xf32>,
    %mul3A_47 = arith.constant 640 : i32
    %mul3A_48 = arith.muli %arg1, %mul3A_47 : i32
    "tpu.region"() ({
      %run_scoped3A_59 = tpu.sem_alloc : memref<!tpu.dma_semaphore, #tpu.memory_space<semaphore_mem>>
      %dma_start3A = tpu.memref_slice %arg7[%mul3A_48] : memref<10240xf32, #tpu.memory_space<vmem_shared>> -> memref<640xf32, #tpu.memory_space<vmem_shared>>
      tpu.enqueue_dma source(%arg3 : memref<640xf32, #tpu.memory_space<hbm>>) target(%dma_start3A : memref<640xf32, #tpu.memory_space<vmem_shared>>) target_semaphore(%run_scoped3A_59 : memref<!tpu.dma_semaphore, #tpu.memory_space<semaphore_mem>>)
      %dma_wait3A = tpu.memref_slice %arg7[%mul3A_48] : memref<10240xf32, #tpu.memory_space<vmem_shared>> -> memref<640xf32, #tpu.memory_space<vmem_shared>>
      tpu.wait_dma2 semaphore(%run_scoped3A_59 : memref<!tpu.dma_semaphore, #tpu.memory_space<semaphore_mem>>) src(%arg3 : memref<640xf32, #tpu.memory_space<hbm>>) dst(%dma_wait3A : memref<640xf32, #tpu.memory_space<vmem_shared>>)
      tpu.yield
    }) : () -> ()
    %run_scoped3A = arith.constant 1 : i32
    "tpu.region"() ({
      %run_scoped3A_59 = tpu.sem_alloc : memref<!tpu.dma_semaphore, #tpu.memory_space<semaphore_mem>>
      %dma_start3A = arith.constant 0 : i32
      %dma_start3A_60 = arith.constant 0 : i32
      %dma_start3A_61 = tpu.memref_slice %arg2[%run_scoped3A, %add3A, %dma_start3A, %dma_start3A_60] : memref<2x32x80x128xi32, #tpu.memory_space<hbm>> -> memref<1x1x80x128xi32, #tpu.memory_space<hbm>>
      %dma_start3A_62 = tpu.memref_squeeze %dma_start3A_61 : memref<1x1x80x128xi32, #tpu.memory_space<hbm>> -> memref<80x128xi32, #tpu.memory_space<hbm>>
      %dma_start3A_63 = arith.constant 0 : i32
      %dma_start3A_64 = arith.constant 0 : i32
      %dma_start3A_65 = tpu.memref_slice %arg2[%run_scoped3A, %add3A, %dma_start3A_63, %dma_start3A_64] : memref<2x32x80x128xi32, #tpu.memory_space<hbm>> -> memref<1x1x80x128xi32, #tpu.memory_space<hbm>>
      %dma_start3A_66 = tpu.memref_squeeze %dma_start3A_65 : memref<1x1x80x128xi32, #tpu.memory_space<hbm>> -> memref<80x128xi32, #tpu.memory_space<hbm>>
      tpu.enqueue_dma source(%dma_start3A_66 : memref<80x128xi32, #tpu.memory_space<hbm>>) target(%arg5 : memref<80x128xi32, #tpu.memory_space<vmem>>) target_semaphore(%run_scoped3A_59 : memref<!tpu.dma_semaphore, #tpu.memory_space<semaphore_mem>>)
      %dma_wait3A = arith.constant 0 : i32
      %dma_wait3A_67 = arith.constant 0 : i32
      %dma_wait3A_68 = tpu.memref_slice %arg2[%run_scoped3A, %add3A, %dma_wait3A, %dma_wait3A_67] : memref<2x32x80x128xi32, #tpu.memory_space<hbm>> -> memref<1x1x80x128xi32, #tpu.memory_space<hbm>>
      %dma_wait3A_69 = tpu.memref_squeeze %dma_wait3A_68 : memref<1x1x80x128xi32, #tpu.memory_space<hbm>> -> memref<80x128xi32, #tpu.memory_space<hbm>>
      %dma_wait3A_70 = arith.constant 0 : i32
      %dma_wait3A_71 = arith.constant 0 : i32
      %dma_wait3A_72 = tpu.memref_slice %arg2[%run_scoped3A, %add3A, %dma_wait3A_70, %dma_wait3A_71] : memref<2x32x80x128xi32, #tpu.memory_space<hbm>> -> memref<1x1x80x128xi32, #tpu.memory_space<hbm>>
      %dma_wait3A_73 = tpu.memref_squeeze %dma_wait3A_72 : memref<1x1x80x128xi32, #tpu.memory_space<hbm>> -> memref<80x128xi32, #tpu.memory_space<hbm>>
      tpu.wait_dma2 semaphore(%run_scoped3A_59 : memref<!tpu.dma_semaphore, #tpu.memory_space<semaphore_mem>>) src(%dma_wait3A_73 : memref<80x128xi32, #tpu.memory_space<hbm>>) dst(%arg5 : memref<80x128xi32, #tpu.memory_space<vmem>>)
      tpu.yield
    }) : () -> ()
    %barrier3A = arith.constant 0 : index
    tpu.barrier barrier_id(%barrier3A)
    %scan3A = arith.constant 0 : i32
    %scan3A_49 = arith.constant 0 : i32
    %scan3A_50 = arith.constant 80 : i32
    %scan3A_51 = arith.addi %scan3A_49, %scan3A_50 : i32
    %scan3A_52 = arith.constant 1 : i32
    scf.for %scan3A_59 = %scan3A_49 to %scan3A_51 step %scan3A_52  : i32 {
      "tpu.region"() ({
        %run_scoped3A_60 = tpu.sem_alloc : memref<!tpu.dma_semaphore, #tpu.memory_space<semaphore_mem>>
        %dma_start3A = arith.constant 0 : i32
        %dma_start3A_61 = tpu.memref_slice %arg5[%scan3A_59, %dma_start3A] : memref<80x128xi32, #tpu.memory_space<vmem>> -> memref<1x128xi32, #tpu.memory_space<vmem>>
        %dma_start3A_62 = tpu.memref_squeeze %dma_start3A_61 : memref<1x128xi32, #tpu.memory_space<vmem>> -> memref<128xi32, #tpu.memory_space<vmem>>
        %dma_start3A_63 = arith.constant 0 : i32
        %dma_start3A_64 = tpu.memref_slice %arg7[%dma_start3A_63] : memref<10240xf32, #tpu.memory_space<vmem_shared>> -> memref<10240xf32, #tpu.memory_space<vmem_shared>>
        tpu.enqueue_indirect_dma source(%arg6 : memref<128xf32, #tpu.memory_space<vmem>>) target(%dma_start3A_64 : memref<10240xf32, #tpu.memory_space<vmem_shared>>) offsets(%dma_start3A_62 : memref<128xi32, #tpu.memory_space<vmem>>) semaphore(%run_scoped3A_60 : memref<!tpu.dma_semaphore, #tpu.memory_space<semaphore_mem>>) {add = true}
        %dma_wait3A = arith.constant 0 : i32
        %dma_wait3A_65 = tpu.memref_slice %arg5[%scan3A_59, %dma_wait3A] : memref<80x128xi32, #tpu.memory_space<vmem>> -> memref<1x128xi32, #tpu.memory_space<vmem>>
        %dma_wait3A_66 = tpu.memref_squeeze %dma_wait3A_65 : memref<1x128xi32, #tpu.memory_space<vmem>> -> memref<128xi32, #tpu.memory_space<vmem>>
        %dma_wait3A_67 = arith.constant 0 : i32
        %dma_wait3A_68 = tpu.memref_slice %arg7[%dma_wait3A_67] : memref<10240xf32, #tpu.memory_space<vmem_shared>> -> memref<10240xf32, #tpu.memory_space<vmem_shared>>
        tpu.wait_indirect_dma semaphore(%run_scoped3A_60 : memref<!tpu.dma_semaphore, #tpu.memory_space<semaphore_mem>>) src(%arg6 : memref<128xf32, #tpu.memory_space<vmem>>) dst(%dma_wait3A_68 : memref<10240xf32, #tpu.memory_space<vmem_shared>>)
        tpu.yield
      }) : () -> ()
    }
    %scan3A_53 = arith.constant 80 : i32
    %barrier3A_54 = arith.constant 0 : index
    tpu.barrier barrier_id(%barrier3A_54)
    %mul3A_55 = arith.constant 640 : i32
    %mul3A_56 = arith.muli %arg1, %mul3A_55 : i32
    %mul3A_57 = arith.constant 640 : i32
    %mul3A_58 = arith.muli %arg1, %mul3A_57 : i32
    "tpu.region"() ({
      %run_scoped3A_59 = tpu.sem_alloc : memref<!tpu.dma_semaphore, #tpu.memory_space<semaphore_mem>>
      %dma_start3A = tpu.memref_slice %arg4[%arg0, %mul3A_58] : memref<2x10240xf32, #tpu.memory_space<hbm>> -> memref<1x640xf32, #tpu.memory_space<hbm>>
      %dma_start3A_60 = tpu.memref_squeeze %dma_start3A : memref<1x640xf32, #tpu.memory_space<hbm>> -> memref<640xf32, #tpu.memory_space<hbm>>
      %dma_start3A_61 = tpu.memref_slice %arg7[%mul3A_56] : memref<10240xf32, #tpu.memory_space<vmem_shared>> -> memref<640xf32, #tpu.memory_space<vmem_shared>>
      tpu.enqueue_dma source(%dma_start3A_61 : memref<640xf32, #tpu.memory_space<vmem_shared>>) target(%dma_start3A_60 : memref<640xf32, #tpu.memory_space<hbm>>) target_semaphore(%run_scoped3A_59 : memref<!tpu.dma_semaphore, #tpu.memory_space<semaphore_mem>>)
      %dma_wait3A = tpu.memref_slice %arg4[%arg0, %mul3A_58] : memref<2x10240xf32, #tpu.memory_space<hbm>> -> memref<1x640xf32, #tpu.memory_space<hbm>>
      %dma_wait3A_62 = tpu.memref_squeeze %dma_wait3A : memref<1x640xf32, #tpu.memory_space<hbm>> -> memref<640xf32, #tpu.memory_space<hbm>>
      %dma_wait3A_63 = tpu.memref_slice %arg7[%mul3A_56] : memref<10240xf32, #tpu.memory_space<vmem_shared>> -> memref<640xf32, #tpu.memory_space<vmem_shared>>
      tpu.wait_dma2 semaphore(%run_scoped3A_59 : memref<!tpu.dma_semaphore, #tpu.memory_space<semaphore_mem>>) src(%dma_wait3A_63 : memref<640xf32, #tpu.memory_space<vmem_shared>>) dst(%dma_wait3A_62 : memref<640xf32, #tpu.memory_space<hbm>>)
      tpu.yield
    }) : () -> ()
    return
  }
}

#map = affine_map<(d0, d1) -> (0, 0)>
#map1 = affine_map<(d0, d1) -> (0, 0, 0, 0)>
#map2 = affine_map<(d0, d1) -> (0, 0, 0)>
module attributes {stable_mosaic.version = 14 : i64} {
  func.func @k(%arg0: i32, %arg1: i32, %arg2: memref<10000x16xf32, #tpu.memory_space<hbm>>, %arg3: memref<2x32x80x128xi32, #tpu.memory_space<hbm>>, %arg4: memref<640x16xf32, #tpu.memory_space<hbm>>, %arg5: memref<2x10240x16xf32, #tpu.memory_space<hbm>>, %arg6: memref<20x128xi32, #tpu.memory_space<vmem>>, %arg7: memref<20x128xi32, #tpu.memory_space<vmem>>, %arg8: memref<10x128x16xf32, #tpu.memory_space<vmem>>, %arg9: memref<10240x16xf32, #tpu.memory_space<vmem_shared>>, %arg10: memref<!tpu.dma_semaphore, #tpu.memory_space<semaphore_mem>>, %arg11: memref<!tpu.dma_semaphore, #tpu.memory_space<semaphore_mem>>, %arg12: memref<!tpu.dma_semaphore, #tpu.memory_space<semaphore_mem>>) attributes {dimension_semantics = [#tpu.dimension_semantics<core_parallel>, #tpu.dimension_semantics<subcore_parallel>], iteration_bounds = array<i64: 2, 16>, scalar_prefetch = 0 : i64, scratch_operands = 7 : i64, tpu.core_type = #tpu.core_type<sc_vector_subcore>, window_params = [{transform_indices = #map}, {transform_indices = #map1}, {transform_indices = #map}, {transform_indices = #map2}]} {
    %mul3A = arith.constant 16 : i32
    %mul3A_0 = arith.muli %arg0, %mul3A : i32
    %add3A = arith.addi %mul3A_0, %arg1 : i32
    %mul3A_1 = arith.constant 640 : i32
    %mul3A_2 = arith.muli %arg1, %mul3A_1 : i32
    "tpu.region"() ({
      %run_scoped3A_14 = tpu.sem_alloc : memref<!tpu.dma_semaphore, #tpu.memory_space<semaphore_mem>>
      %dma_start3A = arith.constant 0 : i32
      %dma_start3A_15 = tpu.memref_slice %arg9[%mul3A_2, %dma_start3A] : memref<10240x16xf32, #tpu.memory_space<vmem_shared>> -> memref<640x16xf32, #tpu.memory_space<vmem_shared>>
      tpu.enqueue_dma source(%arg4 : memref<640x16xf32, #tpu.memory_space<hbm>>) target(%dma_start3A_15 : memref<640x16xf32, #tpu.memory_space<vmem_shared>>) target_semaphore(%run_scoped3A_14 : memref<!tpu.dma_semaphore, #tpu.memory_space<semaphore_mem>>)
      %dma_wait3A = arith.constant 0 : i32
      %dma_wait3A_16 = tpu.memref_slice %arg9[%mul3A_2, %dma_wait3A] : memref<10240x16xf32, #tpu.memory_space<vmem_shared>> -> memref<640x16xf32, #tpu.memory_space<vmem_shared>>
      tpu.wait_dma2 semaphore(%run_scoped3A_14 : memref<!tpu.dma_semaphore, #tpu.memory_space<semaphore_mem>>) src(%arg4 : memref<640x16xf32, #tpu.memory_space<hbm>>) dst(%dma_wait3A_16 : memref<640x16xf32, #tpu.memory_space<vmem_shared>>)
      tpu.yield
    }) : () -> ()
    %run_scoped3A = arith.constant 0 : i32
    "tpu.region"() ({
      %run_scoped3A_14 = tpu.sem_alloc : memref<!tpu.dma_semaphore, #tpu.memory_space<semaphore_mem>>
      %dma_start3A = arith.constant 0 : i32
      %dma_start3A_15 = arith.constant 0 : i32
      %dma_start3A_16 = tpu.memref_slice %arg6[%dma_start3A, %dma_start3A_15] : memref<20x128xi32, #tpu.memory_space<vmem>> -> memref<10x128xi32, #tpu.memory_space<vmem>>
      %dma_start3A_17 = arith.constant 0 : i32
      %dma_start3A_18 = arith.constant 0 : i32
      %dma_start3A_19 = tpu.memref_slice %arg3[%run_scoped3A, %add3A, %dma_start3A_17, %dma_start3A_18] : memref<2x32x80x128xi32, #tpu.memory_space<hbm>> -> memref<1x1x10x128xi32, #tpu.memory_space<hbm>>
      %dma_start3A_20 = tpu.memref_squeeze %dma_start3A_19 : memref<1x1x10x128xi32, #tpu.memory_space<hbm>> -> memref<10x128xi32, #tpu.memory_space<hbm>>
      %dma_start3A_21 = arith.constant 0 : i32
      %dma_start3A_22 = arith.constant 0 : i32
      %dma_start3A_23 = tpu.memref_slice %arg6[%dma_start3A_21, %dma_start3A_22] : memref<20x128xi32, #tpu.memory_space<vmem>> -> memref<10x128xi32, #tpu.memory_space<vmem>>
      %dma_start3A_24 = arith.constant 0 : i32
      %dma_start3A_25 = arith.constant 0 : i32
      %dma_start3A_26 = tpu.memref_slice %arg3[%run_scoped3A, %add3A, %dma_start3A_24, %dma_start3A_25] : memref<2x32x80x128xi32, #tpu.memory_space<hbm>> -> memref<1x1x10x128xi32, #tpu.memory_space<hbm>>
      %dma_start3A_27 = tpu.memref_squeeze %dma_start3A_26 : memref<1x1x10x128xi32, #tpu.memory_space<hbm>> -> memref<10x128xi32, #tpu.memory_space<hbm>>
      tpu.enqueue_dma source(%dma_start3A_27 : memref<10x128xi32, #tpu.memory_space<hbm>>) target(%dma_start3A_23 : memref<10x128xi32, #tpu.memory_space<vmem>>) target_semaphore(%run_scoped3A_14 : memref<!tpu.dma_semaphore, #tpu.memory_space<semaphore_mem>>)
      %dma_wait3A = arith.constant 0 : i32
      %dma_wait3A_28 = arith.constant 0 : i32
      %dma_wait3A_29 = tpu.memref_slice %arg6[%dma_wait3A, %dma_wait3A_28] : memref<20x128xi32, #tpu.memory_space<vmem>> -> memref<10x128xi32, #tpu.memory_space<vmem>>
      %dma_wait3A_30 = arith.constant 0 : i32
      %dma_wait3A_31 = arith.constant 0 : i32
      %dma_wait3A_32 = tpu.memref_slice %arg3[%run_scoped3A, %add3A, %dma_wait3A_30, %dma_wait3A_31] : memref<2x32x80x128xi32, #tpu.memory_space<hbm>> -> memref<1x1x10x128xi32, #tpu.memory_space<hbm>>
      %dma_wait3A_33 = tpu.memref_squeeze %dma_wait3A_32 : memref<1x1x10x128xi32, #tpu.memory_space<hbm>> -> memref<10x128xi32, #tpu.memory_space<hbm>>
      %dma_wait3A_34 = arith.constant 0 : i32
      %dma_wait3A_35 = arith.constant 0 : i32
      %dma_wait3A_36 = tpu.memref_slice %arg6[%dma_wait3A_34, %dma_wait3A_35] : memref<20x128xi32, #tpu.memory_space<vmem>> -> memref<10x128xi32, #tpu.memory_space<vmem>>
      %dma_wait3A_37 = arith.constant 0 : i32
      %dma_wait3A_38 = arith.constant 0 : i32
      %dma_wait3A_39 = tpu.memref_slice %arg3[%run_scoped3A, %add3A, %dma_wait3A_37, %dma_wait3A_38] : memref<2x32x80x128xi32, #tpu.memory_space<hbm>> -> memref<1x1x10x128xi32, #tpu.memory_space<hbm>>
      %dma_wait3A_40 = tpu.memref_squeeze %dma_wait3A_39 : memref<1x1x10x128xi32, #tpu.memory_space<hbm>> -> memref<10x128xi32, #tpu.memory_space<hbm>>
      tpu.wait_dma2 semaphore(%run_scoped3A_14 : memref<!tpu.dma_semaphore, #tpu.memory_space<semaphore_mem>>) src(%dma_wait3A_40 : memref<10x128xi32, #tpu.memory_space<hbm>>) dst(%dma_wait3A_36 : memref<10x128xi32, #tpu.memory_space<vmem>>)
      tpu.yield
    }) : () -> ()
    %run_scoped3A_3 = arith.constant 1 : i32
    "tpu.region"() ({
      %run_scoped3A_14 = tpu.sem_alloc : memref<!tpu.dma_semaphore, #tpu.memory_space<semaphore_mem>>
      %dma_start3A = arith.constant 0 : i32
      %dma_start3A_15 = arith.constant 0 : i32
      %dma_start3A_16 = tpu.memref_slice %arg7[%dma_start3A, %dma_start3A_15] : memref<20x128xi32, #tpu.memory_space<vmem>> -> memref<10x128xi32, #tpu.memory_space<vmem>>
      %dma_start3A_17 = arith.constant 0 : i32
      %dma_start3A_18 = arith.constant 0 : i32
      %dma_start3A_19 = tpu.memref_slice %arg3[%run_scoped3A_3, %add3A, %dma_start3A_17, %dma_start3A_18] : memref<2x32x80x128xi32, #tpu.memory_space<hbm>> -> memref<1x1x10x128xi32, #tpu.memory_space<hbm>>
      %dma_start3A_20 = tpu.memref_squeeze %dma_start3A_19 : memref<1x1x10x128xi32, #tpu.memory_space<hbm>> -> memref<10x128xi32, #tpu.memory_space<hbm>>
      %dma_start3A_21 = arith.constant 0 : i32
      %dma_start3A_22 = arith.constant 0 : i32
      %dma_start3A_23 = tpu.memref_slice %arg7[%dma_start3A_21, %dma_start3A_22] : memref<20x128xi32, #tpu.memory_space<vmem>> -> memref<10x128xi32, #tpu.memory_space<vmem>>
      %dma_start3A_24 = arith.constant 0 : i32
      %dma_start3A_25 = arith.constant 0 : i32
      %dma_start3A_26 = tpu.memref_slice %arg3[%run_scoped3A_3, %add3A, %dma_start3A_24, %dma_start3A_25] : memref<2x32x80x128xi32, #tpu.memory_space<hbm>> -> memref<1x1x10x128xi32, #tpu.memory_space<hbm>>
      %dma_start3A_27 = tpu.memref_squeeze %dma_start3A_26 : memref<1x1x10x128xi32, #tpu.memory_space<hbm>> -> memref<10x128xi32, #tpu.memory_space<hbm>>
      tpu.enqueue_dma source(%dma_start3A_27 : memref<10x128xi32, #tpu.memory_space<hbm>>) target(%dma_start3A_23 : memref<10x128xi32, #tpu.memory_space<vmem>>) target_semaphore(%run_scoped3A_14 : memref<!tpu.dma_semaphore, #tpu.memory_space<semaphore_mem>>)
      %dma_wait3A = arith.constant 0 : i32
      %dma_wait3A_28 = arith.constant 0 : i32
      %dma_wait3A_29 = tpu.memref_slice %arg7[%dma_wait3A, %dma_wait3A_28] : memref<20x128xi32, #tpu.memory_space<vmem>> -> memref<10x128xi32, #tpu.memory_space<vmem>>
      %dma_wait3A_30 = arith.constant 0 : i32
      %dma_wait3A_31 = arith.constant 0 : i32
      %dma_wait3A_32 = tpu.memref_slice %arg3[%run_scoped3A_3, %add3A, %dma_wait3A_30, %dma_wait3A_31] : memref<2x32x80x128xi32, #tpu.memory_space<hbm>> -> memref<1x1x10x128xi32, #tpu.memory_space<hbm>>
      %dma_wait3A_33 = tpu.memref_squeeze %dma_wait3A_32 : memref<1x1x10x128xi32, #tpu.memory_space<hbm>> -> memref<10x128xi32, #tpu.memory_space<hbm>>
      %dma_wait3A_34 = arith.constant 0 : i32
      %dma_wait3A_35 = arith.constant 0 : i32
      %dma_wait3A_36 = tpu.memref_slice %arg7[%dma_wait3A_34, %dma_wait3A_35] : memref<20x128xi32, #tpu.memory_space<vmem>> -> memref<10x128xi32, #tpu.memory_space<vmem>>
      %dma_wait3A_37 = arith.constant 0 : i32
      %dma_wait3A_38 = arith.constant 0 : i32
      %dma_wait3A_39 = tpu.memref_slice %arg3[%run_scoped3A_3, %add3A, %dma_wait3A_37, %dma_wait3A_38] : memref<2x32x80x128xi32, #tpu.memory_space<hbm>> -> memref<1x1x10x128xi32, #tpu.memory_space<hbm>>
      %dma_wait3A_40 = tpu.memref_squeeze %dma_wait3A_39 : memref<1x1x10x128xi32, #tpu.memory_space<hbm>> -> memref<10x128xi32, #tpu.memory_space<hbm>>
      tpu.wait_dma2 semaphore(%run_scoped3A_14 : memref<!tpu.dma_semaphore, #tpu.memory_space<semaphore_mem>>) src(%dma_wait3A_40 : memref<10x128xi32, #tpu.memory_space<hbm>>) dst(%dma_wait3A_36 : memref<10x128xi32, #tpu.memory_space<vmem>>)
      tpu.yield
    }) : () -> ()
    %barrier3A = arith.constant 0 : index
    tpu.barrier barrier_id(%barrier3A)
    %scan3A = arith.constant 0 : i32
    %scan3A_4 = arith.constant 0 : i32
    %scan3A_5 = arith.constant 18 : i32
    %scan3A_6 = arith.addi %scan3A_4, %scan3A_5 : i32
    %scan3A_7 = arith.constant 1 : i32
    scf.for %scan3A_14 = %scan3A_4 to %scan3A_6 step %scan3A_7  : i32 {
      %ge3A = arith.constant 2 : i32
      %ge3A_15 = arith.cmpi sge, %scan3A_14, %ge3A : i32
      %sub3A = arith.constant 2 : i32
      %sub3A_16 = arith.subi %scan3A_14, %sub3A : i32
      %lt3A = arith.constant 16 : i32
      %lt3A_17 = arith.cmpi slt, %sub3A_16, %lt3A : i32
      %and3A = arith.andi %ge3A_15, %lt3A_17 : i1
      %convert_element_type3A = arith.extui %and3A : i1 to i32
      %cond3A = arith.constant 0 : i32
      %cond3A_18 = arith.cmpi ne, %convert_element_type3A, %cond3A : i32
      scf.if %cond3A_18 {
        %sub3A_49 = arith.constant 2 : i32
        %sub3A_50 = arith.subi %scan3A_14, %sub3A_49 : i32
        %jit3A = arith.constant 2 : i32
        %eq3A = arith.constant 0 : i32
        %eq3A_51 = arith.cmpi eq, %jit3A, %eq3A : i32
        %jit3A_52 = arith.constant 1 : i32
        %select_n3A = arith.select %eq3A_51, %jit3A_52, %jit3A : i32
        %rem3A = arith.remsi %sub3A_50, %select_n3A : i32
        %ne3A = arith.constant 0 : i32
        %ne3A_53 = arith.cmpi ne, %rem3A, %ne3A : i32
        %lt3A_54 = arith.constant 0 : i32
        %lt3A_55 = arith.cmpi slt, %rem3A, %lt3A_54 : i32
        %lt3A_56 = arith.constant 0 : i32
        %lt3A_57 = arith.cmpi slt, %select_n3A, %lt3A_56 : i32
        %ne3A_58 = arith.xori %lt3A_55, %lt3A_57 : i1
        %and3A_59 = arith.andi %ne3A_58, %ne3A_53 : i1
        %add3A_60 = arith.addi %rem3A, %select_n3A : i32
        %select_n3A_61 = arith.select %and3A_59, %add3A_60, %rem3A : i32
        %mul3A_62 = arith.constant 5 : i32
        %mul3A_63 = arith.muli %select_n3A_61, %mul3A_62 : i32
        %add3A_64 = arith.constant 0 : i32
        %add3A_65 = arith.addi %mul3A_63, %add3A_64 : i32
        %dma_wait3A = arith.constant 0 : i32
        %dma_wait3A_66 = arith.constant 0 : i32
        %dma_wait3A_67 = arith.constant 0 : i32
        %dma_wait3A_68 = tpu.memref_slice %arg8[%add3A_65, %dma_wait3A_66, %dma_wait3A_67] : memref<10x128x16xf32, #tpu.memory_space<vmem>> -> memref<1x128x16xf32, #tpu.memory_space<vmem>>
        %dma_wait3A_69 = tpu.memref_squeeze %dma_wait3A_68 : memref<1x128x16xf32, #tpu.memory_space<vmem>> -> memref<128x16xf32, #tpu.memory_space<vmem>>
        %dma_wait3A_70 = arith.constant 0 : i32
        %dma_wait3A_71 = tpu.memref_slice %arg7[%dma_wait3A, %dma_wait3A_70] : memref<20x128xi32, #tpu.memory_space<vmem>> -> memref<1x128xi32, #tpu.memory_space<vmem>>
        %dma_wait3A_72 = tpu.memref_squeeze %dma_wait3A_71 : memref<1x128xi32, #tpu.memory_space<vmem>> -> memref<128xi32, #tpu.memory_space<vmem>>
        %dma_wait3A_73 = arith.constant 0 : i32
        %dma_wait3A_74 = arith.constant 0 : i32
        %dma_wait3A_75 = tpu.memref_slice %arg9[%dma_wait3A_73, %dma_wait3A_74] : memref<10240x16xf32, #tpu.memory_space<vmem_shared>> -> memref<10240x16xf32, #tpu.memory_space<vmem_shared>>
        tpu.wait_indirect_dma semaphore(%arg11 : memref<!tpu.dma_semaphore, #tpu.memory_space<semaphore_mem>>) src(%dma_wait3A_69 : memref<128x16xf32, #tpu.memory_space<vmem>>) dst(%dma_wait3A_75 : memref<10240x16xf32, #tpu.memory_space<vmem_shared>>)
        %add3A_76 = arith.constant 1 : i32
        %add3A_77 = arith.addi %mul3A_63, %add3A_76 : i32
        %dma_wait3A_78 = arith.constant 1 : i32
        %dma_wait3A_79 = arith.constant 0 : i32
        %dma_wait3A_80 = arith.constant 0 : i32
        %dma_wait3A_81 = tpu.memref_slice %arg8[%add3A_77, %dma_wait3A_79, %dma_wait3A_80] : memref<10x128x16xf32, #tpu.memory_space<vmem>> -> memref<1x128x16xf32, #tpu.memory_space<vmem>>
        %dma_wait3A_82 = tpu.memref_squeeze %dma_wait3A_81 : memref<1x128x16xf32, #tpu.memory_space<vmem>> -> memref<128x16xf32, #tpu.memory_space<vmem>>
        %dma_wait3A_83 = arith.constant 0 : i32
        %dma_wait3A_84 = tpu.memref_slice %arg7[%dma_wait3A_78, %dma_wait3A_83] : memref<20x128xi32, #tpu.memory_space<vmem>> -> memref<1x128xi32, #tpu.memory_space<vmem>>
        %dma_wait3A_85 = tpu.memref_squeeze %dma_wait3A_84 : memref<1x128xi32, #tpu.memory_space<vmem>> -> memref<128xi32, #tpu.memory_space<vmem>>
        %dma_wait3A_86 = arith.constant 0 : i32
        %dma_wait3A_87 = arith.constant 0 : i32
        %dma_wait3A_88 = tpu.memref_slice %arg9[%dma_wait3A_86, %dma_wait3A_87] : memref<10240x16xf32, #tpu.memory_space<vmem_shared>> -> memref<10240x16xf32, #tpu.memory_space<vmem_shared>>
        tpu.wait_indirect_dma semaphore(%arg11 : memref<!tpu.dma_semaphore, #tpu.memory_space<semaphore_mem>>) src(%dma_wait3A_82 : memref<128x16xf32, #tpu.memory_space<vmem>>) dst(%dma_wait3A_88 : memref<10240x16xf32, #tpu.memory_space<vmem_shared>>)
        %add3A_89 = arith.constant 2 : i32
        %add3A_90 = arith.addi %mul3A_63, %add3A_89 : i32
        %dma_wait3A_91 = arith.constant 2 : i32
        %dma_wait3A_92 = arith.constant 0 : i32
        %dma_wait3A_93 = arith.constant 0 : i32
        %dma_wait3A_94 = tpu.memref_slice %arg8[%add3A_90, %dma_wait3A_92, %dma_wait3A_93] : memref<10x128x16xf32, #tpu.memory_space<vmem>> -> memref<1x128x16xf32, #tpu.memory_space<vmem>>
        %dma_wait3A_95 = tpu.memref_squeeze %dma_wait3A_94 : memref<1x128x16xf32, #tpu.memory_space<vmem>> -> memref<128x16xf32, #tpu.memory_space<vmem>>
        %dma_wait3A_96 = arith.constant 0 : i32
        %dma_wait3A_97 = tpu.memref_slice %arg7[%dma_wait3A_91, %dma_wait3A_96] : memref<20x128xi32, #tpu.memory_space<vmem>> -> memref<1x128xi32, #tpu.memory_space<vmem>>
        %dma_wait3A_98 = tpu.memref_squeeze %dma_wait3A_97 : memref<1x128xi32, #tpu.memory_space<vmem>> -> memref<128xi32, #tpu.memory_space<vmem>>
        %dma_wait3A_99 = arith.constant 0 : i32
        %dma_wait3A_100 = arith.constant 0 : i32
        %dma_wait3A_101 = tpu.memref_slice %arg9[%dma_wait3A_99, %dma_wait3A_100] : memref<10240x16xf32, #tpu.memory_space<vmem_shared>> -> memref<10240x16xf32, #tpu.memory_space<vmem_shared>>
        tpu.wait_indirect_dma semaphore(%arg11 : memref<!tpu.dma_semaphore, #tpu.memory_space<semaphore_mem>>) src(%dma_wait3A_95 : memref<128x16xf32, #tpu.memory_space<vmem>>) dst(%dma_wait3A_101 : memref<10240x16xf32, #tpu.memory_space<vmem_shared>>)
        %add3A_102 = arith.constant 3 : i32
        %add3A_103 = arith.addi %mul3A_63, %add3A_102 : i32
        %dma_wait3A_104 = arith.constant 3 : i32
        %dma_wait3A_105 = arith.constant 0 : i32
        %dma_wait3A_106 = arith.constant 0 : i32
        %dma_wait3A_107 = tpu.memref_slice %arg8[%add3A_103, %dma_wait3A_105, %dma_wait3A_106] : memref<10x128x16xf32, #tpu.memory_space<vmem>> -> memref<1x128x16xf32, #tpu.memory_space<vmem>>
        %dma_wait3A_108 = tpu.memref_squeeze %dma_wait3A_107 : memref<1x128x16xf32, #tpu.memory_space<vmem>> -> memref<128x16xf32, #tpu.memory_space<vmem>>
        %dma_wait3A_109 = arith.constant 0 : i32
        %dma_wait3A_110 = tpu.memref_slice %arg7[%dma_wait3A_104, %dma_wait3A_109] : memref<20x128xi32, #tpu.memory_space<vmem>> -> memref<1x128xi32, #tpu.memory_space<vmem>>
        %dma_wait3A_111 = tpu.memref_squeeze %dma_wait3A_110 : memref<1x128xi32, #tpu.memory_space<vmem>> -> memref<128xi32, #tpu.memory_space<vmem>>
        %dma_wait3A_112 = arith.constant 0 : i32
        %dma_wait3A_113 = arith.constant 0 : i32
        %dma_wait3A_114 = tpu.memref_slice %arg9[%dma_wait3A_112, %dma_wait3A_113] : memref<10240x16xf32, #tpu.memory_space<vmem_shared>> -> memref<10240x16xf32, #tpu.memory_space<vmem_shared>>
        tpu.wait_indirect_dma semaphore(%arg11 : memref<!tpu.dma_semaphore, #tpu.memory_space<semaphore_mem>>) src(%dma_wait3A_108 : memref<128x16xf32, #tpu.memory_space<vmem>>) dst(%dma_wait3A_114 : memref<10240x16xf32, #tpu.memory_space<vmem_shared>>)
        %add3A_115 = arith.constant 4 : i32
        %add3A_116 = arith.addi %mul3A_63, %add3A_115 : i32
        %dma_wait3A_117 = arith.constant 4 : i32
        %dma_wait3A_118 = arith.constant 0 : i32
        %dma_wait3A_119 = arith.constant 0 : i32
        %dma_wait3A_120 = tpu.memref_slice %arg8[%add3A_116, %dma_wait3A_118, %dma_wait3A_119] : memref<10x128x16xf32, #tpu.memory_space<vmem>> -> memref<1x128x16xf32, #tpu.memory_space<vmem>>
        %dma_wait3A_121 = tpu.memref_squeeze %dma_wait3A_120 : memref<1x128x16xf32, #tpu.memory_space<vmem>> -> memref<128x16xf32, #tpu.memory_space<vmem>>
        %dma_wait3A_122 = arith.constant 0 : i32
        %dma_wait3A_123 = tpu.memref_slice %arg7[%dma_wait3A_117, %dma_wait3A_122] : memref<20x128xi32, #tpu.memory_space<vmem>> -> memref<1x128xi32, #tpu.memory_space<vmem>>
        %dma_wait3A_124 = tpu.memref_squeeze %dma_wait3A_123 : memref<1x128xi32, #tpu.memory_space<vmem>> -> memref<128xi32, #tpu.memory_space<vmem>>
        %dma_wait3A_125 = arith.constant 0 : i32
        %dma_wait3A_126 = arith.constant 0 : i32
        %dma_wait3A_127 = tpu.memref_slice %arg9[%dma_wait3A_125, %dma_wait3A_126] : memref<10240x16xf32, #tpu.memory_space<vmem_shared>> -> memref<10240x16xf32, #tpu.memory_space<vmem_shared>>
        tpu.wait_indirect_dma semaphore(%arg11 : memref<!tpu.dma_semaphore, #tpu.memory_space<semaphore_mem>>) src(%dma_wait3A_121 : memref<128x16xf32, #tpu.memory_space<vmem>>) dst(%dma_wait3A_127 : memref<10240x16xf32, #tpu.memory_space<vmem_shared>>)
      } else {
      }
      %add3A_19 = arith.constant 2 : i32
      %add3A_20 = arith.addi %scan3A_14, %add3A_19 : i32
      %lt3A_21 = arith.constant 16 : i32
      %lt3A_22 = arith.cmpi slt, %add3A_20, %lt3A_21 : i32
      %convert_element_type3A_23 = arith.extui %lt3A_22 : i1 to i32
      %cond3A_24 = arith.constant 0 : i32
      %cond3A_25 = arith.cmpi ne, %convert_element_type3A_23, %cond3A_24 : i32
      scf.if %cond3A_25 {
        %add3A_49 = arith.constant 2 : i32
        %add3A_50 = arith.addi %scan3A_14, %add3A_49 : i32
        %jit3A = arith.constant 4 : i32
        %eq3A = arith.constant 0 : i32
        %eq3A_51 = arith.cmpi eq, %jit3A, %eq3A : i32
        %jit3A_52 = arith.constant 1 : i32
        %select_n3A = arith.select %eq3A_51, %jit3A_52, %jit3A : i32
        %rem3A = arith.remsi %add3A_50, %select_n3A : i32
        %ne3A = arith.constant 0 : i32
        %ne3A_53 = arith.cmpi ne, %rem3A, %ne3A : i32
        %lt3A_54 = arith.constant 0 : i32
        %lt3A_55 = arith.cmpi slt, %rem3A, %lt3A_54 : i32
        %lt3A_56 = arith.constant 0 : i32
        %lt3A_57 = arith.cmpi slt, %select_n3A, %lt3A_56 : i32
        %ne3A_58 = arith.xori %lt3A_55, %lt3A_57 : i1
        %and3A_59 = arith.andi %ne3A_58, %ne3A_53 : i1
        %add3A_60 = arith.addi %rem3A, %select_n3A : i32
        %select_n3A_61 = arith.select %and3A_59, %add3A_60, %rem3A : i32
        %mul3A_62 = arith.constant 5 : i32
        %mul3A_63 = arith.muli %select_n3A_61, %mul3A_62 : i32
        %mul3A_64 = arith.constant 5 : i32
        %mul3A_65 = arith.muli %add3A_50, %mul3A_64 : i32
        %mul3A_66 = arith.constant 5 : i32
        %mul3A_67 = arith.muli %add3A_50, %mul3A_66 : i32
        %dma_start3A = arith.constant 0 : i32
        %dma_start3A_68 = arith.constant 0 : i32
        %dma_start3A_69 = tpu.memref_slice %arg6[%mul3A_63, %dma_start3A_68] : memref<20x128xi32, #tpu.memory_space<vmem>> -> memref<5x128xi32, #tpu.memory_space<vmem>>
        %dma_start3A_70 = arith.constant 0 : i32
        %dma_start3A_71 = tpu.memref_slice %arg3[%dma_start3A, %add3A, %mul3A_65, %dma_start3A_70] : memref<2x32x80x128xi32, #tpu.memory_space<hbm>> -> memref<1x1x5x128xi32, #tpu.memory_space<hbm>>
        %dma_start3A_72 = tpu.memref_squeeze %dma_start3A_71 : memref<1x1x5x128xi32, #tpu.memory_space<hbm>> -> memref<5x128xi32, #tpu.memory_space<hbm>>
        %dma_start3A_73 = arith.constant 0 : i32
        %dma_start3A_74 = tpu.memref_slice %arg6[%mul3A_63, %dma_start3A_73] : memref<20x128xi32, #tpu.memory_space<vmem>> -> memref<5x128xi32, #tpu.memory_space<vmem>>
        %dma_start3A_75 = arith.constant 0 : i32
        %dma_start3A_76 = tpu.memref_slice %arg3[%dma_start3A, %add3A, %mul3A_65, %dma_start3A_75] : memref<2x32x80x128xi32, #tpu.memory_space<hbm>> -> memref<1x1x5x128xi32, #tpu.memory_space<hbm>>
        %dma_start3A_77 = tpu.memref_squeeze %dma_start3A_76 : memref<1x1x5x128xi32, #tpu.memory_space<hbm>> -> memref<5x128xi32, #tpu.memory_space<hbm>>
        tpu.enqueue_dma source(%dma_start3A_77 : memref<5x128xi32, #tpu.memory_space<hbm>>) target(%dma_start3A_74 : memref<5x128xi32, #tpu.memory_space<vmem>>) target_semaphore(%arg12 : memref<!tpu.dma_semaphore, #tpu.memory_space<semaphore_mem>>)
        %dma_start3A_78 = arith.constant 1 : i32
        %dma_start3A_79 = arith.constant 0 : i32
        %dma_start3A_80 = tpu.memref_slice %arg7[%mul3A_63, %dma_start3A_79] : memref<20x128xi32, #tpu.memory_space<vmem>> -> memref<5x128xi32, #tpu.memory_space<vmem>>
        %dma_start3A_81 = arith.constant 0 : i32
        %dma_start3A_82 = tpu.memref_slice %arg3[%dma_start3A_78, %add3A, %mul3A_67, %dma_start3A_81] : memref<2x32x80x128xi32, #tpu.memory_space<hbm>> -> memref<1x1x5x128xi32, #tpu.memory_space<hbm>>
        %dma_start3A_83 = tpu.memref_squeeze %dma_start3A_82 : memref<1x1x5x128xi32, #tpu.memory_space<hbm>> -> memref<5x128xi32, #tpu.memory_space<hbm>>
        %dma_start3A_84 = arith.constant 0 : i32
        %dma_start3A_85 = tpu.memref_slice %arg7[%mul3A_63, %dma_start3A_84] : memref<20x128xi32, #tpu.memory_space<vmem>> -> memref<5x128xi32, #tpu.memory_space<vmem>>
        %dma_start3A_86 = arith.constant 0 : i32
        %dma_start3A_87 = tpu.memref_slice %arg3[%dma_start3A_78, %add3A, %mul3A_67, %dma_start3A_86] : memref<2x32x80x128xi32, #tpu.memory_space<hbm>> -> memref<1x1x5x128xi32, #tpu.memory_space<hbm>>
        %dma_start3A_88 = tpu.memref_squeeze %dma_start3A_87 : memref<1x1x5x128xi32, #tpu.memory_space<hbm>> -> memref<5x128xi32, #tpu.memory_space<hbm>>
        tpu.enqueue_dma source(%dma_start3A_88 : memref<5x128xi32, #tpu.memory_space<hbm>>) target(%dma_start3A_85 : memref<5x128xi32, #tpu.memory_space<vmem>>) target_semaphore(%arg12 : memref<!tpu.dma_semaphore, #tpu.memory_space<semaphore_mem>>)
      } else {
      }
      %ge3A_26 = arith.constant 2 : i32
      %ge3A_27 = arith.cmpi sge, %scan3A_14, %ge3A_26 : i32
      %lt3A_28 = arith.constant 16 : i32
      %lt3A_29 = arith.cmpi slt, %scan3A_14, %lt3A_28 : i32
      %and3A_30 = arith.andi %ge3A_27, %lt3A_29 : i1
      %convert_element_type3A_31 = arith.extui %and3A_30 : i1 to i32
      %cond3A_32 = arith.constant 0 : i32
      %cond3A_33 = arith.cmpi ne, %convert_element_type3A_31, %cond3A_32 : i32
      scf.if %cond3A_33 {
        %jit3A = arith.constant 4 : i32
        %eq3A = arith.constant 0 : i32
        %eq3A_49 = arith.cmpi eq, %jit3A, %eq3A : i32
        %jit3A_50 = arith.constant 1 : i32
        %select_n3A = arith.select %eq3A_49, %jit3A_50, %jit3A : i32
        %rem3A = arith.remsi %scan3A_14, %select_n3A : i32
        %ne3A = arith.constant 0 : i32
        %ne3A_51 = arith.cmpi ne, %rem3A, %ne3A : i32
        %lt3A_52 = arith.constant 0 : i32
        %lt3A_53 = arith.cmpi slt, %rem3A, %lt3A_52 : i32
        %lt3A_54 = arith.constant 0 : i32
        %lt3A_55 = arith.cmpi slt, %select_n3A, %lt3A_54 : i32
        %ne3A_56 = arith.xori %lt3A_53, %lt3A_55 : i1
        %and3A_57 = arith.andi %ne3A_56, %ne3A_51 : i1
        %add3A_58 = arith.addi %rem3A, %select_n3A : i32
        %select_n3A_59 = arith.select %and3A_57, %add3A_58, %rem3A : i32
        %mul3A_60 = arith.constant 5 : i32
        %mul3A_61 = arith.muli %select_n3A_59, %mul3A_60 : i32
        %mul3A_62 = arith.constant 5 : i32
        %mul3A_63 = arith.muli %scan3A_14, %mul3A_62 : i32
        %mul3A_64 = arith.constant 5 : i32
        %mul3A_65 = arith.muli %scan3A_14, %mul3A_64 : i32
        %dma_wait3A = arith.constant 0 : i32
        %dma_wait3A_66 = arith.constant 0 : i32
        %dma_wait3A_67 = tpu.memref_slice %arg6[%mul3A_61, %dma_wait3A_66] : memref<20x128xi32, #tpu.memory_space<vmem>> -> memref<5x128xi32, #tpu.memory_space<vmem>>
        %dma_wait3A_68 = arith.constant 0 : i32
        %dma_wait3A_69 = tpu.memref_slice %arg3[%dma_wait3A, %add3A, %mul3A_63, %dma_wait3A_68] : memref<2x32x80x128xi32, #tpu.memory_space<hbm>> -> memref<1x1x5x128xi32, #tpu.memory_space<hbm>>
        %dma_wait3A_70 = tpu.memref_squeeze %dma_wait3A_69 : memref<1x1x5x128xi32, #tpu.memory_space<hbm>> -> memref<5x128xi32, #tpu.memory_space<hbm>>
        %dma_wait3A_71 = arith.constant 0 : i32
        %dma_wait3A_72 = tpu.memref_slice %arg6[%mul3A_61, %dma_wait3A_71] : memref<20x128xi32, #tpu.memory_space<vmem>> -> memref<5x128xi32, #tpu.memory_space<vmem>>
        %dma_wait3A_73 = arith.constant 0 : i32
        %dma_wait3A_74 = tpu.memref_slice %arg3[%dma_wait3A, %add3A, %mul3A_63, %dma_wait3A_73] : memref<2x32x80x128xi32, #tpu.memory_space<hbm>> -> memref<1x1x5x128xi32, #tpu.memory_space<hbm>>
        %dma_wait3A_75 = tpu.memref_squeeze %dma_wait3A_74 : memref<1x1x5x128xi32, #tpu.memory_space<hbm>> -> memref<5x128xi32, #tpu.memory_space<hbm>>
        tpu.wait_dma2 semaphore(%arg12 : memref<!tpu.dma_semaphore, #tpu.memory_space<semaphore_mem>>) src(%dma_wait3A_75 : memref<5x128xi32, #tpu.memory_space<hbm>>) dst(%dma_wait3A_72 : memref<5x128xi32, #tpu.memory_space<vmem>>)
        %dma_wait3A_76 = arith.constant 1 : i32
        %dma_wait3A_77 = arith.constant 0 : i32
        %dma_wait3A_78 = tpu.memref_slice %arg7[%mul3A_61, %dma_wait3A_77] : memref<20x128xi32, #tpu.memory_space<vmem>> -> memref<5x128xi32, #tpu.memory_space<vmem>>
        %dma_wait3A_79 = arith.constant 0 : i32
        %dma_wait3A_80 = tpu.memref_slice %arg3[%dma_wait3A_76, %add3A, %mul3A_65, %dma_wait3A_79] : memref<2x32x80x128xi32, #tpu.memory_space<hbm>> -> memref<1x1x5x128xi32, #tpu.memory_space<hbm>>
        %dma_wait3A_81 = tpu.memref_squeeze %dma_wait3A_80 : memref<1x1x5x128xi32, #tpu.memory_space<hbm>> -> memref<5x128xi32, #tpu.memory_space<hbm>>
        %dma_wait3A_82 = arith.constant 0 : i32
        %dma_wait3A_83 = tpu.memref_slice %arg7[%mul3A_61, %dma_wait3A_82] : memref<20x128xi32, #tpu.memory_space<vmem>> -> memref<5x128xi32, #tpu.memory_space<vmem>>
        %dma_wait3A_84 = arith.constant 0 : i32
        %dma_wait3A_85 = tpu.memref_slice %arg3[%dma_wait3A_76, %add3A, %mul3A_65, %dma_wait3A_84] : memref<2x32x80x128xi32, #tpu.memory_space<hbm>> -> memref<1x1x5x128xi32, #tpu.memory_space<hbm>>
        %dma_wait3A_86 = tpu.memref_squeeze %dma_wait3A_85 : memref<1x1x5x128xi32, #tpu.memory_space<hbm>> -> memref<5x128xi32, #tpu.memory_space<hbm>>
        tpu.wait_dma2 semaphore(%arg12 : memref<!tpu.dma_semaphore, #tpu.memory_space<semaphore_mem>>) src(%dma_wait3A_86 : memref<5x128xi32, #tpu.memory_space<hbm>>) dst(%dma_wait3A_83 : memref<5x128xi32, #tpu.memory_space<vmem>>)
      } else {
      }
      %lt3A_34 = arith.constant 16 : i32
      %lt3A_35 = arith.cmpi slt, %scan3A_14, %lt3A_34 : i32
      %convert_element_type3A_36 = arith.extui %lt3A_35 : i1 to i32
      %cond3A_37 = arith.constant 0 : i32
      %cond3A_38 = arith.cmpi ne, %convert_element_type3A_36, %cond3A_37 : i32
      scf.if %cond3A_38 {
        %jit3A = arith.constant 4 : i32
        %eq3A = arith.constant 0 : i32
        %eq3A_49 = arith.cmpi eq, %jit3A, %eq3A : i32
        %jit3A_50 = arith.constant 1 : i32
        %select_n3A = arith.select %eq3A_49, %jit3A_50, %jit3A : i32
        %rem3A = arith.remsi %scan3A_14, %select_n3A : i32
        %ne3A = arith.constant 0 : i32
        %ne3A_51 = arith.cmpi ne, %rem3A, %ne3A : i32
        %lt3A_52 = arith.constant 0 : i32
        %lt3A_53 = arith.cmpi slt, %rem3A, %lt3A_52 : i32
        %lt3A_54 = arith.constant 0 : i32
        %lt3A_55 = arith.cmpi slt, %select_n3A, %lt3A_54 : i32
        %ne3A_56 = arith.xori %lt3A_53, %lt3A_55 : i1
        %and3A_57 = arith.andi %ne3A_56, %ne3A_51 : i1
        %add3A_58 = arith.addi %rem3A, %select_n3A : i32
        %select_n3A_59 = arith.select %and3A_57, %add3A_58, %rem3A : i32
        %mul3A_60 = arith.constant 5 : i32
        %mul3A_61 = arith.muli %select_n3A_59, %mul3A_60 : i32
        %jit3A_62 = arith.constant 2 : i32
        %eq3A_63 = arith.constant 0 : i32
        %eq3A_64 = arith.cmpi eq, %jit3A_62, %eq3A_63 : i32
        %jit3A_65 = arith.constant 1 : i32
        %select_n3A_66 = arith.select %eq3A_64, %jit3A_65, %jit3A_62 : i32
        %rem3A_67 = arith.remsi %scan3A_14, %select_n3A_66 : i32
        %ne3A_68 = arith.constant 0 : i32
        %ne3A_69 = arith.cmpi ne, %rem3A_67, %ne3A_68 : i32
        %lt3A_70 = arith.constant 0 : i32
        %lt3A_71 = arith.cmpi slt, %rem3A_67, %lt3A_70 : i32
        %lt3A_72 = arith.constant 0 : i32
        %lt3A_73 = arith.cmpi slt, %select_n3A_66, %lt3A_72 : i32
        %ne3A_74 = arith.xori %lt3A_71, %lt3A_73 : i1
        %and3A_75 = arith.andi %ne3A_74, %ne3A_69 : i1
        %add3A_76 = arith.addi %rem3A_67, %select_n3A_66 : i32
        %select_n3A_77 = arith.select %and3A_75, %add3A_76, %rem3A_67 : i32
        %mul3A_78 = arith.constant 5 : i32
        %mul3A_79 = arith.muli %select_n3A_77, %mul3A_78 : i32
        %add3A_80 = arith.constant 0 : i32
        %add3A_81 = arith.addi %mul3A_61, %add3A_80 : i32
        %add3A_82 = arith.constant 0 : i32
        %add3A_83 = arith.addi %mul3A_79, %add3A_82 : i32
        %dma_start3A = arith.constant 0 : i32
        %dma_start3A_84 = arith.constant 0 : i32
        %dma_start3A_85 = tpu.memref_slice %arg8[%add3A_83, %dma_start3A, %dma_start3A_84] : memref<10x128x16xf32, #tpu.memory_space<vmem>> -> memref<1x128x16xf32, #tpu.memory_space<vmem>>
        %dma_start3A_86 = tpu.memref_squeeze %dma_start3A_85 : memref<1x128x16xf32, #tpu.memory_space<vmem>> -> memref<128x16xf32, #tpu.memory_space<vmem>>
        %dma_start3A_87 = arith.constant 0 : i32
        %dma_start3A_88 = tpu.memref_slice %arg6[%add3A_81, %dma_start3A_87] : memref<20x128xi32, #tpu.memory_space<vmem>> -> memref<1x128xi32, #tpu.memory_space<vmem>>
        %dma_start3A_89 = tpu.memref_squeeze %dma_start3A_88 : memref<1x128xi32, #tpu.memory_space<vmem>> -> memref<128xi32, #tpu.memory_space<vmem>>
        %dma_start3A_90 = arith.constant 0 : i32
        %dma_start3A_91 = arith.constant 0 : i32
        %dma_start3A_92 = tpu.memref_slice %arg2[%dma_start3A_90, %dma_start3A_91] : memref<10000x16xf32, #tpu.memory_space<hbm>> -> memref<10000x16xf32, #tpu.memory_space<hbm>>
        tpu.enqueue_indirect_dma source(%dma_start3A_92 : memref<10000x16xf32, #tpu.memory_space<hbm>>) target(%dma_start3A_86 : memref<128x16xf32, #tpu.memory_space<vmem>>) offsets(%dma_start3A_89 : memref<128xi32, #tpu.memory_space<vmem>>) semaphore(%arg10 : memref<!tpu.dma_semaphore, #tpu.memory_space<semaphore_mem>>)
        %add3A_93 = arith.constant 1 : i32
        %add3A_94 = arith.addi %mul3A_61, %add3A_93 : i32
        %add3A_95 = arith.constant 1 : i32
        %add3A_96 = arith.addi %mul3A_79, %add3A_95 : i32
        %dma_start3A_97 = arith.constant 0 : i32
        %dma_start3A_98 = arith.constant 0 : i32
        %dma_start3A_99 = tpu.memref_slice %arg8[%add3A_96, %dma_start3A_97, %dma_start3A_98] : memref<10x128x16xf32, #tpu.memory_space<vmem>> -> memref<1x128x16xf32, #tpu.memory_space<vmem>>
        %dma_start3A_100 = tpu.memref_squeeze %dma_start3A_99 : memref<1x128x16xf32, #tpu.memory_space<vmem>> -> memref<128x16xf32, #tpu.memory_space<vmem>>
        %dma_start3A_101 = arith.constant 0 : i32
        %dma_start3A_102 = tpu.memref_slice %arg6[%add3A_94, %dma_start3A_101] : memref<20x128xi32, #tpu.memory_space<vmem>> -> memref<1x128xi32, #tpu.memory_space<vmem>>
        %dma_start3A_103 = tpu.memref_squeeze %dma_start3A_102 : memref<1x128xi32, #tpu.memory_space<vmem>> -> memref<128xi32, #tpu.memory_space<vmem>>
        %dma_start3A_104 = arith.constant 0 : i32
        %dma_start3A_105 = arith.constant 0 : i32
        %dma_start3A_106 = tpu.memref_slice %arg2[%dma_start3A_104, %dma_start3A_105] : memref<10000x16xf32, #tpu.memory_space<hbm>> -> memref<10000x16xf32, #tpu.memory_space<hbm>>
        tpu.enqueue_indirect_dma source(%dma_start3A_106 : memref<10000x16xf32, #tpu.memory_space<hbm>>) target(%dma_start3A_100 : memref<128x16xf32, #tpu.memory_space<vmem>>) offsets(%dma_start3A_103 : memref<128xi32, #tpu.memory_space<vmem>>) semaphore(%arg10 : memref<!tpu.dma_semaphore, #tpu.memory_space<semaphore_mem>>)
        %add3A_107 = arith.constant 2 : i32
        %add3A_108 = arith.addi %mul3A_61, %add3A_107 : i32
        %add3A_109 = arith.constant 2 : i32
        %add3A_110 = arith.addi %mul3A_79, %add3A_109 : i32
        %dma_start3A_111 = arith.constant 0 : i32
        %dma_start3A_112 = arith.constant 0 : i32
        %dma_start3A_113 = tpu.memref_slice %arg8[%add3A_110, %dma_start3A_111, %dma_start3A_112] : memref<10x128x16xf32, #tpu.memory_space<vmem>> -> memref<1x128x16xf32, #tpu.memory_space<vmem>>
        %dma_start3A_114 = tpu.memref_squeeze %dma_start3A_113 : memref<1x128x16xf32, #tpu.memory_space<vmem>> -> memref<128x16xf32, #tpu.memory_space<vmem>>
        %dma_start3A_115 = arith.constant 0 : i32
        %dma_start3A_116 = tpu.memref_slice %arg6[%add3A_108, %dma_start3A_115] : memref<20x128xi32, #tpu.memory_space<vmem>> -> memref<1x128xi32, #tpu.memory_space<vmem>>
        %dma_start3A_117 = tpu.memref_squeeze %dma_start3A_116 : memref<1x128xi32, #tpu.memory_space<vmem>> -> memref<128xi32, #tpu.memory_space<vmem>>
        %dma_start3A_118 = arith.constant 0 : i32
        %dma_start3A_119 = arith.constant 0 : i32
        %dma_start3A_120 = tpu.memref_slice %arg2[%dma_start3A_118, %dma_start3A_119] : memref<10000x16xf32, #tpu.memory_space<hbm>> -> memref<10000x16xf32, #tpu.memory_space<hbm>>
        tpu.enqueue_indirect_dma source(%dma_start3A_120 : memref<10000x16xf32, #tpu.memory_space<hbm>>) target(%dma_start3A_114 : memref<128x16xf32, #tpu.memory_space<vmem>>) offsets(%dma_start3A_117 : memref<128xi32, #tpu.memory_space<vmem>>) semaphore(%arg10 : memref<!tpu.dma_semaphore, #tpu.memory_space<semaphore_mem>>)
        %add3A_121 = arith.constant 3 : i32
        %add3A_122 = arith.addi %mul3A_61, %add3A_121 : i32
        %add3A_123 = arith.constant 3 : i32
        %add3A_124 = arith.addi %mul3A_79, %add3A_123 : i32
        %dma_start3A_125 = arith.constant 0 : i32
        %dma_start3A_126 = arith.constant 0 : i32
        %dma_start3A_127 = tpu.memref_slice %arg8[%add3A_124, %dma_start3A_125, %dma_start3A_126] : memref<10x128x16xf32, #tpu.memory_space<vmem>> -> memref<1x128x16xf32, #tpu.memory_space<vmem>>
        %dma_start3A_128 = tpu.memref_squeeze %dma_start3A_127 : memref<1x128x16xf32, #tpu.memory_space<vmem>> -> memref<128x16xf32, #tpu.memory_space<vmem>>
        %dma_start3A_129 = arith.constant 0 : i32
        %dma_start3A_130 = tpu.memref_slice %arg6[%add3A_122, %dma_start3A_129] : memref<20x128xi32, #tpu.memory_space<vmem>> -> memref<1x128xi32, #tpu.memory_space<vmem>>
        %dma_start3A_131 = tpu.memref_squeeze %dma_start3A_130 : memref<1x128xi32, #tpu.memory_space<vmem>> -> memref<128xi32, #tpu.memory_space<vmem>>
        %dma_start3A_132 = arith.constant 0 : i32
        %dma_start3A_133 = arith.constant 0 : i32
        %dma_start3A_134 = tpu.memref_slice %arg2[%dma_start3A_132, %dma_start3A_133] : memref<10000x16xf32, #tpu.memory_space<hbm>> -> memref<10000x16xf32, #tpu.memory_space<hbm>>
        tpu.enqueue_indirect_dma source(%dma_start3A_134 : memref<10000x16xf32, #tpu.memory_space<hbm>>) target(%dma_start3A_128 : memref<128x16xf32, #tpu.memory_space<vmem>>) offsets(%dma_start3A_131 : memref<128xi32, #tpu.memory_space<vmem>>) semaphore(%arg10 : memref<!tpu.dma_semaphore, #tpu.memory_space<semaphore_mem>>)
        %add3A_135 = arith.constant 4 : i32
        %add3A_136 = arith.addi %mul3A_61, %add3A_135 : i32
        %add3A_137 = arith.constant 4 : i32
        %add3A_138 = arith.addi %mul3A_79, %add3A_137 : i32
        %dma_start3A_139 = arith.constant 0 : i32
        %dma_start3A_140 = arith.constant 0 : i32
        %dma_start3A_141 = tpu.memref_slice %arg8[%add3A_138, %dma_start3A_139, %dma_start3A_140] : memref<10x128x16xf32, #tpu.memory_space<vmem>> -> memref<1x128x16xf32, #tpu.memory_space<vmem>>
        %dma_start3A_142 = tpu.memref_squeeze %dma_start3A_141 : memref<1x128x16xf32, #tpu.memory_space<vmem>> -> memref<128x16xf32, #tpu.memory_space<vmem>>
        %dma_start3A_143 = arith.constant 0 : i32
        %dma_start3A_144 = tpu.memref_slice %arg6[%add3A_136, %dma_start3A_143] : memref<20x128xi32, #tpu.memory_space<vmem>> -> memref<1x128xi32, #tpu.memory_space<vmem>>
        %dma_start3A_145 = tpu.memref_squeeze %dma_start3A_144 : memref<1x128xi32, #tpu.memory_space<vmem>> -> memref<128xi32, #tpu.memory_space<vmem>>
        %dma_start3A_146 = arith.constant 0 : i32
        %dma_start3A_147 = arith.constant 0 : i32
        %dma_start3A_148 = tpu.memref_slice %arg2[%dma_start3A_146, %dma_start3A_147] : memref<10000x16xf32, #tpu.memory_space<hbm>> -> memref<10000x16xf32, #tpu.memory_space<hbm>>
        tpu.enqueue_indirect_dma source(%dma_start3A_148 : memref<10000x16xf32, #tpu.memory_space<hbm>>) target(%dma_start3A_142 : memref<128x16xf32, #tpu.memory_space<vmem>>) offsets(%dma_start3A_145 : memref<128xi32, #tpu.memory_space<vmem>>) semaphore(%arg10 : memref<!tpu.dma_semaphore, #tpu.memory_space<semaphore_mem>>)
      } else {
      }
      %ge3A_39 = arith.constant 1 : i32
      %ge3A_40 = arith.cmpi sge, %scan3A_14, %ge3A_39 : i32
      %sub3A_41 = arith.constant 1 : i32
      %sub3A_42 = arith.subi %scan3A_14, %sub3A_41 : i32
      %lt3A_43 = arith.constant 16 : i32
      %lt3A_44 = arith.cmpi slt, %sub3A_42, %lt3A_43 : i32
      %and3A_45 = arith.andi %ge3A_40, %lt3A_44 : i1
      %convert_element_type3A_46 = arith.extui %and3A_45 : i1 to i32
      %cond3A_47 = arith.constant 0 : i32
      %cond3A_48 = arith.cmpi ne, %convert_element_type3A_46, %cond3A_47 : i32
      scf.if %cond3A_48 {
        %sub3A_49 = arith.constant 1 : i32
        %sub3A_50 = arith.subi %scan3A_14, %sub3A_49 : i32
        %jit3A = arith.constant 4 : i32
        %eq3A = arith.constant 0 : i32
        %eq3A_51 = arith.cmpi eq, %jit3A, %eq3A : i32
        %jit3A_52 = arith.constant 1 : i32
        %select_n3A = arith.select %eq3A_51, %jit3A_52, %jit3A : i32
        %rem3A = arith.remsi %sub3A_50, %select_n3A : i32
        %ne3A = arith.constant 0 : i32
        %ne3A_53 = arith.cmpi ne, %rem3A, %ne3A : i32
        %lt3A_54 = arith.constant 0 : i32
        %lt3A_55 = arith.cmpi slt, %rem3A, %lt3A_54 : i32
        %lt3A_56 = arith.constant 0 : i32
        %lt3A_57 = arith.cmpi slt, %select_n3A, %lt3A_56 : i32
        %ne3A_58 = arith.xori %lt3A_55, %lt3A_57 : i1
        %and3A_59 = arith.andi %ne3A_58, %ne3A_53 : i1
        %add3A_60 = arith.addi %rem3A, %select_n3A : i32
        %select_n3A_61 = arith.select %and3A_59, %add3A_60, %rem3A : i32
        %mul3A_62 = arith.constant 5 : i32
        %mul3A_63 = arith.muli %select_n3A_61, %mul3A_62 : i32
        %jit3A_64 = arith.constant 2 : i32
        %eq3A_65 = arith.constant 0 : i32
        %eq3A_66 = arith.cmpi eq, %jit3A_64, %eq3A_65 : i32
        %jit3A_67 = arith.constant 1 : i32
        %select_n3A_68 = arith.select %eq3A_66, %jit3A_67, %jit3A_64 : i32
        %rem3A_69 = arith.remsi %sub3A_50, %select_n3A_68 : i32
        %ne3A_70 = arith.constant 0 : i32
        %ne3A_71 = arith.cmpi ne, %rem3A_69, %ne3A_70 : i32
        %lt3A_72 = arith.constant 0 : i32
        %lt3A_73 = arith.cmpi slt, %rem3A_69, %lt3A_72 : i32
        %lt3A_74 = arith.constant 0 : i32
        %lt3A_75 = arith.cmpi slt, %select_n3A_68, %lt3A_74 : i32
        %ne3A_76 = arith.xori %lt3A_73, %lt3A_75 : i1
        %and3A_77 = arith.andi %ne3A_76, %ne3A_71 : i1
        %add3A_78 = arith.addi %rem3A_69, %select_n3A_68 : i32
        %select_n3A_79 = arith.select %and3A_77, %add3A_78, %rem3A_69 : i32
        %mul3A_80 = arith.constant 5 : i32
        %mul3A_81 = arith.muli %select_n3A_79, %mul3A_80 : i32
        %add3A_82 = arith.constant 0 : i32
        %add3A_83 = arith.addi %mul3A_63, %add3A_82 : i32
        %add3A_84 = arith.constant 0 : i32
        %add3A_85 = arith.addi %mul3A_81, %add3A_84 : i32
        %dma_wait3A = arith.constant 0 : i32
        %dma_wait3A_86 = arith.constant 0 : i32
        %dma_wait3A_87 = tpu.memref_slice %arg8[%add3A_85, %dma_wait3A, %dma_wait3A_86] : memref<10x128x16xf32, #tpu.memory_space<vmem>> -> memref<1x128x16xf32, #tpu.memory_space<vmem>>
        %dma_wait3A_88 = tpu.memref_squeeze %dma_wait3A_87 : memref<1x128x16xf32, #tpu.memory_space<vmem>> -> memref<128x16xf32, #tpu.memory_space<vmem>>
        %dma_wait3A_89 = arith.constant 0 : i32
        %dma_wait3A_90 = tpu.memref_slice %arg6[%add3A_83, %dma_wait3A_89] : memref<20x128xi32, #tpu.memory_space<vmem>> -> memref<1x128xi32, #tpu.memory_space<vmem>>
        %dma_wait3A_91 = tpu.memref_squeeze %dma_wait3A_90 : memref<1x128xi32, #tpu.memory_space<vmem>> -> memref<128xi32, #tpu.memory_space<vmem>>
        %dma_wait3A_92 = arith.constant 0 : i32
        %dma_wait3A_93 = arith.constant 0 : i32
        %dma_wait3A_94 = tpu.memref_slice %arg2[%dma_wait3A_92, %dma_wait3A_93] : memref<10000x16xf32, #tpu.memory_space<hbm>> -> memref<10000x16xf32, #tpu.memory_space<hbm>>
        tpu.wait_indirect_dma semaphore(%arg10 : memref<!tpu.dma_semaphore, #tpu.memory_space<semaphore_mem>>) src(%dma_wait3A_94 : memref<10000x16xf32, #tpu.memory_space<hbm>>) dst(%dma_wait3A_88 : memref<128x16xf32, #tpu.memory_space<vmem>>)
        %add3A_95 = arith.constant 1 : i32
        %add3A_96 = arith.addi %mul3A_63, %add3A_95 : i32
        %add3A_97 = arith.constant 1 : i32
        %add3A_98 = arith.addi %mul3A_81, %add3A_97 : i32
        %dma_wait3A_99 = arith.constant 0 : i32
        %dma_wait3A_100 = arith.constant 0 : i32
        %dma_wait3A_101 = tpu.memref_slice %arg8[%add3A_98, %dma_wait3A_99, %dma_wait3A_100] : memref<10x128x16xf32, #tpu.memory_space<vmem>> -> memref<1x128x16xf32, #tpu.memory_space<vmem>>
        %dma_wait3A_102 = tpu.memref_squeeze %dma_wait3A_101 : memref<1x128x16xf32, #tpu.memory_space<vmem>> -> memref<128x16xf32, #tpu.memory_space<vmem>>
        %dma_wait3A_103 = arith.constant 0 : i32
        %dma_wait3A_104 = tpu.memref_slice %arg6[%add3A_96, %dma_wait3A_103] : memref<20x128xi32, #tpu.memory_space<vmem>> -> memref<1x128xi32, #tpu.memory_space<vmem>>
        %dma_wait3A_105 = tpu.memref_squeeze %dma_wait3A_104 : memref<1x128xi32, #tpu.memory_space<vmem>> -> memref<128xi32, #tpu.memory_space<vmem>>
        %dma_wait3A_106 = arith.constant 0 : i32
        %dma_wait3A_107 = arith.constant 0 : i32
        %dma_wait3A_108 = tpu.memref_slice %arg2[%dma_wait3A_106, %dma_wait3A_107] : memref<10000x16xf32, #tpu.memory_space<hbm>> -> memref<10000x16xf32, #tpu.memory_space<hbm>>
        tpu.wait_indirect_dma semaphore(%arg10 : memref<!tpu.dma_semaphore, #tpu.memory_space<semaphore_mem>>) src(%dma_wait3A_108 : memref<10000x16xf32, #tpu.memory_space<hbm>>) dst(%dma_wait3A_102 : memref<128x16xf32, #tpu.memory_space<vmem>>)
        %add3A_109 = arith.constant 2 : i32
        %add3A_110 = arith.addi %mul3A_63, %add3A_109 : i32
        %add3A_111 = arith.constant 2 : i32
        %add3A_112 = arith.addi %mul3A_81, %add3A_111 : i32
        %dma_wait3A_113 = arith.constant 0 : i32
        %dma_wait3A_114 = arith.constant 0 : i32
        %dma_wait3A_115 = tpu.memref_slice %arg8[%add3A_112, %dma_wait3A_113, %dma_wait3A_114] : memref<10x128x16xf32, #tpu.memory_space<vmem>> -> memref<1x128x16xf32, #tpu.memory_space<vmem>>
        %dma_wait3A_116 = tpu.memref_squeeze %dma_wait3A_115 : memref<1x128x16xf32, #tpu.memory_space<vmem>> -> memref<128x16xf32, #tpu.memory_space<vmem>>
        %dma_wait3A_117 = arith.constant 0 : i32
        %dma_wait3A_118 = tpu.memref_slice %arg6[%add3A_110, %dma_wait3A_117] : memref<20x128xi32, #tpu.memory_space<vmem>> -> memref<1x128xi32, #tpu.memory_space<vmem>>
        %dma_wait3A_119 = tpu.memref_squeeze %dma_wait3A_118 : memref<1x128xi32, #tpu.memory_space<vmem>> -> memref<128xi32, #tpu.memory_space<vmem>>
        %dma_wait3A_120 = arith.constant 0 : i32
        %dma_wait3A_121 = arith.constant 0 : i32
        %dma_wait3A_122 = tpu.memref_slice %arg2[%dma_wait3A_120, %dma_wait3A_121] : memref<10000x16xf32, #tpu.memory_space<hbm>> -> memref<10000x16xf32, #tpu.memory_space<hbm>>
        tpu.wait_indirect_dma semaphore(%arg10 : memref<!tpu.dma_semaphore, #tpu.memory_space<semaphore_mem>>) src(%dma_wait3A_122 : memref<10000x16xf32, #tpu.memory_space<hbm>>) dst(%dma_wait3A_116 : memref<128x16xf32, #tpu.memory_space<vmem>>)
        %add3A_123 = arith.constant 3 : i32
        %add3A_124 = arith.addi %mul3A_63, %add3A_123 : i32
        %add3A_125 = arith.constant 3 : i32
        %add3A_126 = arith.addi %mul3A_81, %add3A_125 : i32
        %dma_wait3A_127 = arith.constant 0 : i32
        %dma_wait3A_128 = arith.constant 0 : i32
        %dma_wait3A_129 = tpu.memref_slice %arg8[%add3A_126, %dma_wait3A_127, %dma_wait3A_128] : memref<10x128x16xf32, #tpu.memory_space<vmem>> -> memref<1x128x16xf32, #tpu.memory_space<vmem>>
        %dma_wait3A_130 = tpu.memref_squeeze %dma_wait3A_129 : memref<1x128x16xf32, #tpu.memory_space<vmem>> -> memref<128x16xf32, #tpu.memory_space<vmem>>
        %dma_wait3A_131 = arith.constant 0 : i32
        %dma_wait3A_132 = tpu.memref_slice %arg6[%add3A_124, %dma_wait3A_131] : memref<20x128xi32, #tpu.memory_space<vmem>> -> memref<1x128xi32, #tpu.memory_space<vmem>>
        %dma_wait3A_133 = tpu.memref_squeeze %dma_wait3A_132 : memref<1x128xi32, #tpu.memory_space<vmem>> -> memref<128xi32, #tpu.memory_space<vmem>>
        %dma_wait3A_134 = arith.constant 0 : i32
        %dma_wait3A_135 = arith.constant 0 : i32
        %dma_wait3A_136 = tpu.memref_slice %arg2[%dma_wait3A_134, %dma_wait3A_135] : memref<10000x16xf32, #tpu.memory_space<hbm>> -> memref<10000x16xf32, #tpu.memory_space<hbm>>
        tpu.wait_indirect_dma semaphore(%arg10 : memref<!tpu.dma_semaphore, #tpu.memory_space<semaphore_mem>>) src(%dma_wait3A_136 : memref<10000x16xf32, #tpu.memory_space<hbm>>) dst(%dma_wait3A_130 : memref<128x16xf32, #tpu.memory_space<vmem>>)
        %add3A_137 = arith.constant 4 : i32
        %add3A_138 = arith.addi %mul3A_63, %add3A_137 : i32
        %add3A_139 = arith.constant 4 : i32
        %add3A_140 = arith.addi %mul3A_81, %add3A_139 : i32
        %dma_wait3A_141 = arith.constant 0 : i32
        %dma_wait3A_142 = arith.constant 0 : i32
        %dma_wait3A_143 = tpu.memref_slice %arg8[%add3A_140, %dma_wait3A_141, %dma_wait3A_142] : memref<10x128x16xf32, #tpu.memory_space<vmem>> -> memref<1x128x16xf32, #tpu.memory_space<vmem>>
        %dma_wait3A_144 = tpu.memref_squeeze %dma_wait3A_143 : memref<1x128x16xf32, #tpu.memory_space<vmem>> -> memref<128x16xf32, #tpu.memory_space<vmem>>
        %dma_wait3A_145 = arith.constant 0 : i32
        %dma_wait3A_146 = tpu.memref_slice %arg6[%add3A_138, %dma_wait3A_145] : memref<20x128xi32, #tpu.memory_space<vmem>> -> memref<1x128xi32, #tpu.memory_space<vmem>>
        %dma_wait3A_147 = tpu.memref_squeeze %dma_wait3A_146 : memref<1x128xi32, #tpu.memory_space<vmem>> -> memref<128xi32, #tpu.memory_space<vmem>>
        %dma_wait3A_148 = arith.constant 0 : i32
        %dma_wait3A_149 = arith.constant 0 : i32
        %dma_wait3A_150 = tpu.memref_slice %arg2[%dma_wait3A_148, %dma_wait3A_149] : memref<10000x16xf32, #tpu.memory_space<hbm>> -> memref<10000x16xf32, #tpu.memory_space<hbm>>
        tpu.wait_indirect_dma semaphore(%arg10 : memref<!tpu.dma_semaphore, #tpu.memory_space<semaphore_mem>>) src(%dma_wait3A_150 : memref<10000x16xf32, #tpu.memory_space<hbm>>) dst(%dma_wait3A_144 : memref<128x16xf32, #tpu.memory_space<vmem>>)
        %add3A_151 = arith.constant 0 : i32
        %add3A_152 = arith.addi %mul3A_81, %add3A_151 : i32
        %add3A_153 = arith.constant 0 : i32
        %add3A_154 = arith.addi %mul3A_63, %add3A_153 : i32
        %dma_start3A = arith.constant 0 : i32
        %dma_start3A_155 = arith.constant 0 : i32
        %dma_start3A_156 = tpu.memref_slice %arg8[%add3A_152, %dma_start3A, %dma_start3A_155] : memref<10x128x16xf32, #tpu.memory_space<vmem>> -> memref<1x128x16xf32, #tpu.memory_space<vmem>>
        %dma_start3A_157 = tpu.memref_squeeze %dma_start3A_156 : memref<1x128x16xf32, #tpu.memory_space<vmem>> -> memref<128x16xf32, #tpu.memory_space<vmem>>
        %dma_start3A_158 = arith.constant 0 : i32
        %dma_start3A_159 = tpu.memref_slice %arg7[%add3A_154, %dma_start3A_158] : memref<20x128xi32, #tpu.memory_space<vmem>> -> memref<1x128xi32, #tpu.memory_space<vmem>>
        %dma_start3A_160 = tpu.memref_squeeze %dma_start3A_159 : memref<1x128xi32, #tpu.memory_space<vmem>> -> memref<128xi32, #tpu.memory_space<vmem>>
        %dma_start3A_161 = arith.constant 0 : i32
        %dma_start3A_162 = arith.constant 0 : i32
        %dma_start3A_163 = tpu.memref_slice %arg9[%dma_start3A_161, %dma_start3A_162] : memref<10240x16xf32, #tpu.memory_space<vmem_shared>> -> memref<10240x16xf32, #tpu.memory_space<vmem_shared>>
        tpu.enqueue_indirect_dma source(%dma_start3A_157 : memref<128x16xf32, #tpu.memory_space<vmem>>) target(%dma_start3A_163 : memref<10240x16xf32, #tpu.memory_space<vmem_shared>>) offsets(%dma_start3A_160 : memref<128xi32, #tpu.memory_space<vmem>>) semaphore(%arg11 : memref<!tpu.dma_semaphore, #tpu.memory_space<semaphore_mem>>) {add = true}
        %add3A_164 = arith.constant 1 : i32
        %add3A_165 = arith.addi %mul3A_81, %add3A_164 : i32
        %add3A_166 = arith.constant 1 : i32
        %add3A_167 = arith.addi %mul3A_63, %add3A_166 : i32
        %dma_start3A_168 = arith.constant 0 : i32
        %dma_start3A_169 = arith.constant 0 : i32
        %dma_start3A_170 = tpu.memref_slice %arg8[%add3A_165, %dma_start3A_168, %dma_start3A_169] : memref<10x128x16xf32, #tpu.memory_space<vmem>> -> memref<1x128x16xf32, #tpu.memory_space<vmem>>
        %dma_start3A_171 = tpu.memref_squeeze %dma_start3A_170 : memref<1x128x16xf32, #tpu.memory_space<vmem>> -> memref<128x16xf32, #tpu.memory_space<vmem>>
        %dma_start3A_172 = arith.constant 0 : i32
        %dma_start3A_173 = tpu.memref_slice %arg7[%add3A_167, %dma_start3A_172] : memref<20x128xi32, #tpu.memory_space<vmem>> -> memref<1x128xi32, #tpu.memory_space<vmem>>
        %dma_start3A_174 = tpu.memref_squeeze %dma_start3A_173 : memref<1x128xi32, #tpu.memory_space<vmem>> -> memref<128xi32, #tpu.memory_space<vmem>>
        %dma_start3A_175 = arith.constant 0 : i32
        %dma_start3A_176 = arith.constant 0 : i32
        %dma_start3A_177 = tpu.memref_slice %arg9[%dma_start3A_175, %dma_start3A_176] : memref<10240x16xf32, #tpu.memory_space<vmem_shared>> -> memref<10240x16xf32, #tpu.memory_space<vmem_shared>>
        tpu.enqueue_indirect_dma source(%dma_start3A_171 : memref<128x16xf32, #tpu.memory_space<vmem>>) target(%dma_start3A_177 : memref<10240x16xf32, #tpu.memory_space<vmem_shared>>) offsets(%dma_start3A_174 : memref<128xi32, #tpu.memory_space<vmem>>) semaphore(%arg11 : memref<!tpu.dma_semaphore, #tpu.memory_space<semaphore_mem>>) {add = true}
        %add3A_178 = arith.constant 2 : i32
        %add3A_179 = arith.addi %mul3A_81, %add3A_178 : i32
        %add3A_180 = arith.constant 2 : i32
        %add3A_181 = arith.addi %mul3A_63, %add3A_180 : i32
        %dma_start3A_182 = arith.constant 0 : i32
        %dma_start3A_183 = arith.constant 0 : i32
        %dma_start3A_184 = tpu.memref_slice %arg8[%add3A_179, %dma_start3A_182, %dma_start3A_183] : memref<10x128x16xf32, #tpu.memory_space<vmem>> -> memref<1x128x16xf32, #tpu.memory_space<vmem>>
        %dma_start3A_185 = tpu.memref_squeeze %dma_start3A_184 : memref<1x128x16xf32, #tpu.memory_space<vmem>> -> memref<128x16xf32, #tpu.memory_space<vmem>>
        %dma_start3A_186 = arith.constant 0 : i32
        %dma_start3A_187 = tpu.memref_slice %arg7[%add3A_181, %dma_start3A_186] : memref<20x128xi32, #tpu.memory_space<vmem>> -> memref<1x128xi32, #tpu.memory_space<vmem>>
        %dma_start3A_188 = tpu.memref_squeeze %dma_start3A_187 : memref<1x128xi32, #tpu.memory_space<vmem>> -> memref<128xi32, #tpu.memory_space<vmem>>
        %dma_start3A_189 = arith.constant 0 : i32
        %dma_start3A_190 = arith.constant 0 : i32
        %dma_start3A_191 = tpu.memref_slice %arg9[%dma_start3A_189, %dma_start3A_190] : memref<10240x16xf32, #tpu.memory_space<vmem_shared>> -> memref<10240x16xf32, #tpu.memory_space<vmem_shared>>
        tpu.enqueue_indirect_dma source(%dma_start3A_185 : memref<128x16xf32, #tpu.memory_space<vmem>>) target(%dma_start3A_191 : memref<10240x16xf32, #tpu.memory_space<vmem_shared>>) offsets(%dma_start3A_188 : memref<128xi32, #tpu.memory_space<vmem>>) semaphore(%arg11 : memref<!tpu.dma_semaphore, #tpu.memory_space<semaphore_mem>>) {add = true}
        %add3A_192 = arith.constant 3 : i32
        %add3A_193 = arith.addi %mul3A_81, %add3A_192 : i32
        %add3A_194 = arith.constant 3 : i32
        %add3A_195 = arith.addi %mul3A_63, %add3A_194 : i32
        %dma_start3A_196 = arith.constant 0 : i32
        %dma_start3A_197 = arith.constant 0 : i32
        %dma_start3A_198 = tpu.memref_slice %arg8[%add3A_193, %dma_start3A_196, %dma_start3A_197] : memref<10x128x16xf32, #tpu.memory_space<vmem>> -> memref<1x128x16xf32, #tpu.memory_space<vmem>>
        %dma_start3A_199 = tpu.memref_squeeze %dma_start3A_198 : memref<1x128x16xf32, #tpu.memory_space<vmem>> -> memref<128x16xf32, #tpu.memory_space<vmem>>
        %dma_start3A_200 = arith.constant 0 : i32
        %dma_start3A_201 = tpu.memref_slice %arg7[%add3A_195, %dma_start3A_200] : memref<20x128xi32, #tpu.memory_space<vmem>> -> memref<1x128xi32, #tpu.memory_space<vmem>>
        %dma_start3A_202 = tpu.memref_squeeze %dma_start3A_201 : memref<1x128xi32, #tpu.memory_space<vmem>> -> memref<128xi32, #tpu.memory_space<vmem>>
        %dma_start3A_203 = arith.constant 0 : i32
        %dma_start3A_204 = arith.constant 0 : i32
        %dma_start3A_205 = tpu.memref_slice %arg9[%dma_start3A_203, %dma_start3A_204] : memref<10240x16xf32, #tpu.memory_space<vmem_shared>> -> memref<10240x16xf32, #tpu.memory_space<vmem_shared>>
        tpu.enqueue_indirect_dma source(%dma_start3A_199 : memref<128x16xf32, #tpu.memory_space<vmem>>) target(%dma_start3A_205 : memref<10240x16xf32, #tpu.memory_space<vmem_shared>>) offsets(%dma_start3A_202 : memref<128xi32, #tpu.memory_space<vmem>>) semaphore(%arg11 : memref<!tpu.dma_semaphore, #tpu.memory_space<semaphore_mem>>) {add = true}
        %add3A_206 = arith.constant 4 : i32
        %add3A_207 = arith.addi %mul3A_81, %add3A_206 : i32
        %add3A_208 = arith.constant 4 : i32
        %add3A_209 = arith.addi %mul3A_63, %add3A_208 : i32
        %dma_start3A_210 = arith.constant 0 : i32
        %dma_start3A_211 = arith.constant 0 : i32
        %dma_start3A_212 = tpu.memref_slice %arg8[%add3A_207, %dma_start3A_210, %dma_start3A_211] : memref<10x128x16xf32, #tpu.memory_space<vmem>> -> memref<1x128x16xf32, #tpu.memory_space<vmem>>
        %dma_start3A_213 = tpu.memref_squeeze %dma_start3A_212 : memref<1x128x16xf32, #tpu.memory_space<vmem>> -> memref<128x16xf32, #tpu.memory_space<vmem>>
        %dma_start3A_214 = arith.constant 0 : i32
        %dma_start3A_215 = tpu.memref_slice %arg7[%add3A_209, %dma_start3A_214] : memref<20x128xi32, #tpu.memory_space<vmem>> -> memref<1x128xi32, #tpu.memory_space<vmem>>
        %dma_start3A_216 = tpu.memref_squeeze %dma_start3A_215 : memref<1x128xi32, #tpu.memory_space<vmem>> -> memref<128xi32, #tpu.memory_space<vmem>>
        %dma_start3A_217 = arith.constant 0 : i32
        %dma_start3A_218 = arith.constant 0 : i32
        %dma_start3A_219 = tpu.memref_slice %arg9[%dma_start3A_217, %dma_start3A_218] : memref<10240x16xf32, #tpu.memory_space<vmem_shared>> -> memref<10240x16xf32, #tpu.memory_space<vmem_shared>>
        tpu.enqueue_indirect_dma source(%dma_start3A_213 : memref<128x16xf32, #tpu.memory_space<vmem>>) target(%dma_start3A_219 : memref<10240x16xf32, #tpu.memory_space<vmem_shared>>) offsets(%dma_start3A_216 : memref<128xi32, #tpu.memory_space<vmem>>) semaphore(%arg11 : memref<!tpu.dma_semaphore, #tpu.memory_space<semaphore_mem>>) {add = true}
      } else {
      }
    }
    %scan3A_8 = arith.constant 18 : i32
    %barrier3A_9 = arith.constant 0 : index
    tpu.barrier barrier_id(%barrier3A_9)
    %mul3A_10 = arith.constant 640 : i32
    %mul3A_11 = arith.muli %arg1, %mul3A_10 : i32
    %mul3A_12 = arith.constant 640 : i32
    %mul3A_13 = arith.muli %arg1, %mul3A_12 : i32
    "tpu.region"() ({
      %run_scoped3A_14 = tpu.sem_alloc : memref<!tpu.dma_semaphore, #tpu.memory_space<semaphore_mem>>
      %dma_start3A = arith.constant 0 : i32
      %dma_start3A_15 = tpu.memref_slice %arg5[%arg0, %mul3A_13, %dma_start3A] : memref<2x10240x16xf32, #tpu.memory_space<hbm>> -> memref<1x640x16xf32, #tpu.memory_space<hbm>>
      %dma_start3A_16 = tpu.memref_squeeze %dma_start3A_15 : memref<1x640x16xf32, #tpu.memory_space<hbm>> -> memref<640x16xf32, #tpu.memory_space<hbm>>
      %dma_start3A_17 = arith.constant 0 : i32
      %dma_start3A_18 = tpu.memref_slice %arg9[%mul3A_11, %dma_start3A_17] : memref<10240x16xf32, #tpu.memory_space<vmem_shared>> -> memref<640x16xf32, #tpu.memory_space<vmem_shared>>
      tpu.enqueue_dma source(%dma_start3A_18 : memref<640x16xf32, #tpu.memory_space<vmem_shared>>) target(%dma_start3A_16 : memref<640x16xf32, #tpu.memory_space<hbm>>) target_semaphore(%run_scoped3A_14 : memref<!tpu.dma_semaphore, #tpu.memory_space<semaphore_mem>>)
      %dma_wait3A = arith.constant 0 : i32
      %dma_wait3A_19 = tpu.memref_slice %arg5[%arg0, %mul3A_13, %dma_wait3A] : memref<2x10240x16xf32, #tpu.memory_space<hbm>> -> memref<1x640x16xf32, #tpu.memory_space<hbm>>
      %dma_wait3A_20 = tpu.memref_squeeze %dma_wait3A_19 : memref<1x640x16xf32, #tpu.memory_space<hbm>> -> memref<640x16xf32, #tpu.memory_space<hbm>>
      %dma_wait3A_21 = arith.constant 0 : i32
      %dma_wait3A_22 = tpu.memref_slice %arg9[%mul3A_11, %dma_wait3A_21] : memref<10240x16xf32, #tpu.memory_space<vmem_shared>> -> memref<640x16xf32, #tpu.memory_space<vmem_shared>>
      tpu.wait_dma2 semaphore(%run_scoped3A_14 : memref<!tpu.dma_semaphore, #tpu.memory_space<semaphore_mem>>) src(%dma_wait3A_22 : memref<640x16xf32, #tpu.memory_space<vmem_shared>>) dst(%dma_wait3A_20 : memref<640x16xf32, #tpu.memory_space<hbm>>)
      tpu.yield
    }) : () -> ()
    return
  }
}

#map = affine_map<(d0, d1) -> (0, 0)>
#map1 = affine_map<(d0, d1) -> (0, 0, 0, 0)>
#map2 = affine_map<(d0, d1) -> (0, 0, 0)>
module attributes {stable_mosaic.version = 14 : i64} {
  func.func @k(%arg0: i32, %arg1: i32, %arg2: memref<10000x64xf32, #tpu.memory_space<hbm>>, %arg3: memref<2x32x80x128xi32, #tpu.memory_space<hbm>>, %arg4: memref<640x64xf32, #tpu.memory_space<hbm>>, %arg5: memref<2x10240x64xf32, #tpu.memory_space<hbm>>, %arg6: memref<20x128xi32, #tpu.memory_space<vmem>>, %arg7: memref<20x128xi32, #tpu.memory_space<vmem>>, %arg8: memref<10x128x64xf32, #tpu.memory_space<vmem>>, %arg9: memref<10240x64xf32, #tpu.memory_space<vmem_shared>>, %arg10: memref<!tpu.dma_semaphore, #tpu.memory_space<semaphore_mem>>, %arg11: memref<!tpu.dma_semaphore, #tpu.memory_space<semaphore_mem>>, %arg12: memref<!tpu.dma_semaphore, #tpu.memory_space<semaphore_mem>>) attributes {dimension_semantics = [#tpu.dimension_semantics<core_parallel>, #tpu.dimension_semantics<subcore_parallel>], iteration_bounds = array<i64: 2, 16>, scalar_prefetch = 0 : i64, scratch_operands = 7 : i64, tpu.core_type = #tpu.core_type<sc_vector_subcore>, window_params = [{transform_indices = #map}, {transform_indices = #map1}, {transform_indices = #map}, {transform_indices = #map2}]} {
    %mul3A = arith.constant 16 : i32
    %mul3A_0 = arith.muli %arg0, %mul3A : i32
    %add3A = arith.addi %mul3A_0, %arg1 : i32
    %mul3A_1 = arith.constant 640 : i32
    %mul3A_2 = arith.muli %arg1, %mul3A_1 : i32
    "tpu.region"() ({
      %run_scoped3A_14 = tpu.sem_alloc : memref<!tpu.dma_semaphore, #tpu.memory_space<semaphore_mem>>
      %dma_start3A = arith.constant 0 : i32
      %dma_start3A_15 = tpu.memref_slice %arg9[%mul3A_2, %dma_start3A] : memref<10240x64xf32, #tpu.memory_space<vmem_shared>> -> memref<640x64xf32, #tpu.memory_space<vmem_shared>>
      tpu.enqueue_dma source(%arg4 : memref<640x64xf32, #tpu.memory_space<hbm>>) target(%dma_start3A_15 : memref<640x64xf32, #tpu.memory_space<vmem_shared>>) target_semaphore(%run_scoped3A_14 : memref<!tpu.dma_semaphore, #tpu.memory_space<semaphore_mem>>)
      %dma_wait3A = arith.constant 0 : i32
      %dma_wait3A_16 = tpu.memref_slice %arg9[%mul3A_2, %dma_wait3A] : memref<10240x64xf32, #tpu.memory_space<vmem_shared>> -> memref<640x64xf32, #tpu.memory_space<vmem_shared>>
      tpu.wait_dma2 semaphore(%run_scoped3A_14 : memref<!tpu.dma_semaphore, #tpu.memory_space<semaphore_mem>>) src(%arg4 : memref<640x64xf32, #tpu.memory_space<hbm>>) dst(%dma_wait3A_16 : memref<640x64xf32, #tpu.memory_space<vmem_shared>>)
      tpu.yield
    }) : () -> ()
    %run_scoped3A = arith.constant 0 : i32
    "tpu.region"() ({
      %run_scoped3A_14 = tpu.sem_alloc : memref<!tpu.dma_semaphore, #tpu.memory_space<semaphore_mem>>
      %dma_start3A = arith.constant 0 : i32
      %dma_start3A_15 = arith.constant 0 : i32
      %dma_start3A_16 = tpu.memref_slice %arg6[%dma_start3A, %dma_start3A_15] : memref<20x128xi32, #tpu.memory_space<vmem>> -> memref<10x128xi32, #tpu.memory_space<vmem>>
      %dma_start3A_17 = arith.constant 0 : i32
      %dma_start3A_18 = arith.constant 0 : i32
      %dma_start3A_19 = tpu.memref_slice %arg3[%run_scoped3A, %add3A, %dma_start3A_17, %dma_start3A_18] : memref<2x32x80x128xi32, #tpu.memory_space<hbm>> -> memref<1x1x10x128xi32, #tpu.memory_space<hbm>>
      %dma_start3A_20 = tpu.memref_squeeze %dma_start3A_19 : memref<1x1x10x128xi32, #tpu.memory_space<hbm>> -> memref<10x128xi32, #tpu.memory_space<hbm>>
      %dma_start3A_21 = arith.constant 0 : i32
      %dma_start3A_22 = arith.constant 0 : i32
      %dma_start3A_23 = tpu.memref_slice %arg6[%dma_start3A_21, %dma_start3A_22] : memref<20x128xi32, #tpu.memory_space<vmem>> -> memref<10x128xi32, #tpu.memory_space<vmem>>
      %dma_start3A_24 = arith.constant 0 : i32
      %dma_start3A_25 = arith.constant 0 : i32
      %dma_start3A_26 = tpu.memref_slice %arg3[%run_scoped3A, %add3A, %dma_start3A_24, %dma_start3A_25] : memref<2x32x80x128xi32, #tpu.memory_space<hbm>> -> memref<1x1x10x128xi32, #tpu.memory_space<hbm>>
      %dma_start3A_27 = tpu.memref_squeeze %dma_start3A_26 : memref<1x1x10x128xi32, #tpu.memory_space<hbm>> -> memref<10x128xi32, #tpu.memory_space<hbm>>
      tpu.enqueue_dma source(%dma_start3A_27 : memref<10x128xi32, #tpu.memory_space<hbm>>) target(%dma_start3A_23 : memref<10x128xi32, #tpu.memory_space<vmem>>) target_semaphore(%run_scoped3A_14 : memref<!tpu.dma_semaphore, #tpu.memory_space<semaphore_mem>>)
      %dma_wait3A = arith.constant 0 : i32
      %dma_wait3A_28 = arith.constant 0 : i32
      %dma_wait3A_29 = tpu.memref_slice %arg6[%dma_wait3A, %dma_wait3A_28] : memref<20x128xi32, #tpu.memory_space<vmem>> -> memref<10x128xi32, #tpu.memory_space<vmem>>
      %dma_wait3A_30 = arith.constant 0 : i32
      %dma_wait3A_31 = arith.constant 0 : i32
      %dma_wait3A_32 = tpu.memref_slice %arg3[%run_scoped3A, %add3A, %dma_wait3A_30, %dma_wait3A_31] : memref<2x32x80x128xi32, #tpu.memory_space<hbm>> -> memref<1x1x10x128xi32, #tpu.memory_space<hbm>>
      %dma_wait3A_33 = tpu.memref_squeeze %dma_wait3A_32 : memref<1x1x10x128xi32, #tpu.memory_space<hbm>> -> memref<10x128xi32, #tpu.memory_space<hbm>>
      %dma_wait3A_34 = arith.constant 0 : i32
      %dma_wait3A_35 = arith.constant 0 : i32
      %dma_wait3A_36 = tpu.memref_slice %arg6[%dma_wait3A_34, %dma_wait3A_35] : memref<20x128xi32, #tpu.memory_space<vmem>> -> memref<10x128xi32, #tpu.memory_space<vmem>>
      %dma_wait3A_37 = arith.constant 0 : i32
      %dma_wait3A_38 = arith.constant 0 : i32
      %dma_wait3A_39 = tpu.memref_slice %arg3[%run_scoped3A, %add3A, %dma_wait3A_37, %dma_wait3A_38] : memref<2x32x80x128xi32, #tpu.memory_space<hbm>> -> memref<1x1x10x128xi32, #tpu.memory_space<hbm>>
      %dma_wait3A_40 = tpu.memref_squeeze %dma_wait3A_39 : memref<1x1x10x128xi32, #tpu.memory_space<hbm>> -> memref<10x128xi32, #tpu.memory_space<hbm>>
      tpu.wait_dma2 semaphore(%run_scoped3A_14 : memref<!tpu.dma_semaphore, #tpu.memory_space<semaphore_mem>>) src(%dma_wait3A_40 : memref<10x128xi32, #tpu.memory_space<hbm>>) dst(%dma_wait3A_36 : memref<10x128xi32, #tpu.memory_space<vmem>>)
      tpu.yield
    }) : () -> ()
    %run_scoped3A_3 = arith.constant 1 : i32
    "tpu.region"() ({
      %run_scoped3A_14 = tpu.sem_alloc : memref<!tpu.dma_semaphore, #tpu.memory_space<semaphore_mem>>
      %dma_start3A = arith.constant 0 : i32
      %dma_start3A_15 = arith.constant 0 : i32
      %dma_start3A_16 = tpu.memref_slice %arg7[%dma_start3A, %dma_start3A_15] : memref<20x128xi32, #tpu.memory_space<vmem>> -> memref<10x128xi32, #tpu.memory_space<vmem>>
      %dma_start3A_17 = arith.constant 0 : i32
      %dma_start3A_18 = arith.constant 0 : i32
      %dma_start3A_19 = tpu.memref_slice %arg3[%run_scoped3A_3, %add3A, %dma_start3A_17, %dma_start3A_18] : memref<2x32x80x128xi32, #tpu.memory_space<hbm>> -> memref<1x1x10x128xi32, #tpu.memory_space<hbm>>
      %dma_start3A_20 = tpu.memref_squeeze %dma_start3A_19 : memref<1x1x10x128xi32, #tpu.memory_space<hbm>> -> memref<10x128xi32, #tpu.memory_space<hbm>>
      %dma_start3A_21 = arith.constant 0 : i32
      %dma_start3A_22 = arith.constant 0 : i32
      %dma_start3A_23 = tpu.memref_slice %arg7[%dma_start3A_21, %dma_start3A_22] : memref<20x128xi32, #tpu.memory_space<vmem>> -> memref<10x128xi32, #tpu.memory_space<vmem>>
      %dma_start3A_24 = arith.constant 0 : i32
      %dma_start3A_25 = arith.constant 0 : i32
      %dma_start3A_26 = tpu.memref_slice %arg3[%run_scoped3A_3, %add3A, %dma_start3A_24, %dma_start3A_25] : memref<2x32x80x128xi32, #tpu.memory_space<hbm>> -> memref<1x1x10x128xi32, #tpu.memory_space<hbm>>
      %dma_start3A_27 = tpu.memref_squeeze %dma_start3A_26 : memref<1x1x10x128xi32, #tpu.memory_space<hbm>> -> memref<10x128xi32, #tpu.memory_space<hbm>>
      tpu.enqueue_dma source(%dma_start3A_27 : memref<10x128xi32, #tpu.memory_space<hbm>>) target(%dma_start3A_23 : memref<10x128xi32, #tpu.memory_space<vmem>>) target_semaphore(%run_scoped3A_14 : memref<!tpu.dma_semaphore, #tpu.memory_space<semaphore_mem>>)
      %dma_wait3A = arith.constant 0 : i32
      %dma_wait3A_28 = arith.constant 0 : i32
      %dma_wait3A_29 = tpu.memref_slice %arg7[%dma_wait3A, %dma_wait3A_28] : memref<20x128xi32, #tpu.memory_space<vmem>> -> memref<10x128xi32, #tpu.memory_space<vmem>>
      %dma_wait3A_30 = arith.constant 0 : i32
      %dma_wait3A_31 = arith.constant 0 : i32
      %dma_wait3A_32 = tpu.memref_slice %arg3[%run_scoped3A_3, %add3A, %dma_wait3A_30, %dma_wait3A_31] : memref<2x32x80x128xi32, #tpu.memory_space<hbm>> -> memref<1x1x10x128xi32, #tpu.memory_space<hbm>>
      %dma_wait3A_33 = tpu.memref_squeeze %dma_wait3A_32 : memref<1x1x10x128xi32, #tpu.memory_space<hbm>> -> memref<10x128xi32, #tpu.memory_space<hbm>>
      %dma_wait3A_34 = arith.constant 0 : i32
      %dma_wait3A_35 = arith.constant 0 : i32
      %dma_wait3A_36 = tpu.memref_slice %arg7[%dma_wait3A_34, %dma_wait3A_35] : memref<20x128xi32, #tpu.memory_space<vmem>> -> memref<10x128xi32, #tpu.memory_space<vmem>>
      %dma_wait3A_37 = arith.constant 0 : i32
      %dma_wait3A_38 = arith.constant 0 : i32
      %dma_wait3A_39 = tpu.memref_slice %arg3[%run_scoped3A_3, %add3A, %dma_wait3A_37, %dma_wait3A_38] : memref<2x32x80x128xi32, #tpu.memory_space<hbm>> -> memref<1x1x10x128xi32, #tpu.memory_space<hbm>>
      %dma_wait3A_40 = tpu.memref_squeeze %dma_wait3A_39 : memref<1x1x10x128xi32, #tpu.memory_space<hbm>> -> memref<10x128xi32, #tpu.memory_space<hbm>>
      tpu.wait_dma2 semaphore(%run_scoped3A_14 : memref<!tpu.dma_semaphore, #tpu.memory_space<semaphore_mem>>) src(%dma_wait3A_40 : memref<10x128xi32, #tpu.memory_space<hbm>>) dst(%dma_wait3A_36 : memref<10x128xi32, #tpu.memory_space<vmem>>)
      tpu.yield
    }) : () -> ()
    %barrier3A = arith.constant 0 : index
    tpu.barrier barrier_id(%barrier3A)
    %scan3A = arith.constant 0 : i32
    %scan3A_4 = arith.constant 0 : i32
    %scan3A_5 = arith.constant 18 : i32
    %scan3A_6 = arith.addi %scan3A_4, %scan3A_5 : i32
    %scan3A_7 = arith.constant 1 : i32
    scf.for %scan3A_14 = %scan3A_4 to %scan3A_6 step %scan3A_7  : i32 {
      %ge3A = arith.constant 2 : i32
      %ge3A_15 = arith.cmpi sge, %scan3A_14, %ge3A : i32
      %sub3A = arith.constant 2 : i32
      %sub3A_16 = arith.subi %scan3A_14, %sub3A : i32
      %lt3A = arith.constant 16 : i32
      %lt3A_17 = arith.cmpi slt, %sub3A_16, %lt3A : i32
      %and3A = arith.andi %ge3A_15, %lt3A_17 : i1
      %convert_element_type3A = arith.extui %and3A : i1 to i32
      %cond3A = arith.constant 0 : i32
      %cond3A_18 = arith.cmpi ne, %convert_element_type3A, %cond3A : i32
      scf.if %cond3A_18 {
        %sub3A_49 = arith.constant 2 : i32
        %sub3A_50 = arith.subi %scan3A_14, %sub3A_49 : i32
        %jit3A = arith.constant 2 : i32
        %eq3A = arith.constant 0 : i32
        %eq3A_51 = arith.cmpi eq, %jit3A, %eq3A : i32
        %jit3A_52 = arith.constant 1 : i32
        %select_n3A = arith.select %eq3A_51, %jit3A_52, %jit3A : i32
        %rem3A = arith.remsi %sub3A_50, %select_n3A : i32
        %ne3A = arith.constant 0 : i32
        %ne3A_53 = arith.cmpi ne, %rem3A, %ne3A : i32
        %lt3A_54 = arith.constant 0 : i32
        %lt3A_55 = arith.cmpi slt, %rem3A, %lt3A_54 : i32
        %lt3A_56 = arith.constant 0 : i32
        %lt3A_57 = arith.cmpi slt, %select_n3A, %lt3A_56 : i32
        %ne3A_58 = arith.xori %lt3A_55, %lt3A_57 : i1
        %and3A_59 = arith.andi %ne3A_58, %ne3A_53 : i1
        %add3A_60 = arith.addi %rem3A, %select_n3A : i32
        %select_n3A_61 = arith.select %and3A_59, %add3A_60, %rem3A : i32
        %mul3A_62 = arith.constant 5 : i32
        %mul3A_63 = arith.muli %select_n3A_61, %mul3A_62 : i32
        %add3A_64 = arith.constant 0 : i32
        %add3A_65 = arith.addi %mul3A_63, %add3A_64 : i32
        %dma_wait3A = arith.constant 0 : i32
        %dma_wait3A_66 = arith.constant 0 : i32
        %dma_wait3A_67 = arith.constant 0 : i32
        %dma_wait3A_68 = tpu.memref_slice %arg8[%add3A_65, %dma_wait3A_66, %dma_wait3A_67] : memref<10x128x64xf32, #tpu.memory_space<vmem>> -> memref<1x128x64xf32, #tpu.memory_space<vmem>>
        %dma_wait3A_69 = tpu.memref_squeeze %dma_wait3A_68 : memref<1x128x64xf32, #tpu.memory_space<vmem>> -> memref<128x64xf32, #tpu.memory_space<vmem>>
        %dma_wait3A_70 = arith.constant 0 : i32
        %dma_wait3A_71 = tpu.memref_slice %arg7[%dma_wait3A, %dma_wait3A_70] : memref<20x128xi32, #tpu.memory_space<vmem>> -> memref<1x128xi32, #tpu.memory_space<vmem>>
        %dma_wait3A_72 = tpu.memref_squeeze %dma_wait3A_71 : memref<1x128xi32, #tpu.memory_space<vmem>> -> memref<128xi32, #tpu.memory_space<vmem>>
        %dma_wait3A_73 = arith.constant 0 : i32
        %dma_wait3A_74 = arith.constant 0 : i32
        %dma_wait3A_75 = tpu.memref_slice %arg9[%dma_wait3A_73, %dma_wait3A_74] : memref<10240x64xf32, #tpu.memory_space<vmem_shared>> -> memref<10240x64xf32, #tpu.memory_space<vmem_shared>>
        tpu.wait_indirect_dma semaphore(%arg11 : memref<!tpu.dma_semaphore, #tpu.memory_space<semaphore_mem>>) src(%dma_wait3A_69 : memref<128x64xf32, #tpu.memory_space<vmem>>) dst(%dma_wait3A_75 : memref<10240x64xf32, #tpu.memory_space<vmem_shared>>)
        %add3A_76 = arith.constant 1 : i32
        %add3A_77 = arith.addi %mul3A_63, %add3A_76 : i32
        %dma_wait3A_78 = arith.constant 1 : i32
        %dma_wait3A_79 = arith.constant 0 : i32
        %dma_wait3A_80 = arith.constant 0 : i32
        %dma_wait3A_81 = tpu.memref_slice %arg8[%add3A_77, %dma_wait3A_79, %dma_wait3A_80] : memref<10x128x64xf32, #tpu.memory_space<vmem>> -> memref<1x128x64xf32, #tpu.memory_space<vmem>>
        %dma_wait3A_82 = tpu.memref_squeeze %dma_wait3A_81 : memref<1x128x64xf32, #tpu.memory_space<vmem>> -> memref<128x64xf32, #tpu.memory_space<vmem>>
        %dma_wait3A_83 = arith.constant 0 : i32
        %dma_wait3A_84 = tpu.memref_slice %arg7[%dma_wait3A_78, %dma_wait3A_83] : memref<20x128xi32, #tpu.memory_space<vmem>> -> memref<1x128xi32, #tpu.memory_space<vmem>>
        %dma_wait3A_85 = tpu.memref_squeeze %dma_wait3A_84 : memref<1x128xi32, #tpu.memory_space<vmem>> -> memref<128xi32, #tpu.memory_space<vmem>>
        %dma_wait3A_86 = arith.constant 0 : i32
        %dma_wait3A_87 = arith.constant 0 : i32
        %dma_wait3A_88 = tpu.memref_slice %arg9[%dma_wait3A_86, %dma_wait3A_87] : memref<10240x64xf32, #tpu.memory_space<vmem_shared>> -> memref<10240x64xf32, #tpu.memory_space<vmem_shared>>
        tpu.wait_indirect_dma semaphore(%arg11 : memref<!tpu.dma_semaphore, #tpu.memory_space<semaphore_mem>>) src(%dma_wait3A_82 : memref<128x64xf32, #tpu.memory_space<vmem>>) dst(%dma_wait3A_88 : memref<10240x64xf32, #tpu.memory_space<vmem_shared>>)
        %add3A_89 = arith.constant 2 : i32
        %add3A_90 = arith.addi %mul3A_63, %add3A_89 : i32
        %dma_wait3A_91 = arith.constant 2 : i32
        %dma_wait3A_92 = arith.constant 0 : i32
        %dma_wait3A_93 = arith.constant 0 : i32
        %dma_wait3A_94 = tpu.memref_slice %arg8[%add3A_90, %dma_wait3A_92, %dma_wait3A_93] : memref<10x128x64xf32, #tpu.memory_space<vmem>> -> memref<1x128x64xf32, #tpu.memory_space<vmem>>
        %dma_wait3A_95 = tpu.memref_squeeze %dma_wait3A_94 : memref<1x128x64xf32, #tpu.memory_space<vmem>> -> memref<128x64xf32, #tpu.memory_space<vmem>>
        %dma_wait3A_96 = arith.constant 0 : i32
        %dma_wait3A_97 = tpu.memref_slice %arg7[%dma_wait3A_91, %dma_wait3A_96] : memref<20x128xi32, #tpu.memory_space<vmem>> -> memref<1x128xi32, #tpu.memory_space<vmem>>
        %dma_wait3A_98 = tpu.memref_squeeze %dma_wait3A_97 : memref<1x128xi32, #tpu.memory_space<vmem>> -> memref<128xi32, #tpu.memory_space<vmem>>
        %dma_wait3A_99 = arith.constant 0 : i32
        %dma_wait3A_100 = arith.constant 0 : i32
        %dma_wait3A_101 = tpu.memref_slice %arg9[%dma_wait3A_99, %dma_wait3A_100] : memref<10240x64xf32, #tpu.memory_space<vmem_shared>> -> memref<10240x64xf32, #tpu.memory_space<vmem_shared>>
        tpu.wait_indirect_dma semaphore(%arg11 : memref<!tpu.dma_semaphore, #tpu.memory_space<semaphore_mem>>) src(%dma_wait3A_95 : memref<128x64xf32, #tpu.memory_space<vmem>>) dst(%dma_wait3A_101 : memref<10240x64xf32, #tpu.memory_space<vmem_shared>>)
        %add3A_102 = arith.constant 3 : i32
        %add3A_103 = arith.addi %mul3A_63, %add3A_102 : i32
        %dma_wait3A_104 = arith.constant 3 : i32
        %dma_wait3A_105 = arith.constant 0 : i32
        %dma_wait3A_106 = arith.constant 0 : i32
        %dma_wait3A_107 = tpu.memref_slice %arg8[%add3A_103, %dma_wait3A_105, %dma_wait3A_106] : memref<10x128x64xf32, #tpu.memory_space<vmem>> -> memref<1x128x64xf32, #tpu.memory_space<vmem>>
        %dma_wait3A_108 = tpu.memref_squeeze %dma_wait3A_107 : memref<1x128x64xf32, #tpu.memory_space<vmem>> -> memref<128x64xf32, #tpu.memory_space<vmem>>
        %dma_wait3A_109 = arith.constant 0 : i32
        %dma_wait3A_110 = tpu.memref_slice %arg7[%dma_wait3A_104, %dma_wait3A_109] : memref<20x128xi32, #tpu.memory_space<vmem>> -> memref<1x128xi32, #tpu.memory_space<vmem>>
        %dma_wait3A_111 = tpu.memref_squeeze %dma_wait3A_110 : memref<1x128xi32, #tpu.memory_space<vmem>> -> memref<128xi32, #tpu.memory_space<vmem>>
        %dma_wait3A_112 = arith.constant 0 : i32
        %dma_wait3A_113 = arith.constant 0 : i32
        %dma_wait3A_114 = tpu.memref_slice %arg9[%dma_wait3A_112, %dma_wait3A_113] : memref<10240x64xf32, #tpu.memory_space<vmem_shared>> -> memref<10240x64xf32, #tpu.memory_space<vmem_shared>>
        tpu.wait_indirect_dma semaphore(%arg11 : memref<!tpu.dma_semaphore, #tpu.memory_space<semaphore_mem>>) src(%dma_wait3A_108 : memref<128x64xf32, #tpu.memory_space<vmem>>) dst(%dma_wait3A_114 : memref<10240x64xf32, #tpu.memory_space<vmem_shared>>)
        %add3A_115 = arith.constant 4 : i32
        %add3A_116 = arith.addi %mul3A_63, %add3A_115 : i32
        %dma_wait3A_117 = arith.constant 4 : i32
        %dma_wait3A_118 = arith.constant 0 : i32
        %dma_wait3A_119 = arith.constant 0 : i32
        %dma_wait3A_120 = tpu.memref_slice %arg8[%add3A_116, %dma_wait3A_118, %dma_wait3A_119] : memref<10x128x64xf32, #tpu.memory_space<vmem>> -> memref<1x128x64xf32, #tpu.memory_space<vmem>>
        %dma_wait3A_121 = tpu.memref_squeeze %dma_wait3A_120 : memref<1x128x64xf32, #tpu.memory_space<vmem>> -> memref<128x64xf32, #tpu.memory_space<vmem>>
        %dma_wait3A_122 = arith.constant 0 : i32
        %dma_wait3A_123 = tpu.memref_slice %arg7[%dma_wait3A_117, %dma_wait3A_122] : memref<20x128xi32, #tpu.memory_space<vmem>> -> memref<1x128xi32, #tpu.memory_space<vmem>>
        %dma_wait3A_124 = tpu.memref_squeeze %dma_wait3A_123 : memref<1x128xi32, #tpu.memory_space<vmem>> -> memref<128xi32, #tpu.memory_space<vmem>>
        %dma_wait3A_125 = arith.constant 0 : i32
        %dma_wait3A_126 = arith.constant 0 : i32
        %dma_wait3A_127 = tpu.memref_slice %arg9[%dma_wait3A_125, %dma_wait3A_126] : memref<10240x64xf32, #tpu.memory_space<vmem_shared>> -> memref<10240x64xf32, #tpu.memory_space<vmem_shared>>
        tpu.wait_indirect_dma semaphore(%arg11 : memref<!tpu.dma_semaphore, #tpu.memory_space<semaphore_mem>>) src(%dma_wait3A_121 : memref<128x64xf32, #tpu.memory_space<vmem>>) dst(%dma_wait3A_127 : memref<10240x64xf32, #tpu.memory_space<vmem_shared>>)
      } else {
      }
      %add3A_19 = arith.constant 2 : i32
      %add3A_20 = arith.addi %scan3A_14, %add3A_19 : i32
      %lt3A_21 = arith.constant 16 : i32
      %lt3A_22 = arith.cmpi slt, %add3A_20, %lt3A_21 : i32
      %convert_element_type3A_23 = arith.extui %lt3A_22 : i1 to i32
      %cond3A_24 = arith.constant 0 : i32
      %cond3A_25 = arith.cmpi ne, %convert_element_type3A_23, %cond3A_24 : i32
      scf.if %cond3A_25 {
        %add3A_49 = arith.constant 2 : i32
        %add3A_50 = arith.addi %scan3A_14, %add3A_49 : i32
        %jit3A = arith.constant 4 : i32
        %eq3A = arith.constant 0 : i32
        %eq3A_51 = arith.cmpi eq, %jit3A, %eq3A : i32
        %jit3A_52 = arith.constant 1 : i32
        %select_n3A = arith.select %eq3A_51, %jit3A_52, %jit3A : i32
        %rem3A = arith.remsi %add3A_50, %select_n3A : i32
        %ne3A = arith.constant 0 : i32
        %ne3A_53 = arith.cmpi ne, %rem3A, %ne3A : i32
        %lt3A_54 = arith.constant 0 : i32
        %lt3A_55 = arith.cmpi slt, %rem3A, %lt3A_54 : i32
        %lt3A_56 = arith.constant 0 : i32
        %lt3A_57 = arith.cmpi slt, %select_n3A, %lt3A_56 : i32
        %ne3A_58 = arith.xori %lt3A_55, %lt3A_57 : i1
        %and3A_59 = arith.andi %ne3A_58, %ne3A_53 : i1
        %add3A_60 = arith.addi %rem3A, %select_n3A : i32
        %select_n3A_61 = arith.select %and3A_59, %add3A_60, %rem3A : i32
        %mul3A_62 = arith.constant 5 : i32
        %mul3A_63 = arith.muli %select_n3A_61, %mul3A_62 : i32
        %mul3A_64 = arith.constant 5 : i32
        %mul3A_65 = arith.muli %add3A_50, %mul3A_64 : i32
        %mul3A_66 = arith.constant 5 : i32
        %mul3A_67 = arith.muli %add3A_50, %mul3A_66 : i32
        %dma_start3A = arith.constant 0 : i32
        %dma_start3A_68 = arith.constant 0 : i32
        %dma_start3A_69 = tpu.memref_slice %arg6[%mul3A_63, %dma_start3A_68] : memref<20x128xi32, #tpu.memory_space<vmem>> -> memref<5x128xi32, #tpu.memory_space<vmem>>
        %dma_start3A_70 = arith.constant 0 : i32
        %dma_start3A_71 = tpu.memref_slice %arg3[%dma_start3A, %add3A, %mul3A_65, %dma_start3A_70] : memref<2x32x80x128xi32, #tpu.memory_space<hbm>> -> memref<1x1x5x128xi32, #tpu.memory_space<hbm>>
        %dma_start3A_72 = tpu.memref_squeeze %dma_start3A_71 : memref<1x1x5x128xi32, #tpu.memory_space<hbm>> -> memref<5x128xi32, #tpu.memory_space<hbm>>
        %dma_start3A_73 = arith.constant 0 : i32
        %dma_start3A_74 = tpu.memref_slice %arg6[%mul3A_63, %dma_start3A_73] : memref<20x128xi32, #tpu.memory_space<vmem>> -> memref<5x128xi32, #tpu.memory_space<vmem>>
        %dma_start3A_75 = arith.constant 0 : i32
        %dma_start3A_76 = tpu.memref_slice %arg3[%dma_start3A, %add3A, %mul3A_65, %dma_start3A_75] : memref<2x32x80x128xi32, #tpu.memory_space<hbm>> -> memref<1x1x5x128xi32, #tpu.memory_space<hbm>>
        %dma_start3A_77 = tpu.memref_squeeze %dma_start3A_76 : memref<1x1x5x128xi32, #tpu.memory_space<hbm>> -> memref<5x128xi32, #tpu.memory_space<hbm>>
        tpu.enqueue_dma source(%dma_start3A_77 : memref<5x128xi32, #tpu.memory_space<hbm>>) target(%dma_start3A_74 : memref<5x128xi32, #tpu.memory_space<vmem>>) target_semaphore(%arg12 : memref<!tpu.dma_semaphore, #tpu.memory_space<semaphore_mem>>)
        %dma_start3A_78 = arith.constant 1 : i32
        %dma_start3A_79 = arith.constant 0 : i32
        %dma_start3A_80 = tpu.memref_slice %arg7[%mul3A_63, %dma_start3A_79] : memref<20x128xi32, #tpu.memory_space<vmem>> -> memref<5x128xi32, #tpu.memory_space<vmem>>
        %dma_start3A_81 = arith.constant 0 : i32
        %dma_start3A_82 = tpu.memref_slice %arg3[%dma_start3A_78, %add3A, %mul3A_67, %dma_start3A_81] : memref<2x32x80x128xi32, #tpu.memory_space<hbm>> -> memref<1x1x5x128xi32, #tpu.memory_space<hbm>>
        %dma_start3A_83 = tpu.memref_squeeze %dma_start3A_82 : memref<1x1x5x128xi32, #tpu.memory_space<hbm>> -> memref<5x128xi32, #tpu.memory_space<hbm>>
        %dma_start3A_84 = arith.constant 0 : i32
        %dma_start3A_85 = tpu.memref_slice %arg7[%mul3A_63, %dma_start3A_84] : memref<20x128xi32, #tpu.memory_space<vmem>> -> memref<5x128xi32, #tpu.memory_space<vmem>>
        %dma_start3A_86 = arith.constant 0 : i32
        %dma_start3A_87 = tpu.memref_slice %arg3[%dma_start3A_78, %add3A, %mul3A_67, %dma_start3A_86] : memref<2x32x80x128xi32, #tpu.memory_space<hbm>> -> memref<1x1x5x128xi32, #tpu.memory_space<hbm>>
        %dma_start3A_88 = tpu.memref_squeeze %dma_start3A_87 : memref<1x1x5x128xi32, #tpu.memory_space<hbm>> -> memref<5x128xi32, #tpu.memory_space<hbm>>
        tpu.enqueue_dma source(%dma_start3A_88 : memref<5x128xi32, #tpu.memory_space<hbm>>) target(%dma_start3A_85 : memref<5x128xi32, #tpu.memory_space<vmem>>) target_semaphore(%arg12 : memref<!tpu.dma_semaphore, #tpu.memory_space<semaphore_mem>>)
      } else {
      }
      %ge3A_26 = arith.constant 2 : i32
      %ge3A_27 = arith.cmpi sge, %scan3A_14, %ge3A_26 : i32
      %lt3A_28 = arith.constant 16 : i32
      %lt3A_29 = arith.cmpi slt, %scan3A_14, %lt3A_28 : i32
      %and3A_30 = arith.andi %ge3A_27, %lt3A_29 : i1
      %convert_element_type3A_31 = arith.extui %and3A_30 : i1 to i32
      %cond3A_32 = arith.constant 0 : i32
      %cond3A_33 = arith.cmpi ne, %convert_element_type3A_31, %cond3A_32 : i32
      scf.if %cond3A_33 {
        %jit3A = arith.constant 4 : i32
        %eq3A = arith.constant 0 : i32
        %eq3A_49 = arith.cmpi eq, %jit3A, %eq3A : i32
        %jit3A_50 = arith.constant 1 : i32
        %select_n3A = arith.select %eq3A_49, %jit3A_50, %jit3A : i32
        %rem3A = arith.remsi %scan3A_14, %select_n3A : i32
        %ne3A = arith.constant 0 : i32
        %ne3A_51 = arith.cmpi ne, %rem3A, %ne3A : i32
        %lt3A_52 = arith.constant 0 : i32
        %lt3A_53 = arith.cmpi slt, %rem3A, %lt3A_52 : i32
        %lt3A_54 = arith.constant 0 : i32
        %lt3A_55 = arith.cmpi slt, %select_n3A, %lt3A_54 : i32
        %ne3A_56 = arith.xori %lt3A_53, %lt3A_55 : i1
        %and3A_57 = arith.andi %ne3A_56, %ne3A_51 : i1
        %add3A_58 = arith.addi %rem3A, %select_n3A : i32
        %select_n3A_59 = arith.select %and3A_57, %add3A_58, %rem3A : i32
        %mul3A_60 = arith.constant 5 : i32
        %mul3A_61 = arith.muli %select_n3A_59, %mul3A_60 : i32
        %mul3A_62 = arith.constant 5 : i32
        %mul3A_63 = arith.muli %scan3A_14, %mul3A_62 : i32
        %mul3A_64 = arith.constant 5 : i32
        %mul3A_65 = arith.muli %scan3A_14, %mul3A_64 : i32
        %dma_wait3A = arith.constant 0 : i32
        %dma_wait3A_66 = arith.constant 0 : i32
        %dma_wait3A_67 = tpu.memref_slice %arg6[%mul3A_61, %dma_wait3A_66] : memref<20x128xi32, #tpu.memory_space<vmem>> -> memref<5x128xi32, #tpu.memory_space<vmem>>
        %dma_wait3A_68 = arith.constant 0 : i32
        %dma_wait3A_69 = tpu.memref_slice %arg3[%dma_wait3A, %add3A, %mul3A_63, %dma_wait3A_68] : memref<2x32x80x128xi32, #tpu.memory_space<hbm>> -> memref<1x1x5x128xi32, #tpu.memory_space<hbm>>
        %dma_wait3A_70 = tpu.memref_squeeze %dma_wait3A_69 : memref<1x1x5x128xi32, #tpu.memory_space<hbm>> -> memref<5x128xi32, #tpu.memory_space<hbm>>
        %dma_wait3A_71 = arith.constant 0 : i32
        %dma_wait3A_72 = tpu.memref_slice %arg6[%mul3A_61, %dma_wait3A_71] : memref<20x128xi32, #tpu.memory_space<vmem>> -> memref<5x128xi32, #tpu.memory_space<vmem>>
        %dma_wait3A_73 = arith.constant 0 : i32
        %dma_wait3A_74 = tpu.memref_slice %arg3[%dma_wait3A, %add3A, %mul3A_63, %dma_wait3A_73] : memref<2x32x80x128xi32, #tpu.memory_space<hbm>> -> memref<1x1x5x128xi32, #tpu.memory_space<hbm>>
        %dma_wait3A_75 = tpu.memref_squeeze %dma_wait3A_74 : memref<1x1x5x128xi32, #tpu.memory_space<hbm>> -> memref<5x128xi32, #tpu.memory_space<hbm>>
        tpu.wait_dma2 semaphore(%arg12 : memref<!tpu.dma_semaphore, #tpu.memory_space<semaphore_mem>>) src(%dma_wait3A_75 : memref<5x128xi32, #tpu.memory_space<hbm>>) dst(%dma_wait3A_72 : memref<5x128xi32, #tpu.memory_space<vmem>>)
        %dma_wait3A_76 = arith.constant 1 : i32
        %dma_wait3A_77 = arith.constant 0 : i32
        %dma_wait3A_78 = tpu.memref_slice %arg7[%mul3A_61, %dma_wait3A_77] : memref<20x128xi32, #tpu.memory_space<vmem>> -> memref<5x128xi32, #tpu.memory_space<vmem>>
        %dma_wait3A_79 = arith.constant 0 : i32
        %dma_wait3A_80 = tpu.memref_slice %arg3[%dma_wait3A_76, %add3A, %mul3A_65, %dma_wait3A_79] : memref<2x32x80x128xi32, #tpu.memory_space<hbm>> -> memref<1x1x5x128xi32, #tpu.memory_space<hbm>>
        %dma_wait3A_81 = tpu.memref_squeeze %dma_wait3A_80 : memref<1x1x5x128xi32, #tpu.memory_space<hbm>> -> memref<5x128xi32, #tpu.memory_space<hbm>>
        %dma_wait3A_82 = arith.constant 0 : i32
        %dma_wait3A_83 = tpu.memref_slice %arg7[%mul3A_61, %dma_wait3A_82] : memref<20x128xi32, #tpu.memory_space<vmem>> -> memref<5x128xi32, #tpu.memory_space<vmem>>
        %dma_wait3A_84 = arith.constant 0 : i32
        %dma_wait3A_85 = tpu.memref_slice %arg3[%dma_wait3A_76, %add3A, %mul3A_65, %dma_wait3A_84] : memref<2x32x80x128xi32, #tpu.memory_space<hbm>> -> memref<1x1x5x128xi32, #tpu.memory_space<hbm>>
        %dma_wait3A_86 = tpu.memref_squeeze %dma_wait3A_85 : memref<1x1x5x128xi32, #tpu.memory_space<hbm>> -> memref<5x128xi32, #tpu.memory_space<hbm>>
        tpu.wait_dma2 semaphore(%arg12 : memref<!tpu.dma_semaphore, #tpu.memory_space<semaphore_mem>>) src(%dma_wait3A_86 : memref<5x128xi32, #tpu.memory_space<hbm>>) dst(%dma_wait3A_83 : memref<5x128xi32, #tpu.memory_space<vmem>>)
      } else {
      }
      %lt3A_34 = arith.constant 16 : i32
      %lt3A_35 = arith.cmpi slt, %scan3A_14, %lt3A_34 : i32
      %convert_element_type3A_36 = arith.extui %lt3A_35 : i1 to i32
      %cond3A_37 = arith.constant 0 : i32
      %cond3A_38 = arith.cmpi ne, %convert_element_type3A_36, %cond3A_37 : i32
      scf.if %cond3A_38 {
        %jit3A = arith.constant 4 : i32
        %eq3A = arith.constant 0 : i32
        %eq3A_49 = arith.cmpi eq, %jit3A, %eq3A : i32
        %jit3A_50 = arith.constant 1 : i32
        %select_n3A = arith.select %eq3A_49, %jit3A_50, %jit3A : i32
        %rem3A = arith.remsi %scan3A_14, %select_n3A : i32
        %ne3A = arith.constant 0 : i32
        %ne3A_51 = arith.cmpi ne, %rem3A, %ne3A : i32
        %lt3A_52 = arith.constant 0 : i32
        %lt3A_53 = arith.cmpi slt, %rem3A, %lt3A_52 : i32
        %lt3A_54 = arith.constant 0 : i32
        %lt3A_55 = arith.cmpi slt, %select_n3A, %lt3A_54 : i32
        %ne3A_56 = arith.xori %lt3A_53, %lt3A_55 : i1
        %and3A_57 = arith.andi %ne3A_56, %ne3A_51 : i1
        %add3A_58 = arith.addi %rem3A, %select_n3A : i32
        %select_n3A_59 = arith.select %and3A_57, %add3A_58, %rem3A : i32
        %mul3A_60 = arith.constant 5 : i32
        %mul3A_61 = arith.muli %select_n3A_59, %mul3A_60 : i32
        %jit3A_62 = arith.constant 2 : i32
        %eq3A_63 = arith.constant 0 : i32
        %eq3A_64 = arith.cmpi eq, %jit3A_62, %eq3A_63 : i32
        %jit3A_65 = arith.constant 1 : i32
        %select_n3A_66 = arith.select %eq3A_64, %jit3A_65, %jit3A_62 : i32
        %rem3A_67 = arith.remsi %scan3A_14, %select_n3A_66 : i32
        %ne3A_68 = arith.constant 0 : i32
        %ne3A_69 = arith.cmpi ne, %rem3A_67, %ne3A_68 : i32
        %lt3A_70 = arith.constant 0 : i32
        %lt3A_71 = arith.cmpi slt, %rem3A_67, %lt3A_70 : i32
        %lt3A_72 = arith.constant 0 : i32
        %lt3A_73 = arith.cmpi slt, %select_n3A_66, %lt3A_72 : i32
        %ne3A_74 = arith.xori %lt3A_71, %lt3A_73 : i1
        %and3A_75 = arith.andi %ne3A_74, %ne3A_69 : i1
        %add3A_76 = arith.addi %rem3A_67, %select_n3A_66 : i32
        %select_n3A_77 = arith.select %and3A_75, %add3A_76, %rem3A_67 : i32
        %mul3A_78 = arith.constant 5 : i32
        %mul3A_79 = arith.muli %select_n3A_77, %mul3A_78 : i32
        %add3A_80 = arith.constant 0 : i32
        %add3A_81 = arith.addi %mul3A_61, %add3A_80 : i32
        %add3A_82 = arith.constant 0 : i32
        %add3A_83 = arith.addi %mul3A_79, %add3A_82 : i32
        %dma_start3A = arith.constant 0 : i32
        %dma_start3A_84 = arith.constant 0 : i32
        %dma_start3A_85 = tpu.memref_slice %arg8[%add3A_83, %dma_start3A, %dma_start3A_84] : memref<10x128x64xf32, #tpu.memory_space<vmem>> -> memref<1x128x64xf32, #tpu.memory_space<vmem>>
        %dma_start3A_86 = tpu.memref_squeeze %dma_start3A_85 : memref<1x128x64xf32, #tpu.memory_space<vmem>> -> memref<128x64xf32, #tpu.memory_space<vmem>>
        %dma_start3A_87 = arith.constant 0 : i32
        %dma_start3A_88 = tpu.memref_slice %arg6[%add3A_81, %dma_start3A_87] : memref<20x128xi32, #tpu.memory_space<vmem>> -> memref<1x128xi32, #tpu.memory_space<vmem>>
        %dma_start3A_89 = tpu.memref_squeeze %dma_start3A_88 : memref<1x128xi32, #tpu.memory_space<vmem>> -> memref<128xi32, #tpu.memory_space<vmem>>
        %dma_start3A_90 = arith.constant 0 : i32
        %dma_start3A_91 = arith.constant 0 : i32
        %dma_start3A_92 = tpu.memref_slice %arg2[%dma_start3A_90, %dma_start3A_91] : memref<10000x64xf32, #tpu.memory_space<hbm>> -> memref<10000x64xf32, #tpu.memory_space<hbm>>
        tpu.enqueue_indirect_dma source(%dma_start3A_92 : memref<10000x64xf32, #tpu.memory_space<hbm>>) target(%dma_start3A_86 : memref<128x64xf32, #tpu.memory_space<vmem>>) offsets(%dma_start3A_89 : memref<128xi32, #tpu.memory_space<vmem>>) semaphore(%arg10 : memref<!tpu.dma_semaphore, #tpu.memory_space<semaphore_mem>>)
        %add3A_93 = arith.constant 1 : i32
        %add3A_94 = arith.addi %mul3A_61, %add3A_93 : i32
        %add3A_95 = arith.constant 1 : i32
        %add3A_96 = arith.addi %mul3A_79, %add3A_95 : i32
        %dma_start3A_97 = arith.constant 0 : i32
        %dma_start3A_98 = arith.constant 0 : i32
        %dma_start3A_99 = tpu.memref_slice %arg8[%add3A_96, %dma_start3A_97, %dma_start3A_98] : memref<10x128x64xf32, #tpu.memory_space<vmem>> -> memref<1x128x64xf32, #tpu.memory_space<vmem>>
        %dma_start3A_100 = tpu.memref_squeeze %dma_start3A_99 : memref<1x128x64xf32, #tpu.memory_space<vmem>> -> memref<128x64xf32, #tpu.memory_space<vmem>>
        %dma_start3A_101 = arith.constant 0 : i32
        %dma_start3A_102 = tpu.memref_slice %arg6[%add3A_94, %dma_start3A_101] : memref<20x128xi32, #tpu.memory_space<vmem>> -> memref<1x128xi32, #tpu.memory_space<vmem>>
        %dma_start3A_103 = tpu.memref_squeeze %dma_start3A_102 : memref<1x128xi32, #tpu.memory_space<vmem>> -> memref<128xi32, #tpu.memory_space<vmem>>
        %dma_start3A_104 = arith.constant 0 : i32
        %dma_start3A_105 = arith.constant 0 : i32
        %dma_start3A_106 = tpu.memref_slice %arg2[%dma_start3A_104, %dma_start3A_105] : memref<10000x64xf32, #tpu.memory_space<hbm>> -> memref<10000x64xf32, #tpu.memory_space<hbm>>
        tpu.enqueue_indirect_dma source(%dma_start3A_106 : memref<10000x64xf32, #tpu.memory_space<hbm>>) target(%dma_start3A_100 : memref<128x64xf32, #tpu.memory_space<vmem>>) offsets(%dma_start3A_103 : memref<128xi32, #tpu.memory_space<vmem>>) semaphore(%arg10 : memref<!tpu.dma_semaphore, #tpu.memory_space<semaphore_mem>>)
        %add3A_107 = arith.constant 2 : i32
        %add3A_108 = arith.addi %mul3A_61, %add3A_107 : i32
        %add3A_109 = arith.constant 2 : i32
        %add3A_110 = arith.addi %mul3A_79, %add3A_109 : i32
        %dma_start3A_111 = arith.constant 0 : i32
        %dma_start3A_112 = arith.constant 0 : i32
        %dma_start3A_113 = tpu.memref_slice %arg8[%add3A_110, %dma_start3A_111, %dma_start3A_112] : memref<10x128x64xf32, #tpu.memory_space<vmem>> -> memref<1x128x64xf32, #tpu.memory_space<vmem>>
        %dma_start3A_114 = tpu.memref_squeeze %dma_start3A_113 : memref<1x128x64xf32, #tpu.memory_space<vmem>> -> memref<128x64xf32, #tpu.memory_space<vmem>>
        %dma_start3A_115 = arith.constant 0 : i32
        %dma_start3A_116 = tpu.memref_slice %arg6[%add3A_108, %dma_start3A_115] : memref<20x128xi32, #tpu.memory_space<vmem>> -> memref<1x128xi32, #tpu.memory_space<vmem>>
        %dma_start3A_117 = tpu.memref_squeeze %dma_start3A_116 : memref<1x128xi32, #tpu.memory_space<vmem>> -> memref<128xi32, #tpu.memory_space<vmem>>
        %dma_start3A_118 = arith.constant 0 : i32
        %dma_start3A_119 = arith.constant 0 : i32
        %dma_start3A_120 = tpu.memref_slice %arg2[%dma_start3A_118, %dma_start3A_119] : memref<10000x64xf32, #tpu.memory_space<hbm>> -> memref<10000x64xf32, #tpu.memory_space<hbm>>
        tpu.enqueue_indirect_dma source(%dma_start3A_120 : memref<10000x64xf32, #tpu.memory_space<hbm>>) target(%dma_start3A_114 : memref<128x64xf32, #tpu.memory_space<vmem>>) offsets(%dma_start3A_117 : memref<128xi32, #tpu.memory_space<vmem>>) semaphore(%arg10 : memref<!tpu.dma_semaphore, #tpu.memory_space<semaphore_mem>>)
        %add3A_121 = arith.constant 3 : i32
        %add3A_122 = arith.addi %mul3A_61, %add3A_121 : i32
        %add3A_123 = arith.constant 3 : i32
        %add3A_124 = arith.addi %mul3A_79, %add3A_123 : i32
        %dma_start3A_125 = arith.constant 0 : i32
        %dma_start3A_126 = arith.constant 0 : i32
        %dma_start3A_127 = tpu.memref_slice %arg8[%add3A_124, %dma_start3A_125, %dma_start3A_126] : memref<10x128x64xf32, #tpu.memory_space<vmem>> -> memref<1x128x64xf32, #tpu.memory_space<vmem>>
        %dma_start3A_128 = tpu.memref_squeeze %dma_start3A_127 : memref<1x128x64xf32, #tpu.memory_space<vmem>> -> memref<128x64xf32, #tpu.memory_space<vmem>>
        %dma_start3A_129 = arith.constant 0 : i32
        %dma_start3A_130 = tpu.memref_slice %arg6[%add3A_122, %dma_start3A_129] : memref<20x128xi32, #tpu.memory_space<vmem>> -> memref<1x128xi32, #tpu.memory_space<vmem>>
        %dma_start3A_131 = tpu.memref_squeeze %dma_start3A_130 : memref<1x128xi32, #tpu.memory_space<vmem>> -> memref<128xi32, #tpu.memory_space<vmem>>
        %dma_start3A_132 = arith.constant 0 : i32
        %dma_start3A_133 = arith.constant 0 : i32
        %dma_start3A_134 = tpu.memref_slice %arg2[%dma_start3A_132, %dma_start3A_133] : memref<10000x64xf32, #tpu.memory_space<hbm>> -> memref<10000x64xf32, #tpu.memory_space<hbm>>
        tpu.enqueue_indirect_dma source(%dma_start3A_134 : memref<10000x64xf32, #tpu.memory_space<hbm>>) target(%dma_start3A_128 : memref<128x64xf32, #tpu.memory_space<vmem>>) offsets(%dma_start3A_131 : memref<128xi32, #tpu.memory_space<vmem>>) semaphore(%arg10 : memref<!tpu.dma_semaphore, #tpu.memory_space<semaphore_mem>>)
        %add3A_135 = arith.constant 4 : i32
        %add3A_136 = arith.addi %mul3A_61, %add3A_135 : i32
        %add3A_137 = arith.constant 4 : i32
        %add3A_138 = arith.addi %mul3A_79, %add3A_137 : i32
        %dma_start3A_139 = arith.constant 0 : i32
        %dma_start3A_140 = arith.constant 0 : i32
        %dma_start3A_141 = tpu.memref_slice %arg8[%add3A_138, %dma_start3A_139, %dma_start3A_140] : memref<10x128x64xf32, #tpu.memory_space<vmem>> -> memref<1x128x64xf32, #tpu.memory_space<vmem>>
        %dma_start3A_142 = tpu.memref_squeeze %dma_start3A_141 : memref<1x128x64xf32, #tpu.memory_space<vmem>> -> memref<128x64xf32, #tpu.memory_space<vmem>>
        %dma_start3A_143 = arith.constant 0 : i32
        %dma_start3A_144 = tpu.memref_slice %arg6[%add3A_136, %dma_start3A_143] : memref<20x128xi32, #tpu.memory_space<vmem>> -> memref<1x128xi32, #tpu.memory_space<vmem>>
        %dma_start3A_145 = tpu.memref_squeeze %dma_start3A_144 : memref<1x128xi32, #tpu.memory_space<vmem>> -> memref<128xi32, #tpu.memory_space<vmem>>
        %dma_start3A_146 = arith.constant 0 : i32
        %dma_start3A_147 = arith.constant 0 : i32
        %dma_start3A_148 = tpu.memref_slice %arg2[%dma_start3A_146, %dma_start3A_147] : memref<10000x64xf32, #tpu.memory_space<hbm>> -> memref<10000x64xf32, #tpu.memory_space<hbm>>
        tpu.enqueue_indirect_dma source(%dma_start3A_148 : memref<10000x64xf32, #tpu.memory_space<hbm>>) target(%dma_start3A_142 : memref<128x64xf32, #tpu.memory_space<vmem>>) offsets(%dma_start3A_145 : memref<128xi32, #tpu.memory_space<vmem>>) semaphore(%arg10 : memref<!tpu.dma_semaphore, #tpu.memory_space<semaphore_mem>>)
      } else {
      }
      %ge3A_39 = arith.constant 1 : i32
      %ge3A_40 = arith.cmpi sge, %scan3A_14, %ge3A_39 : i32
      %sub3A_41 = arith.constant 1 : i32
      %sub3A_42 = arith.subi %scan3A_14, %sub3A_41 : i32
      %lt3A_43 = arith.constant 16 : i32
      %lt3A_44 = arith.cmpi slt, %sub3A_42, %lt3A_43 : i32
      %and3A_45 = arith.andi %ge3A_40, %lt3A_44 : i1
      %convert_element_type3A_46 = arith.extui %and3A_45 : i1 to i32
      %cond3A_47 = arith.constant 0 : i32
      %cond3A_48 = arith.cmpi ne, %convert_element_type3A_46, %cond3A_47 : i32
      scf.if %cond3A_48 {
        %sub3A_49 = arith.constant 1 : i32
        %sub3A_50 = arith.subi %scan3A_14, %sub3A_49 : i32
        %jit3A = arith.constant 4 : i32
        %eq3A = arith.constant 0 : i32
        %eq3A_51 = arith.cmpi eq, %jit3A, %eq3A : i32
        %jit3A_52 = arith.constant 1 : i32
        %select_n3A = arith.select %eq3A_51, %jit3A_52, %jit3A : i32
        %rem3A = arith.remsi %sub3A_50, %select_n3A : i32
        %ne3A = arith.constant 0 : i32
        %ne3A_53 = arith.cmpi ne, %rem3A, %ne3A : i32
        %lt3A_54 = arith.constant 0 : i32
        %lt3A_55 = arith.cmpi slt, %rem3A, %lt3A_54 : i32
        %lt3A_56 = arith.constant 0 : i32
        %lt3A_57 = arith.cmpi slt, %select_n3A, %lt3A_56 : i32
        %ne3A_58 = arith.xori %lt3A_55, %lt3A_57 : i1
        %and3A_59 = arith.andi %ne3A_58, %ne3A_53 : i1
        %add3A_60 = arith.addi %rem3A, %select_n3A : i32
        %select_n3A_61 = arith.select %and3A_59, %add3A_60, %rem3A : i32
        %mul3A_62 = arith.constant 5 : i32
        %mul3A_63 = arith.muli %select_n3A_61, %mul3A_62 : i32
        %jit3A_64 = arith.constant 2 : i32
        %eq3A_65 = arith.constant 0 : i32
        %eq3A_66 = arith.cmpi eq, %jit3A_64, %eq3A_65 : i32
        %jit3A_67 = arith.constant 1 : i32
        %select_n3A_68 = arith.select %eq3A_66, %jit3A_67, %jit3A_64 : i32
        %rem3A_69 = arith.remsi %sub3A_50, %select_n3A_68 : i32
        %ne3A_70 = arith.constant 0 : i32
        %ne3A_71 = arith.cmpi ne, %rem3A_69, %ne3A_70 : i32
        %lt3A_72 = arith.constant 0 : i32
        %lt3A_73 = arith.cmpi slt, %rem3A_69, %lt3A_72 : i32
        %lt3A_74 = arith.constant 0 : i32
        %lt3A_75 = arith.cmpi slt, %select_n3A_68, %lt3A_74 : i32
        %ne3A_76 = arith.xori %lt3A_73, %lt3A_75 : i1
        %and3A_77 = arith.andi %ne3A_76, %ne3A_71 : i1
        %add3A_78 = arith.addi %rem3A_69, %select_n3A_68 : i32
        %select_n3A_79 = arith.select %and3A_77, %add3A_78, %rem3A_69 : i32
        %mul3A_80 = arith.constant 5 : i32
        %mul3A_81 = arith.muli %select_n3A_79, %mul3A_80 : i32
        %add3A_82 = arith.constant 0 : i32
        %add3A_83 = arith.addi %mul3A_63, %add3A_82 : i32
        %add3A_84 = arith.constant 0 : i32
        %add3A_85 = arith.addi %mul3A_81, %add3A_84 : i32
        %dma_wait3A = arith.constant 0 : i32
        %dma_wait3A_86 = arith.constant 0 : i32
        %dma_wait3A_87 = tpu.memref_slice %arg8[%add3A_85, %dma_wait3A, %dma_wait3A_86] : memref<10x128x64xf32, #tpu.memory_space<vmem>> -> memref<1x128x64xf32, #tpu.memory_space<vmem>>
        %dma_wait3A_88 = tpu.memref_squeeze %dma_wait3A_87 : memref<1x128x64xf32, #tpu.memory_space<vmem>> -> memref<128x64xf32, #tpu.memory_space<vmem>>
        %dma_wait3A_89 = arith.constant 0 : i32
        %dma_wait3A_90 = tpu.memref_slice %arg6[%add3A_83, %dma_wait3A_89] : memref<20x128xi32, #tpu.memory_space<vmem>> -> memref<1x128xi32, #tpu.memory_space<vmem>>
        %dma_wait3A_91 = tpu.memref_squeeze %dma_wait3A_90 : memref<1x128xi32, #tpu.memory_space<vmem>> -> memref<128xi32, #tpu.memory_space<vmem>>
        %dma_wait3A_92 = arith.constant 0 : i32
        %dma_wait3A_93 = arith.constant 0 : i32
        %dma_wait3A_94 = tpu.memref_slice %arg2[%dma_wait3A_92, %dma_wait3A_93] : memref<10000x64xf32, #tpu.memory_space<hbm>> -> memref<10000x64xf32, #tpu.memory_space<hbm>>
        tpu.wait_indirect_dma semaphore(%arg10 : memref<!tpu.dma_semaphore, #tpu.memory_space<semaphore_mem>>) src(%dma_wait3A_94 : memref<10000x64xf32, #tpu.memory_space<hbm>>) dst(%dma_wait3A_88 : memref<128x64xf32, #tpu.memory_space<vmem>>)
        %add3A_95 = arith.constant 1 : i32
        %add3A_96 = arith.addi %mul3A_63, %add3A_95 : i32
        %add3A_97 = arith.constant 1 : i32
        %add3A_98 = arith.addi %mul3A_81, %add3A_97 : i32
        %dma_wait3A_99 = arith.constant 0 : i32
        %dma_wait3A_100 = arith.constant 0 : i32
        %dma_wait3A_101 = tpu.memref_slice %arg8[%add3A_98, %dma_wait3A_99, %dma_wait3A_100] : memref<10x128x64xf32, #tpu.memory_space<vmem>> -> memref<1x128x64xf32, #tpu.memory_space<vmem>>
        %dma_wait3A_102 = tpu.memref_squeeze %dma_wait3A_101 : memref<1x128x64xf32, #tpu.memory_space<vmem>> -> memref<128x64xf32, #tpu.memory_space<vmem>>
        %dma_wait3A_103 = arith.constant 0 : i32
        %dma_wait3A_104 = tpu.memref_slice %arg6[%add3A_96, %dma_wait3A_103] : memref<20x128xi32, #tpu.memory_space<vmem>> -> memref<1x128xi32, #tpu.memory_space<vmem>>
        %dma_wait3A_105 = tpu.memref_squeeze %dma_wait3A_104 : memref<1x128xi32, #tpu.memory_space<vmem>> -> memref<128xi32, #tpu.memory_space<vmem>>
        %dma_wait3A_106 = arith.constant 0 : i32
        %dma_wait3A_107 = arith.constant 0 : i32
        %dma_wait3A_108 = tpu.memref_slice %arg2[%dma_wait3A_106, %dma_wait3A_107] : memref<10000x64xf32, #tpu.memory_space<hbm>> -> memref<10000x64xf32, #tpu.memory_space<hbm>>
        tpu.wait_indirect_dma semaphore(%arg10 : memref<!tpu.dma_semaphore, #tpu.memory_space<semaphore_mem>>) src(%dma_wait3A_108 : memref<10000x64xf32, #tpu.memory_space<hbm>>) dst(%dma_wait3A_102 : memref<128x64xf32, #tpu.memory_space<vmem>>)
        %add3A_109 = arith.constant 2 : i32
        %add3A_110 = arith.addi %mul3A_63, %add3A_109 : i32
        %add3A_111 = arith.constant 2 : i32
        %add3A_112 = arith.addi %mul3A_81, %add3A_111 : i32
        %dma_wait3A_113 = arith.constant 0 : i32
        %dma_wait3A_114 = arith.constant 0 : i32
        %dma_wait3A_115 = tpu.memref_slice %arg8[%add3A_112, %dma_wait3A_113, %dma_wait3A_114] : memref<10x128x64xf32, #tpu.memory_space<vmem>> -> memref<1x128x64xf32, #tpu.memory_space<vmem>>
        %dma_wait3A_116 = tpu.memref_squeeze %dma_wait3A_115 : memref<1x128x64xf32, #tpu.memory_space<vmem>> -> memref<128x64xf32, #tpu.memory_space<vmem>>
        %dma_wait3A_117 = arith.constant 0 : i32
        %dma_wait3A_118 = tpu.memref_slice %arg6[%add3A_110, %dma_wait3A_117] : memref<20x128xi32, #tpu.memory_space<vmem>> -> memref<1x128xi32, #tpu.memory_space<vmem>>
        %dma_wait3A_119 = tpu.memref_squeeze %dma_wait3A_118 : memref<1x128xi32, #tpu.memory_space<vmem>> -> memref<128xi32, #tpu.memory_space<vmem>>
        %dma_wait3A_120 = arith.constant 0 : i32
        %dma_wait3A_121 = arith.constant 0 : i32
        %dma_wait3A_122 = tpu.memref_slice %arg2[%dma_wait3A_120, %dma_wait3A_121] : memref<10000x64xf32, #tpu.memory_space<hbm>> -> memref<10000x64xf32, #tpu.memory_space<hbm>>
        tpu.wait_indirect_dma semaphore(%arg10 : memref<!tpu.dma_semaphore, #tpu.memory_space<semaphore_mem>>) src(%dma_wait3A_122 : memref<10000x64xf32, #tpu.memory_space<hbm>>) dst(%dma_wait3A_116 : memref<128x64xf32, #tpu.memory_space<vmem>>)
        %add3A_123 = arith.constant 3 : i32
        %add3A_124 = arith.addi %mul3A_63, %add3A_123 : i32
        %add3A_125 = arith.constant 3 : i32
        %add3A_126 = arith.addi %mul3A_81, %add3A_125 : i32
        %dma_wait3A_127 = arith.constant 0 : i32
        %dma_wait3A_128 = arith.constant 0 : i32
        %dma_wait3A_129 = tpu.memref_slice %arg8[%add3A_126, %dma_wait3A_127, %dma_wait3A_128] : memref<10x128x64xf32, #tpu.memory_space<vmem>> -> memref<1x128x64xf32, #tpu.memory_space<vmem>>
        %dma_wait3A_130 = tpu.memref_squeeze %dma_wait3A_129 : memref<1x128x64xf32, #tpu.memory_space<vmem>> -> memref<128x64xf32, #tpu.memory_space<vmem>>
        %dma_wait3A_131 = arith.constant 0 : i32
        %dma_wait3A_132 = tpu.memref_slice %arg6[%add3A_124, %dma_wait3A_131] : memref<20x128xi32, #tpu.memory_space<vmem>> -> memref<1x128xi32, #tpu.memory_space<vmem>>
        %dma_wait3A_133 = tpu.memref_squeeze %dma_wait3A_132 : memref<1x128xi32, #tpu.memory_space<vmem>> -> memref<128xi32, #tpu.memory_space<vmem>>
        %dma_wait3A_134 = arith.constant 0 : i32
        %dma_wait3A_135 = arith.constant 0 : i32
        %dma_wait3A_136 = tpu.memref_slice %arg2[%dma_wait3A_134, %dma_wait3A_135] : memref<10000x64xf32, #tpu.memory_space<hbm>> -> memref<10000x64xf32, #tpu.memory_space<hbm>>
        tpu.wait_indirect_dma semaphore(%arg10 : memref<!tpu.dma_semaphore, #tpu.memory_space<semaphore_mem>>) src(%dma_wait3A_136 : memref<10000x64xf32, #tpu.memory_space<hbm>>) dst(%dma_wait3A_130 : memref<128x64xf32, #tpu.memory_space<vmem>>)
        %add3A_137 = arith.constant 4 : i32
        %add3A_138 = arith.addi %mul3A_63, %add3A_137 : i32
        %add3A_139 = arith.constant 4 : i32
        %add3A_140 = arith.addi %mul3A_81, %add3A_139 : i32
        %dma_wait3A_141 = arith.constant 0 : i32
        %dma_wait3A_142 = arith.constant 0 : i32
        %dma_wait3A_143 = tpu.memref_slice %arg8[%add3A_140, %dma_wait3A_141, %dma_wait3A_142] : memref<10x128x64xf32, #tpu.memory_space<vmem>> -> memref<1x128x64xf32, #tpu.memory_space<vmem>>
        %dma_wait3A_144 = tpu.memref_squeeze %dma_wait3A_143 : memref<1x128x64xf32, #tpu.memory_space<vmem>> -> memref<128x64xf32, #tpu.memory_space<vmem>>
        %dma_wait3A_145 = arith.constant 0 : i32
        %dma_wait3A_146 = tpu.memref_slice %arg6[%add3A_138, %dma_wait3A_145] : memref<20x128xi32, #tpu.memory_space<vmem>> -> memref<1x128xi32, #tpu.memory_space<vmem>>
        %dma_wait3A_147 = tpu.memref_squeeze %dma_wait3A_146 : memref<1x128xi32, #tpu.memory_space<vmem>> -> memref<128xi32, #tpu.memory_space<vmem>>
        %dma_wait3A_148 = arith.constant 0 : i32
        %dma_wait3A_149 = arith.constant 0 : i32
        %dma_wait3A_150 = tpu.memref_slice %arg2[%dma_wait3A_148, %dma_wait3A_149] : memref<10000x64xf32, #tpu.memory_space<hbm>> -> memref<10000x64xf32, #tpu.memory_space<hbm>>
        tpu.wait_indirect_dma semaphore(%arg10 : memref<!tpu.dma_semaphore, #tpu.memory_space<semaphore_mem>>) src(%dma_wait3A_150 : memref<10000x64xf32, #tpu.memory_space<hbm>>) dst(%dma_wait3A_144 : memref<128x64xf32, #tpu.memory_space<vmem>>)
        %add3A_151 = arith.constant 0 : i32
        %add3A_152 = arith.addi %mul3A_81, %add3A_151 : i32
        %add3A_153 = arith.constant 0 : i32
        %add3A_154 = arith.addi %mul3A_63, %add3A_153 : i32
        %dma_start3A = arith.constant 0 : i32
        %dma_start3A_155 = arith.constant 0 : i32
        %dma_start3A_156 = tpu.memref_slice %arg8[%add3A_152, %dma_start3A, %dma_start3A_155] : memref<10x128x64xf32, #tpu.memory_space<vmem>> -> memref<1x128x64xf32, #tpu.memory_space<vmem>>
        %dma_start3A_157 = tpu.memref_squeeze %dma_start3A_156 : memref<1x128x64xf32, #tpu.memory_space<vmem>> -> memref<128x64xf32, #tpu.memory_space<vmem>>
        %dma_start3A_158 = arith.constant 0 : i32
        %dma_start3A_159 = tpu.memref_slice %arg7[%add3A_154, %dma_start3A_158] : memref<20x128xi32, #tpu.memory_space<vmem>> -> memref<1x128xi32, #tpu.memory_space<vmem>>
        %dma_start3A_160 = tpu.memref_squeeze %dma_start3A_159 : memref<1x128xi32, #tpu.memory_space<vmem>> -> memref<128xi32, #tpu.memory_space<vmem>>
        %dma_start3A_161 = arith.constant 0 : i32
        %dma_start3A_162 = arith.constant 0 : i32
        %dma_start3A_163 = tpu.memref_slice %arg9[%dma_start3A_161, %dma_start3A_162] : memref<10240x64xf32, #tpu.memory_space<vmem_shared>> -> memref<10240x64xf32, #tpu.memory_space<vmem_shared>>
        tpu.enqueue_indirect_dma source(%dma_start3A_157 : memref<128x64xf32, #tpu.memory_space<vmem>>) target(%dma_start3A_163 : memref<10240x64xf32, #tpu.memory_space<vmem_shared>>) offsets(%dma_start3A_160 : memref<128xi32, #tpu.memory_space<vmem>>) semaphore(%arg11 : memref<!tpu.dma_semaphore, #tpu.memory_space<semaphore_mem>>) {add = true}
        %add3A_164 = arith.constant 1 : i32
        %add3A_165 = arith.addi %mul3A_81, %add3A_164 : i32
        %add3A_166 = arith.constant 1 : i32
        %add3A_167 = arith.addi %mul3A_63, %add3A_166 : i32
        %dma_start3A_168 = arith.constant 0 : i32
        %dma_start3A_169 = arith.constant 0 : i32
        %dma_start3A_170 = tpu.memref_slice %arg8[%add3A_165, %dma_start3A_168, %dma_start3A_169] : memref<10x128x64xf32, #tpu.memory_space<vmem>> -> memref<1x128x64xf32, #tpu.memory_space<vmem>>
        %dma_start3A_171 = tpu.memref_squeeze %dma_start3A_170 : memref<1x128x64xf32, #tpu.memory_space<vmem>> -> memref<128x64xf32, #tpu.memory_space<vmem>>
        %dma_start3A_172 = arith.constant 0 : i32
        %dma_start3A_173 = tpu.memref_slice %arg7[%add3A_167, %dma_start3A_172] : memref<20x128xi32, #tpu.memory_space<vmem>> -> memref<1x128xi32, #tpu.memory_space<vmem>>
        %dma_start3A_174 = tpu.memref_squeeze %dma_start3A_173 : memref<1x128xi32, #tpu.memory_space<vmem>> -> memref<128xi32, #tpu.memory_space<vmem>>
        %dma_start3A_175 = arith.constant 0 : i32
        %dma_start3A_176 = arith.constant 0 : i32
        %dma_start3A_177 = tpu.memref_slice %arg9[%dma_start3A_175, %dma_start3A_176] : memref<10240x64xf32, #tpu.memory_space<vmem_shared>> -> memref<10240x64xf32, #tpu.memory_space<vmem_shared>>
        tpu.enqueue_indirect_dma source(%dma_start3A_171 : memref<128x64xf32, #tpu.memory_space<vmem>>) target(%dma_start3A_177 : memref<10240x64xf32, #tpu.memory_space<vmem_shared>>) offsets(%dma_start3A_174 : memref<128xi32, #tpu.memory_space<vmem>>) semaphore(%arg11 : memref<!tpu.dma_semaphore, #tpu.memory_space<semaphore_mem>>) {add = true}
        %add3A_178 = arith.constant 2 : i32
        %add3A_179 = arith.addi %mul3A_81, %add3A_178 : i32
        %add3A_180 = arith.constant 2 : i32
        %add3A_181 = arith.addi %mul3A_63, %add3A_180 : i32
        %dma_start3A_182 = arith.constant 0 : i32
        %dma_start3A_183 = arith.constant 0 : i32
        %dma_start3A_184 = tpu.memref_slice %arg8[%add3A_179, %dma_start3A_182, %dma_start3A_183] : memref<10x128x64xf32, #tpu.memory_space<vmem>> -> memref<1x128x64xf32, #tpu.memory_space<vmem>>
        %dma_start3A_185 = tpu.memref_squeeze %dma_start3A_184 : memref<1x128x64xf32, #tpu.memory_space<vmem>> -> memref<128x64xf32, #tpu.memory_space<vmem>>
        %dma_start3A_186 = arith.constant 0 : i32
        %dma_start3A_187 = tpu.memref_slice %arg7[%add3A_181, %dma_start3A_186] : memref<20x128xi32, #tpu.memory_space<vmem>> -> memref<1x128xi32, #tpu.memory_space<vmem>>
        %dma_start3A_188 = tpu.memref_squeeze %dma_start3A_187 : memref<1x128xi32, #tpu.memory_space<vmem>> -> memref<128xi32, #tpu.memory_space<vmem>>
        %dma_start3A_189 = arith.constant 0 : i32
        %dma_start3A_190 = arith.constant 0 : i32
        %dma_start3A_191 = tpu.memref_slice %arg9[%dma_start3A_189, %dma_start3A_190] : memref<10240x64xf32, #tpu.memory_space<vmem_shared>> -> memref<10240x64xf32, #tpu.memory_space<vmem_shared>>
        tpu.enqueue_indirect_dma source(%dma_start3A_185 : memref<128x64xf32, #tpu.memory_space<vmem>>) target(%dma_start3A_191 : memref<10240x64xf32, #tpu.memory_space<vmem_shared>>) offsets(%dma_start3A_188 : memref<128xi32, #tpu.memory_space<vmem>>) semaphore(%arg11 : memref<!tpu.dma_semaphore, #tpu.memory_space<semaphore_mem>>) {add = true}
        %add3A_192 = arith.constant 3 : i32
        %add3A_193 = arith.addi %mul3A_81, %add3A_192 : i32
        %add3A_194 = arith.constant 3 : i32
        %add3A_195 = arith.addi %mul3A_63, %add3A_194 : i32
        %dma_start3A_196 = arith.constant 0 : i32
        %dma_start3A_197 = arith.constant 0 : i32
        %dma_start3A_198 = tpu.memref_slice %arg8[%add3A_193, %dma_start3A_196, %dma_start3A_197] : memref<10x128x64xf32, #tpu.memory_space<vmem>> -> memref<1x128x64xf32, #tpu.memory_space<vmem>>
        %dma_start3A_199 = tpu.memref_squeeze %dma_start3A_198 : memref<1x128x64xf32, #tpu.memory_space<vmem>> -> memref<128x64xf32, #tpu.memory_space<vmem>>
        %dma_start3A_200 = arith.constant 0 : i32
        %dma_start3A_201 = tpu.memref_slice %arg7[%add3A_195, %dma_start3A_200] : memref<20x128xi32, #tpu.memory_space<vmem>> -> memref<1x128xi32, #tpu.memory_space<vmem>>
        %dma_start3A_202 = tpu.memref_squeeze %dma_start3A_201 : memref<1x128xi32, #tpu.memory_space<vmem>> -> memref<128xi32, #tpu.memory_space<vmem>>
        %dma_start3A_203 = arith.constant 0 : i32
        %dma_start3A_204 = arith.constant 0 : i32
        %dma_start3A_205 = tpu.memref_slice %arg9[%dma_start3A_203, %dma_start3A_204] : memref<10240x64xf32, #tpu.memory_space<vmem_shared>> -> memref<10240x64xf32, #tpu.memory_space<vmem_shared>>
        tpu.enqueue_indirect_dma source(%dma_start3A_199 : memref<128x64xf32, #tpu.memory_space<vmem>>) target(%dma_start3A_205 : memref<10240x64xf32, #tpu.memory_space<vmem_shared>>) offsets(%dma_start3A_202 : memref<128xi32, #tpu.memory_space<vmem>>) semaphore(%arg11 : memref<!tpu.dma_semaphore, #tpu.memory_space<semaphore_mem>>) {add = true}
        %add3A_206 = arith.constant 4 : i32
        %add3A_207 = arith.addi %mul3A_81, %add3A_206 : i32
        %add3A_208 = arith.constant 4 : i32
        %add3A_209 = arith.addi %mul3A_63, %add3A_208 : i32
        %dma_start3A_210 = arith.constant 0 : i32
        %dma_start3A_211 = arith.constant 0 : i32
        %dma_start3A_212 = tpu.memref_slice %arg8[%add3A_207, %dma_start3A_210, %dma_start3A_211] : memref<10x128x64xf32, #tpu.memory_space<vmem>> -> memref<1x128x64xf32, #tpu.memory_space<vmem>>
        %dma_start3A_213 = tpu.memref_squeeze %dma_start3A_212 : memref<1x128x64xf32, #tpu.memory_space<vmem>> -> memref<128x64xf32, #tpu.memory_space<vmem>>
        %dma_start3A_214 = arith.constant 0 : i32
        %dma_start3A_215 = tpu.memref_slice %arg7[%add3A_209, %dma_start3A_214] : memref<20x128xi32, #tpu.memory_space<vmem>> -> memref<1x128xi32, #tpu.memory_space<vmem>>
        %dma_start3A_216 = tpu.memref_squeeze %dma_start3A_215 : memref<1x128xi32, #tpu.memory_space<vmem>> -> memref<128xi32, #tpu.memory_space<vmem>>
        %dma_start3A_217 = arith.constant 0 : i32
        %dma_start3A_218 = arith.constant 0 : i32
        %dma_start3A_219 = tpu.memref_slice %arg9[%dma_start3A_217, %dma_start3A_218] : memref<10240x64xf32, #tpu.memory_space<vmem_shared>> -> memref<10240x64xf32, #tpu.memory_space<vmem_shared>>
        tpu.enqueue_indirect_dma source(%dma_start3A_213 : memref<128x64xf32, #tpu.memory_space<vmem>>) target(%dma_start3A_219 : memref<10240x64xf32, #tpu.memory_space<vmem_shared>>) offsets(%dma_start3A_216 : memref<128xi32, #tpu.memory_space<vmem>>) semaphore(%arg11 : memref<!tpu.dma_semaphore, #tpu.memory_space<semaphore_mem>>) {add = true}
      } else {
      }
    }
    %scan3A_8 = arith.constant 18 : i32
    %barrier3A_9 = arith.constant 0 : index
    tpu.barrier barrier_id(%barrier3A_9)
    %mul3A_10 = arith.constant 640 : i32
    %mul3A_11 = arith.muli %arg1, %mul3A_10 : i32
    %mul3A_12 = arith.constant 640 : i32
    %mul3A_13 = arith.muli %arg1, %mul3A_12 : i32
    "tpu.region"() ({
      %run_scoped3A_14 = tpu.sem_alloc : memref<!tpu.dma_semaphore, #tpu.memory_space<semaphore_mem>>
      %dma_start3A = arith.constant 0 : i32
      %dma_start3A_15 = tpu.memref_slice %arg5[%arg0, %mul3A_13, %dma_start3A] : memref<2x10240x64xf32, #tpu.memory_space<hbm>> -> memref<1x640x64xf32, #tpu.memory_space<hbm>>
      %dma_start3A_16 = tpu.memref_squeeze %dma_start3A_15 : memref<1x640x64xf32, #tpu.memory_space<hbm>> -> memref<640x64xf32, #tpu.memory_space<hbm>>
      %dma_start3A_17 = arith.constant 0 : i32
      %dma_start3A_18 = tpu.memref_slice %arg9[%mul3A_11, %dma_start3A_17] : memref<10240x64xf32, #tpu.memory_space<vmem_shared>> -> memref<640x64xf32, #tpu.memory_space<vmem_shared>>
      tpu.enqueue_dma source(%dma_start3A_18 : memref<640x64xf32, #tpu.memory_space<vmem_shared>>) target(%dma_start3A_16 : memref<640x64xf32, #tpu.memory_space<hbm>>) target_semaphore(%run_scoped3A_14 : memref<!tpu.dma_semaphore, #tpu.memory_space<semaphore_mem>>)
      %dma_wait3A = arith.constant 0 : i32
      %dma_wait3A_19 = tpu.memref_slice %arg5[%arg0, %mul3A_13, %dma_wait3A] : memref<2x10240x64xf32, #tpu.memory_space<hbm>> -> memref<1x640x64xf32, #tpu.memory_space<hbm>>
      %dma_wait3A_20 = tpu.memref_squeeze %dma_wait3A_19 : memref<1x640x64xf32, #tpu.memory_space<hbm>> -> memref<640x64xf32, #tpu.memory_space<hbm>>
      %dma_wait3A_21 = arith.constant 0 : i32
      %dma_wait3A_22 = tpu.memref_slice %arg9[%mul3A_11, %dma_wait3A_21] : memref<10240x64xf32, #tpu.memory_space<vmem_shared>> -> memref<640x64xf32, #tpu.memory_space<vmem_shared>>
      tpu.wait_dma2 semaphore(%run_scoped3A_14 : memref<!tpu.dma_semaphore, #tpu.memory_space<semaphore_mem>>) src(%dma_wait3A_22 : memref<640x64xf32, #tpu.memory_space<vmem_shared>>) dst(%dma_wait3A_20 : memref<640x64xf32, #tpu.memory_space<hbm>>)
      tpu.yield
    }) : () -> ()
    return
  }
}

module attributes {stable_mosaic.version = 14 : i64} {
  func.func @body(%arg0: i32, %arg1: memref<1000x128xf32, #tpu.memory_space<vmem>>, %arg2: memref<128x64xf32, #tpu.memory_space<vmem>>, %arg3: memref<1x1000x1xf32, #tpu.memory_space<vmem>>, %arg4: memref<1x1000x1xf32, #tpu.memory_space<vmem>>, %arg5: memref<1000x64xf32, #tpu.memory_space<vmem>>) attributes {dimension_semantics = [#tpu.dimension_semantics<arbitrary>], iteration_bounds = array<i64: 10>, scalar_prefetch = 0 : i64, scratch_operands = 0 : i64, tpu.core_type = #tpu.core_type<tc>, window_params = [{transform_indices = @transform_0, window_bounds = array<i64: 1000, 128>}, {pipeline_mode = #tpu.pipeline_mode<synchronous>, transform_indices = @transform_1, window_bounds = array<i64: 128, 64>}, {transform_indices = @transform_2, window_bounds = array<i64: 1, 1000, 1>}, {transform_indices = @transform_3, window_bounds = array<i64: 1, 1000, 1>}, {transform_indices = @transform_4, window_bounds = array<i64: 1000, 64>}]} {
    %get3A = arith.constant 0 : index
    %get3A_0 = arith.constant 0 : index
    %get3A_1 = arith.constant 0 : index
    %get3A_2 = vector.load %arg3[%get3A, %get3A_0, %get3A_1] : memref<1x1000x1xf32, #tpu.memory_space<vmem>>, vector<1x1000x1xf32>
    %get3A_3 = vector.shape_cast %get3A_2 : vector<1x1000x1xf32> to vector<1000x1xf32>
    %get3A_4 = arith.constant 0 : index
    %get3A_5 = arith.constant 0 : index
    %get3A_6 = arith.constant 0 : index
    %get3A_7 = vector.load %arg4[%get3A_4, %get3A_5, %get3A_6] : memref<1x1000x1xf32, #tpu.memory_space<vmem>>, vector<1x1000x1xf32>
    %get3A_8 = vector.shape_cast %get3A_7 : vector<1x1000x1xf32> to vector<1000x1xf32>
    %add3A = arith.addf %get3A_3, %get3A_8 : vector<1000x1xf32>
    %add3A_9 = arith.constant 1.000000e+00 : f32
    %add3A_10 = vector.broadcast %add3A_9 : f32 to vector<1000x1xf32>
    %add3A_11 = arith.addf %add3A, %add3A_10 : vector<1000x1xf32>
    %rsqrt3A = math.rsqrt %add3A_11 : vector<1000x1xf32>
    %get3A_12 = arith.constant 0 : index
    %get3A_13 = arith.constant 0 : index
    %get3A_14 = vector.load %arg1[%get3A_12, %get3A_13] : memref<1000x128xf32, #tpu.memory_space<vmem>>, vector<1000x128xf32>
    %get3A_15 = arith.constant 0 : index
    %get3A_16 = arith.constant 0 : index
    %get3A_17 = vector.load %arg2[%get3A_15, %get3A_16] : memref<128x64xf32, #tpu.memory_space<vmem>>, vector<128x64xf32>
    %dot_general3A = arith.constant dense<0.000000e+00> : vector<1000x64xf32>
    %dot_general3A_18 = tpu.matmul %get3A_14, %get3A_17, %dot_general3A {dimension_numbers = #tpu.dot_dimension_numbers<[1], [0], [0], [1], [0, 0, 1, 1], [], []>, transpose_lhs_hint = false} : vector<1000x128xf32>, vector<128x64xf32>, vector<1000x64xf32> -> vector<1000x64xf32>
    %mul3A = vector.broadcast %rsqrt3A : vector<1000x1xf32> to vector<1000x64xf32>
    %mul3A_19 = arith.mulf %dot_general3A_18, %mul3A : vector<1000x64xf32>
    %swap3A = arith.constant 0 : index
    %swap3A_20 = arith.constant 0 : index
    %swap3A_21 = vector.load %arg5[%swap3A, %swap3A_20] : memref<1000x64xf32, #tpu.memory_space<vmem>>, vector<1000x64xf32>
    tpu.vector_store %arg5[%swap3A, %swap3A_20], %mul3A_19 {strides = array<i32>} : memref<1000x64xf32, #tpu.memory_space<vmem>>, vector<1000x64xf32>,
    return
  }
  func.func @transform_0(%arg0: i32) -> (i32, i32) {
    %c0_i32 = arith.constant 0 : i32
    %c0_i32_0 = arith.constant 0 : i32
    return %arg0, %c0_i32 : i32, i32
  }
  func.func @transform_1(%arg0: i32) -> (i32, i32) {
    %c0_i32 = arith.constant 0 : i32
    %c0_i32_0 = arith.constant 0 : i32
    %c0_i32_1 = arith.constant 0 : i32
    return %c0_i32, %c0_i32_0 : i32, i32
  }
  func.func @transform_2(%arg0: i32) -> (i32, i32, i32) {
    %c0_i32 = arith.constant 0 : i32
    %c0_i32_0 = arith.constant 0 : i32
    %c0_i32_1 = arith.constant 0 : i32
    return %c0_i32, %arg0, %c0_i32_0 : i32, i32, i32
  }
  func.func @transform_3(%arg0: i32) -> (i32, i32, i32) {
    %c1_i32 = arith.constant 1 : i32
    %c0_i32 = arith.constant 0 : i32
    %c0_i32_0 = arith.constant 0 : i32
    return %c1_i32, %arg0, %c0_i32 : i32, i32, i32
  }
  func.func @transform_4(%arg0: i32) -> (i32, i32) {
    %c0_i32 = arith.constant 0 : i32
    %c0_i32_0 = arith.constant 0 : i32
    return %arg0, %c0_i32 : i32, i32
  }
}

module attributes {stable_mosaic.version = 14 : i64} {
  func.func @body(%arg0: i32, %arg1: memref<1x1000x64xf32, #tpu.memory_space<vmem>>, %arg2: memref<1x1000x64xf32, #tpu.memory_space<vmem>>, %arg3: memref<1000x64xf32, #tpu.memory_space<vmem>>, %arg4: memref<1x1000x1xf32, #tpu.memory_space<vmem>>, %arg5: memref<1x1000x1xf32, #tpu.memory_space<vmem>>, %arg6: memref<1x64xf32, #tpu.memory_space<vmem>>, %arg7: memref<64x10xf32, #tpu.memory_space<vmem>>, %arg8: memref<1000x16xf32, #tpu.memory_space<vmem>>) attributes {dimension_semantics = [#tpu.dimension_semantics<arbitrary>], iteration_bounds = array<i64: 10>, scalar_prefetch = 0 : i64, scratch_operands = 0 : i64, tpu.core_type = #tpu.core_type<tc>, window_params = [{transform_indices = @transform_0, window_bounds = array<i64: 1, 1000, 64>}, {transform_indices = @transform_1, window_bounds = array<i64: 1, 1000, 64>}, {transform_indices = @transform_2, window_bounds = array<i64: 1000, 64>}, {transform_indices = @transform_3, window_bounds = array<i64: 1, 1000, 1>}, {transform_indices = @transform_4, window_bounds = array<i64: 1, 1000, 1>}, {pipeline_mode = #tpu.pipeline_mode<synchronous>, transform_indices = @transform_5, window_bounds = array<i64: 1, 64>}, {pipeline_mode = #tpu.pipeline_mode<synchronous>, transform_indices = @transform_6, window_bounds = array<i64: 64, 10>}, {transform_indices = @transform_7, window_bounds = array<i64: 1000, 16>}]} {
    %get3A = arith.constant 0 : index
    %get3A_0 = arith.constant 0 : index
    %get3A_1 = arith.constant 0 : index
    %get3A_2 = vector.load %arg4[%get3A, %get3A_0, %get3A_1] : memref<1x1000x1xf32, #tpu.memory_space<vmem>>, vector<1x1000x1xf32>
    %get3A_3 = vector.shape_cast %get3A_2 : vector<1x1000x1xf32> to vector<1000x1xf32>
    %get3A_4 = arith.constant 0 : index
    %get3A_5 = arith.constant 0 : index
    %get3A_6 = arith.constant 0 : index
    %get3A_7 = vector.load %arg5[%get3A_4, %get3A_5, %get3A_6] : memref<1x1000x1xf32, #tpu.memory_space<vmem>>, vector<1x1000x1xf32>
    %get3A_8 = vector.shape_cast %get3A_7 : vector<1x1000x1xf32> to vector<1000x1xf32>
    %add3A = arith.addf %get3A_3, %get3A_8 : vector<1000x1xf32>
    %add3A_9 = arith.constant 1.000000e+00 : f32
    %add3A_10 = vector.broadcast %add3A_9 : f32 to vector<1000x1xf32>
    %add3A_11 = arith.addf %add3A, %add3A_10 : vector<1000x1xf32>
    %rsqrt3A = math.rsqrt %add3A_11 : vector<1000x1xf32>
    %get3A_12 = arith.constant 0 : index
    %get3A_13 = arith.constant 0 : index
    %get3A_14 = arith.constant 0 : index
    %get3A_15 = vector.load %arg1[%get3A_12, %get3A_13, %get3A_14] : memref<1x1000x64xf32, #tpu.memory_space<vmem>>, vector<1x1000x64xf32>
    %get3A_16 = vector.shape_cast %get3A_15 : vector<1x1000x64xf32> to vector<1000x64xf32>
    %get3A_17 = arith.constant 0 : index
    %get3A_18 = arith.constant 0 : index
    %get3A_19 = arith.constant 0 : index
    %get3A_20 = vector.load %arg2[%get3A_17, %get3A_18, %get3A_19] : memref<1x1000x64xf32, #tpu.memory_space<vmem>>, vector<1x1000x64xf32>
    %get3A_21 = vector.shape_cast %get3A_20 : vector<1x1000x64xf32> to vector<1000x64xf32>
    %add3A_22 = arith.addf %get3A_16, %get3A_21 : vector<1000x64xf32>
    %get3A_23 = arith.constant 0 : index
    %get3A_24 = arith.constant 0 : index
    %get3A_25 = vector.load %arg3[%get3A_23, %get3A_24] : memref<1000x64xf32, #tpu.memory_space<vmem>>, vector<1000x64xf32>
    %add3A_26 = arith.addf %add3A_22, %get3A_25 : vector<1000x64xf32>
    %mul3A = vector.broadcast %rsqrt3A : vector<1000x1xf32> to vector<1000x64xf32>
    %mul3A_27 = arith.mulf %mul3A, %add3A_26 : vector<1000x64xf32>
    %get3A_28 = arith.constant 0 : index
    %get3A_29 = arith.constant 0 : index
    %get3A_30 = vector.load %arg6[%get3A_28, %get3A_29] : memref<1x64xf32, #tpu.memory_space<vmem>>, vector<1x64xf32>
    %add3A_31 = vector.broadcast %get3A_30 : vector<1x64xf32> to vector<1000x64xf32>
    %add3A_32 = arith.addf %mul3A_27, %add3A_31 : vector<1000x64xf32>
    %max3A = arith.constant 0.000000e+00 : f32
    %max3A_33 = vector.broadcast %max3A : f32 to vector<1000x64xf32>
    %max3A_34 = arith.maximumf %add3A_32, %max3A_33 : vector<1000x64xf32>
    %get3A_35 = arith.constant 0 : index
    %get3A_36 = arith.constant 0 : index
    %get3A_37 = vector.load %arg7[%get3A_35, %get3A_36] : memref<64x10xf32, #tpu.memory_space<vmem>>, vector<64x10xf32>
    %broadcast_in_dim3A = arith.constant 0.000000e+00 : f32
    %broadcast_in_dim3A_38 = vector.broadcast %broadcast_in_dim3A : f32 to vector<64x6xf32>
    %concatenate3A = tpu.concatenate %get3A_37, %broadcast_in_dim3A_38 in 1 : vector<64x10xf32>, vector<64x6xf32> -> vector<64x16xf32>
    %dot_general3A = arith.constant dense<0.000000e+00> : vector<1000x16xf32>
    %dot_general3A_39 = tpu.matmul %max3A_34, %concatenate3A, %dot_general3A {dimension_numbers = #tpu.dot_dimension_numbers<[1], [0], [0], [1], [0, 0, 1, 1], [], []>, transpose_lhs_hint = false} : vector<1000x64xf32>, vector<64x16xf32>, vector<1000x16xf32> -> vector<1000x16xf32>
    %mul3A_40 = vector.broadcast %rsqrt3A : vector<1000x1xf32> to vector<1000x16xf32>
    %mul3A_41 = arith.mulf %dot_general3A_39, %mul3A_40 : vector<1000x16xf32>
    %swap3A = arith.constant 0 : index
    %swap3A_42 = arith.constant 0 : index
    %swap3A_43 = vector.load %arg8[%swap3A, %swap3A_42] : memref<1000x16xf32, #tpu.memory_space<vmem>>, vector<1000x16xf32>
    tpu.vector_store %arg8[%swap3A, %swap3A_42], %mul3A_41 {strides = array<i32>} : memref<1000x16xf32, #tpu.memory_space<vmem>>, vector<1000x16xf32>,
    return
  }
  func.func @transform_0(%arg0: i32) -> (i32, i32, i32) {
    %c0_i32 = arith.constant 0 : i32
    %c0_i32_0 = arith.constant 0 : i32
    %c0_i32_1 = arith.constant 0 : i32
    return %c0_i32, %arg0, %c0_i32_0 : i32, i32, i32
  }
  func.func @transform_1(%arg0: i32) -> (i32, i32, i32) {
    %c1_i32 = arith.constant 1 : i32
    %c0_i32 = arith.constant 0 : i32
    %c0_i32_0 = arith.constant 0 : i32
    return %c1_i32, %arg0, %c0_i32 : i32, i32, i32
  }
  func.func @transform_2(%arg0: i32) -> (i32, i32) {
    %c0_i32 = arith.constant 0 : i32
    %c0_i32_0 = arith.constant 0 : i32
    return %arg0, %c0_i32 : i32, i32
  }
  func.func @transform_3(%arg0: i32) -> (i32, i32, i32) {
    %c0_i32 = arith.constant 0 : i32
    %c0_i32_0 = arith.constant 0 : i32
    %c0_i32_1 = arith.constant 0 : i32
    return %c0_i32, %arg0, %c0_i32_0 : i32, i32, i32
  }
  func.func @transform_4(%arg0: i32) -> (i32, i32, i32) {
    %c1_i32 = arith.constant 1 : i32
    %c0_i32 = arith.constant 0 : i32
    %c0_i32_0 = arith.constant 0 : i32
    return %c1_i32, %arg0, %c0_i32 : i32, i32, i32
  }
  func.func @transform_5(%arg0: i32) -> (i32, i32) {
    %c0_i32 = arith.constant 0 : i32
    %c0_i32_0 = arith.constant 0 : i32
    %c0_i32_1 = arith.constant 0 : i32
    return %c0_i32, %c0_i32_0 : i32, i32
  }
  func.func @transform_6(%arg0: i32) -> (i32, i32) {
    %c0_i32 = arith.constant 0 : i32
    %c0_i32_0 = arith.constant 0 : i32
    %c0_i32_1 = arith.constant 0 : i32
    return %c0_i32, %c0_i32_0 : i32, i32
  }
  func.func @transform_7(%arg0: i32) -> (i32, i32) {
    %c0_i32 = arith.constant 0 : i32
    %c0_i32_0 = arith.constant 0 : i32
    return %arg0, %c0_i32 : i32, i32
  }
}

module attributes {stable_mosaic.version = 14 : i64} {
  func.func @body(%arg0: i32, %arg1: memref<1x1000x16xf32, #tpu.memory_space<vmem>>, %arg2: memref<1x1000x16xf32, #tpu.memory_space<vmem>>, %arg3: memref<1000x16xf32, #tpu.memory_space<vmem>>, %arg4: memref<1x1000x1xf32, #tpu.memory_space<vmem>>, %arg5: memref<1x1000x1xf32, #tpu.memory_space<vmem>>, %arg6: memref<1x10xf32, #tpu.memory_space<vmem>>, %arg7: memref<1000x10xf32, #tpu.memory_space<vmem>>) attributes {dimension_semantics = [#tpu.dimension_semantics<arbitrary>], iteration_bounds = array<i64: 10>, scalar_prefetch = 0 : i64, scratch_operands = 0 : i64, tpu.core_type = #tpu.core_type<tc>, window_params = [{transform_indices = @transform_0, window_bounds = array<i64: 1, 1000, 16>}, {transform_indices = @transform_1, window_bounds = array<i64: 1, 1000, 16>}, {transform_indices = @transform_2, window_bounds = array<i64: 1000, 16>}, {transform_indices = @transform_3, window_bounds = array<i64: 1, 1000, 1>}, {transform_indices = @transform_4, window_bounds = array<i64: 1, 1000, 1>}, {pipeline_mode = #tpu.pipeline_mode<synchronous>, transform_indices = @transform_5, window_bounds = array<i64: 1, 10>}, {transform_indices = @transform_6, window_bounds = array<i64: 1000, 10>}]} {
    %get3A = arith.constant 0 : index
    %get3A_0 = arith.constant 0 : index
    %get3A_1 = arith.constant 0 : index
    %get3A_2 = vector.load %arg4[%get3A, %get3A_0, %get3A_1] : memref<1x1000x1xf32, #tpu.memory_space<vmem>>, vector<1x1000x1xf32>
    %get3A_3 = vector.shape_cast %get3A_2 : vector<1x1000x1xf32> to vector<1000x1xf32>
    %get3A_4 = arith.constant 0 : index
    %get3A_5 = arith.constant 0 : index
    %get3A_6 = arith.constant 0 : index
    %get3A_7 = vector.load %arg5[%get3A_4, %get3A_5, %get3A_6] : memref<1x1000x1xf32, #tpu.memory_space<vmem>>, vector<1x1000x1xf32>
    %get3A_8 = vector.shape_cast %get3A_7 : vector<1x1000x1xf32> to vector<1000x1xf32>
    %add3A = arith.addf %get3A_3, %get3A_8 : vector<1000x1xf32>
    %add3A_9 = arith.constant 1.000000e+00 : f32
    %add3A_10 = vector.broadcast %add3A_9 : f32 to vector<1000x1xf32>
    %add3A_11 = arith.addf %add3A, %add3A_10 : vector<1000x1xf32>
    %rsqrt3A = math.rsqrt %add3A_11 : vector<1000x1xf32>
    %get3A_12 = arith.constant 0 : index
    %get3A_13 = arith.constant 0 : index
    %get3A_14 = vector.load %arg6[%get3A_12, %get3A_13] : memref<1x10xf32, #tpu.memory_space<vmem>>, vector<1x10xf32>
    %broadcast_in_dim3A = arith.constant 0.000000e+00 : f32
    %broadcast_in_dim3A_15 = vector.broadcast %broadcast_in_dim3A : f32 to vector<1x6xf32>
    %concatenate3A = tpu.concatenate %get3A_14, %broadcast_in_dim3A_15 in 1 : vector<1x10xf32>, vector<1x6xf32> -> vector<1x16xf32>
    %get3A_16 = arith.constant 0 : index
    %get3A_17 = arith.constant 0 : index
    %get3A_18 = arith.constant 0 : index
    %get3A_19 = vector.load %arg1[%get3A_16, %get3A_17, %get3A_18] : memref<1x1000x16xf32, #tpu.memory_space<vmem>>, vector<1x1000x16xf32>
    %get3A_20 = vector.shape_cast %get3A_19 : vector<1x1000x16xf32> to vector<1000x16xf32>
    %get3A_21 = arith.constant 0 : index
    %get3A_22 = arith.constant 0 : index
    %get3A_23 = arith.constant 0 : index
    %get3A_24 = vector.load %arg2[%get3A_21, %get3A_22, %get3A_23] : memref<1x1000x16xf32, #tpu.memory_space<vmem>>, vector<1x1000x16xf32>
    %get3A_25 = vector.shape_cast %get3A_24 : vector<1x1000x16xf32> to vector<1000x16xf32>
    %add3A_26 = arith.addf %get3A_20, %get3A_25 : vector<1000x16xf32>
    %get3A_27 = arith.constant 0 : index
    %get3A_28 = arith.constant 0 : index
    %get3A_29 = vector.load %arg3[%get3A_27, %get3A_28] : memref<1000x16xf32, #tpu.memory_space<vmem>>, vector<1000x16xf32>
    %add3A_30 = arith.addf %add3A_26, %get3A_29 : vector<1000x16xf32>
    %mul3A = vector.broadcast %rsqrt3A : vector<1000x1xf32> to vector<1000x16xf32>
    %mul3A_31 = arith.mulf %mul3A, %add3A_30 : vector<1000x16xf32>
    %add3A_32 = vector.broadcast %concatenate3A : vector<1x16xf32> to vector<1000x16xf32>
    %add3A_33 = arith.addf %mul3A_31, %add3A_32 : vector<1000x16xf32>
    %iota3A = tpu.iota {dimensions = array<i32: 1>} : vector<1000x16xi32>
    %lt3A = arith.constant 10 : i32
    %lt3A_34 = vector.broadcast %lt3A : i32 to vector<1000x16xi32>
    %lt3A_35 = arith.cmpi slt, %iota3A, %lt3A_34 : vector<1000x16xi32>
    %jit3A = arith.constant -1.000000e+30 : f32
    %broadcast_in_dim3A_36 = vector.broadcast %jit3A : f32 to vector<1000x16xf32>
    %select_n3A = arith.select %lt3A_35, %add3A_33, %broadcast_in_dim3A_36 : vector<1000x16xi1>, vector<1000x16xf32>
    %reduce_max3A = arith.constant dense<0xFF800000> : vector<1000xf32>
    %reduce_max3A_37 = vector.multi_reduction <maximumf>, %select_n3A, %reduce_max3A [1] : vector<1000x16xf32> to vector<1000xf32>
    %broadcast_in_dim3A_38 = vector.shape_cast %reduce_max3A_37 : vector<1000xf32> to vector<1000x1xf32>
    %sub3A = vector.broadcast %broadcast_in_dim3A_38 : vector<1000x1xf32> to vector<1000x16xf32>
    %sub3A_39 = arith.subf %select_n3A, %sub3A : vector<1000x16xf32>
    %exp3A = math.exp %sub3A_39 : vector<1000x16xf32>
    %reduce_sum3A = arith.constant dense<0.000000e+00> : vector<1000xf32>
    %reduce_sum3A_40 = vector.multi_reduction <add>, %exp3A, %reduce_sum3A [1] : vector<1000x16xf32> to vector<1000xf32>
    %broadcast_in_dim3A_41 = vector.shape_cast %reduce_sum3A_40 : vector<1000xf32> to vector<1000x1xf32>
    %log3A = math.log %broadcast_in_dim3A_41 : vector<1000x1xf32>
    %add3A_42 = arith.addf %log3A, %broadcast_in_dim3A_38 : vector<1000x1xf32>
    %sub3A_43 = vector.broadcast %add3A_42 : vector<1000x1xf32> to vector<1000x16xf32>
    %sub3A_44 = arith.subf %add3A_33, %sub3A_43 : vector<1000x16xf32>
    %slice3A = vector.extract_strided_slice %sub3A_44 {offsets = [0, 0], sizes = [1000, 10], strides = [1, 1]} : vector<1000x16xf32> to vector<1000x10xf32>
    %swap3A = arith.constant 0 : index
    %swap3A_45 = arith.constant 0 : index
    %swap3A_46 = vector.load %arg7[%swap3A, %swap3A_45] : memref<1000x10xf32, #tpu.memory_space<vmem>>, vector<1000x10xf32>
    tpu.vector_store %arg7[%swap3A, %swap3A_45], %slice3A {strides = array<i32>} : memref<1000x10xf32, #tpu.memory_space<vmem>>, vector<1000x10xf32>,
    return
  }
  func.func @transform_0(%arg0: i32) -> (i32, i32, i32) {
    %c0_i32 = arith.constant 0 : i32
    %c0_i32_0 = arith.constant 0 : i32
    %c0_i32_1 = arith.constant 0 : i32
    return %c0_i32, %arg0, %c0_i32_0 : i32, i32, i32
  }
  func.func @transform_1(%arg0: i32) -> (i32, i32, i32) {
    %c1_i32 = arith.constant 1 : i32
    %c0_i32 = arith.constant 0 : i32
    %c0_i32_0 = arith.constant 0 : i32
    return %c1_i32, %arg0, %c0_i32 : i32, i32, i32
  }
  func.func @transform_2(%arg0: i32) -> (i32, i32) {
    %c0_i32 = arith.constant 0 : i32
    %c0_i32_0 = arith.constant 0 : i32
    return %arg0, %c0_i32 : i32, i32
  }
  func.func @transform_3(%arg0: i32) -> (i32, i32, i32) {
    %c0_i32 = arith.constant 0 : i32
    %c0_i32_0 = arith.constant 0 : i32
    %c0_i32_1 = arith.constant 0 : i32
    return %c0_i32, %arg0, %c0_i32_0 : i32, i32, i32
  }
  func.func @transform_4(%arg0: i32) -> (i32, i32, i32) {
    %c1_i32 = arith.constant 1 : i32
    %c0_i32 = arith.constant 0 : i32
    %c0_i32_0 = arith.constant 0 : i32
    return %c1_i32, %arg0, %c0_i32 : i32, i32, i32
  }
  func.func @transform_5(%arg0: i32) -> (i32, i32) {
    %c0_i32 = arith.constant 0 : i32
    %c0_i32_0 = arith.constant 0 : i32
    %c0_i32_1 = arith.constant 0 : i32
    return %c0_i32, %c0_i32_0 : i32, i32
  }
  func.func @transform_6(%arg0: i32) -> (i32, i32) {
    %c0_i32 = arith.constant 0 : i32
    %c0_i32_0 = arith.constant 0 : i32
    return %arg0, %c0_i32 : i32, i32
  }
}

</mosaic_0001>

<sc_bundles>
// kernel: kernel.11.cloned.1.call-start
scs
__scs_entry_jumppad:
0x0: {  	(pc) =	sbr.rel $0x88, $3  }
0x1: {  	(tag) =	ssettag $0x0;
	lr =	simm.s32 $0x1  }
0x2: {  	[smem:$0x3F9B] =	sst lr;
	_ =	strace $0xD0000000  }
0x3: {  	_ = 	snop  }
0x4: {  	_ = 	snop  }
0x5: {  	_ = 	snop  }
0x6: {  	_ = 	snop  }
0x7: {  	_ = 	snop  }
__scs_overlays_trampoline_lowered:
0x8: {  	[smem:$0x3FAA] =	sst s0  }
0x9: {  	[smem:$0x3FAB] =	sst s1  }
0xa: {  	[smem:$0x3FAC] =	sst s2  }
0xb: {  	[smem:$0x3FAD] =	sst s3  }
0xc: {  	[smem:$0x3FAE] =	sst s4  }
0xd: {  	[smem:$0x3FAF] =	sst s5  }
0xe: {  	[smem:$0x3FB0] =	sst s6  }
0xf: {  	[smem:$0x3FB1] =	sst s7  }
0x10: {  	[smem:$0x3FB2] =	sst s8  }
0x11: {  	[smem:$0x3FB3] =	sst s9;
	s0 =	simm.s32 @!p0 $0x0  }
0x12: {  	s1 =	sld [smem:$0x3F99];
	s0 =	simm.s32 @p0 $0x1  }
0x13: {  	[smem:$0x3FB4] =	sst s0;
	s0 =	simm.s32 @!p1 $0x0  }
0x14: {  	s2 =	sld [smem:$0x3F98];
	s0 =	simm.s32 @p1 $0x1  }
0x15: {  	[smem:$0x3FB5] =	sst s0;
	s0 =	simm.s32 @!p2 $0x0  }
0x16: {  	s3 =	sld [smem:$0x3FDB];
	s0 =	simm.s32 @p2 $0x1  }
0x17: {  	s4 =	simm.s32 $0x1BF5;
	[smem:$0x3FB7] =	sst s0  }
0x18: {  	s0 =	sld [smem:$0x3F9A];
	_ =	swait.ge [sflag:s4], $0x0  }
0x19: {  	s7 =	sld [smem:$0x3F9B]  }
0x1a: {  	s8 =	sadd.s32 $0xFFFFE003, lr  }
0x1b: {  	s9 =	sadd.s32 $0xFFFFFEF7, lr;
	s5 =	simm.s32 $0xFFFFFFFF;
	p2 =	slt.u32 s8, $0xFFFFF086  }
0x1c: {  	p1 =	slt.u32 s9, $0xF7A;
	s5 =	simm.s32 @!p2 $0x0  }
0x1d: {  	s5 =	simm.s32 @p1 $0x1;
	p0 =	seq.s32 s7, s2  }
0x1e: {  	s7 =	smul.u32 @!p0 $0xF7A, s2;
	p2 =	seq.s32 @!p0 s5, $0x0  }
0x1f: {  	s9 =	smul.u32 $0xF7A, s1;
	s8 =	simm.s32 @!p0 $0x1BF5;
	p2 =	por !p2, p0  }
0x20: {  	[sflag:s8] =	ssyncset.s32 @!p0 $0xFFFFF086;
	s6 =	sadd.s32 @!p0 s3, s7;
	s7 =	simm.s32 @!p0 $0x108  }
0x21: {  	s3 =	sadd.s32 s3, s9;
	s6 =	sadd.s32 @!p0 $0x88, s6;
	s7 =	simm.s32 @p2 $0x1082  }
0x22: {  	[simem:s7], [sflag:s8] =	dma.local @!p0 [hbm:s6], $0xF7A  }
0x23: {  	s9 =	sor.u32 $0xD0000000, s2;
	s6 =	simm.s32 $0x108;
	_ =	swait.ge @!p0 [sflag:s8], $0x0  }
0x24: {  	s3 =	sadd.s32 $0x88, s3;
	s6 =	simm.s32 @!p1 $0x1082;
	[sflag:s4] =	ssyncset.s32 $0xFFFFF086  }
0x25: {  	[simem:s6], [sflag:s4] =	dma.local [hbm:s3], $0xF7A  }
0x26: {  	[smem:$0x3F9B] =	sst s1;
	(tag) =	ssettag s2;
	_ =	strace s9  }
0x27: {  	s1 =	sld [smem:$0x3FAB]  }
0x28: {  	s2 =	sld [smem:$0x3FAC]  }
0x29: {  	s4 =	sld [smem:$0x3FAE]  }
0x2a: {  	p0 =	seq.s32 s5, $0x0;
	s5 =	sld [smem:$0x3FAF]  }
0x2b: {  	s6 =	sld [smem:$0x3FB0]  }
0x2c: {  	s7 =	sld [smem:$0x3FB1]  }
0x2d: {  	s3 =	simm.s32 $0x108;
	s8 =	sld [smem:$0x3FB2]  }
0x2e: {  	s3 =	simm.s32 @!p0 $0x1082;
	s9 =	sld [smem:$0x3FB3]  }
0x2f: {  	lr =	sadd.s32 s0, s3;
	s0 =	sld [smem:$0x3FAA]  }
0x30: {  	s3 =	sld [smem:$0x3FAD]  }
0x31: {  	[smem:$0x3FB6] =	sst s10  }
0x32: {  	s10 =	sld [smem:$0x3FB4];
	_ =	sdelay $0x3  }
0x33: {  	p0 =	seq.s32 s10, $0x1;
	s10 =	sld [smem:$0x3FB6];
	_ =	sdelay $0x3  }
0x34: {  	[smem:$0x3FB6] =	sst s10  }
0x35: {  	s10 =	sld [smem:$0x3FB5];
	_ =	sdelay $0x3  }
0x36: {  	p1 =	seq.s32 s10, $0x1;
	s10 =	sld [smem:$0x3FB6];
	_ =	sdelay $0x3  }
0x37: {  	[smem:$0x3FB6] =	sst s10  }
0x38: {  	s10 =	sld [smem:$0x3FB7]  }
0x39: {  	_ = 	snop;
	(pc) =	sbr.ind lr, $3  }
0x3a: {  	_ = 	snop  }
0x3b: {  	_ = 	snop  }
0x3c: {  	p2 =	seq.s32 s10, $0x1;
	s10 =	sld [smem:$0x3FB6]  }
0x3d: {  	_ =	shalt  }
0x3e: {  	_ =	shalt  }
0x3f: {  	_ =	shalt  }
0x40: {  	_ =	shalt  }
0x41: {  	_ =	shalt  }
0x42: {  	_ =	shalt  }
0x43: {  	_ =	shalt  }
0x44: {  	_ =	shalt  }
0x45: {  	_ =	shalt  }
0x46: {  	_ =	shalt  }
0x47: {  	_ =	shalt  }
0x48: {  	_ =	shalt  }
0x49: {  	_ =	shalt  }
0x4a: {  	_ =	shalt  }
0x4b: {  	_ =	shalt  }
0x4c: {  	_ =	shalt  }
0x4d: {  	_ =	shalt  }
0x4e: {  	_ =	shalt  }
0x4f: {  	_ =	shalt  }
0x50: {  	_ =	shalt  }
0x51: {  	_ =	shalt  }
0x52: {  	_ =	shalt  }
0x53: {  	_ =	shalt  }
0x54: {  	_ =	shalt  }
0x55: {  	_ =	shalt  }
0x56: {  	_ =	shalt  }
0x57: {  	_ =	shalt  }
0x58: {  	_ =	shalt  }
0x59: {  	_ =	shalt  }
0x5a: {  	_ =	shalt  }
0x5b: {  	_ =	shalt  }
0x5c: {  	_ =	shalt  }
0x5d: {  	_ =	shalt  }
0x5e: {  	_ =	shalt  }
0x5f: {  	_ =	shalt  }
0x60: {  	_ =	shalt  }
0x61: {  	_ =	shalt  }
0x62: {  	_ =	shalt  }
0x63: {  	_ =	shalt  }
0x64: {  	_ =	shalt  }
0x65: {  	_ =	shalt  }
0x66: {  	_ =	shalt  }
0x67: {  	_ =	shalt  }
0x68: {  	_ =	shalt  }
0x69: {  	_ =	shalt  }
0x6a: {  	_ =	shalt  }
0x6b: {  	_ =	shalt  }
0x6c: {  	_ =	shalt  }
0x6d: {  	_ =	shalt  }
0x6e: {  	_ =	shalt  }
0x6f: {  	_ =	shalt  }
0x70: {  	_ =	shalt  }
0x71: {  	_ =	shalt  }
0x72: {  	_ =	shalt  }
0x73: {  	_ =	shalt  }
0x74: {  	_ =	shalt  }
0x75: {  	_ =	shalt  }
0x76: {  	_ =	shalt  }
0x77: {  	_ =	shalt  }
0x78: {  	_ =	shalt  }
0x79: {  	_ =	shalt  }
0x7a: {  	_ =	shalt  }
0x7b: {  	_ =	shalt  }
0x7c: {  	_ =	shalt  }
0x7d: {  	_ =	shalt  }
0x7e: {  	_ =	shalt  }
0x7f: {  	_ =	shalt  }
0x80: {  	_ =	shalt  }
0x81: {  	_ =	shalt  }
0x82: {  	_ =	shalt  }
0x83: {  	_ =	shalt  }
0x84: {  	_ =	shalt  }
0x85: {  	_ =	shalt  }
0x86: {  	_ =	shalt  }
0x87: {  	_ =	shalt  }
.Lfunc_end0:
.L_simem_size_0:
called_computation.1_lowered:
.L_overlay_start_0:
0x88: {  	s2 =	sld [smem:$0x3FD9]  }
0x89: {  	s3 =	sld [smem:$0x3FFE];
	_ =	sdelay $0x1  }
0x8a: {  	s1 =	srdreg.scid  }
0x8b: {  	s0 =	sand.u32 $0x1, s1  }
0x8c: {  	s17 =	sshll.u32 s0, $0xA;
	s2 =	sadd.s32 s3, s2  }
0x8d: {  	s2 =	sadd.s32 s2, s17  }
0x8e: {  	[smem:$0x3FC2] =	sst s2  }
0x8f: {  	_ = 	snop  }
0x90: {  	s2 =	sld [smem:$0x3FD0];
	(tm) =	ssettm $0x1  }
0x91: {  	s18 =	sld [smem:$0x3FFB];
	_ =	sdelay $0x3  }
0x92: {  	_ =	strace s18  }
0x93: {  	s3 =	sld [smem:$0x3FFC];
	_ =	sdelay $0x3  }
0x94: {  	_ =	strace s3  }
0x95: {  	s3 =	sld [smem:$0x3FFD];
	_ =	sdelay $0x3  }
0x96: {  	_ =	strace s3  }
0x97: {  	_ =	strace $0x8FFFFFFF  }
0x98: {  	s19 =	sld [smem:$0x3FDB];
	_ =	sdelay $0x1  }
0x99: {  	s4 =	simm.s32 $_scs_section_size  }
0x9a: {  	s5 =	simm.s32 $_size__tile_overlayer_lowered;
	s6 =	simm.s32 $_tile_overlayer_lowered  }
0x9b: {  	s22 =	simm.s32 $0x1BFF;
	s21 =	sshll.u32 s6, $0x1;
	s3 =	sadd.s32 s4, s19  }
0x9c: {  	s7 =	simm.s32 $0x0;
	s20 =	sshll.u32 s5, $0x1;
	s5 =	sadd.s32 s21, s3  }
0x9d: {  	[timem:s7], [sflag:s22] =	dma.local [hbm:s5], s20  }
0x9e: {  	_ =	swait.ge [sflag:s22], s20  }
0x9f: {  	s4 =	ssub.s32 $0x0, s20;
	[sflag:s22] =	ssyncset.done $0x0  }
0xa0: {  	[sflag:s22] =	ssyncadd.s32 s4;
	_ =	sdelay $0x1  }
0xa1: {  	s23 =	simm.s32 $0x1B8B  }
0xa2: {  	_ =	swait.ge [sflag:s23], $0x1  }
0xa3: {  	[sflag:s23] =	ssyncset.done $0x0  }
0xa4: {  	s25 =	simm.s32 $0x1B8E;
	s24 =	sld [smem:$0x3FFE];
	[sflag:s23] =	ssyncadd.s32 $0xFFFFFFFF  }
0xa5: {  	s26 =	simm.s32 $execute0_lowered;
	[smem:$0x3FD2] =	sst s25  }
0xa6: {  	s5 =	sshll.u32 s26, $0x1;
	_ =	strace $0x80000049;
	[dreg:$0x1] =	wrdreg $0xFFFFFFFF  }
0xa7: {  	s28 =	simm.s32 $_size_execute0_lowered;
	s3 =	sadd.s32 s3, s5;
	[dreg:$0x0] =	wrdreg $0x0  }
0xa8: {  	s5 =	sshll.u32 s28, $0x1;
	[dreg:$0x2] =	wrdreg s3  }
0xa9: {  	[dreg:$0x3] =	wrdreg s5  }
0xaa: {  	[dreg:$0x4] =	wrdreg $0xC0  }
0xab: {  	_ =	task [dreg:s7], $0x5FFFF  }
0xac: {  	[dreg:$0x1] =	wrdreg $0xFFFFFFFF  }
0xad: {  	[dreg:$0x0] =	wrdreg $0x60  }
0xae: {  	[dreg:$0x2] =	wrdreg s24  }
0xaf: {  	[dreg:$0x3] =	wrdreg s2  }
0xb0: {  	[dreg:$0x4] =	wrdreg $0x154000  }
0xb1: {  	[dreg:$0x5] =	wrdreg $0x9  }
0xb2: {  	_ =	task.clear_ibuf [dreg:s7], $0x6FFFF;
	_ =	strace $0x90000049  }
0xb3: {  	s29 =	simm.s32 $0x9;
	_ =	strace $0x8000004B  }
0xb4: {  	_ =	swait.ge [sflag:s29], $0x1  }
0xb5: {  	[sflag:s29] =	ssyncadd.s32 $0xFFFFFFFF  }
0xb6: {  	_ =	strace $0x9000004B  }
0xb7: {  	_ =	sfence  }
0xb8: {  	s30 =	sld [smem:$0x0];
	_ =	sdelay $0x2  }
0xb9: {  	s31 =	sshll.u32 s1, $0xD;
	s1 =	sshrl.u32 s1, $0x2  }
0xba: {  	s3 =	sand.u32 $0x4000, s31;
	s1 =	sadd.s32 s1, s30  }
0xbb: {  	s0 =	sor.u32 s3, s0;
	s1 =	sshll.u32 s1, $0x11  }
0xbc: {  	s0 =	sor.u32 s1, s0  }
0xbd: {  	s0 =	sadd.s32 $0x8F2B, s0  }
0xbe: {  	[sflag:s0] =	ssyncadd.remote.s32 $0x1  }
0xbf: {  	_ =	sfence.sel $0xFFFF  }
0xc0: {  	[dreg:$0x0] =	wrdreg $0xFFFFFFFF;
	(pc) =	sbr.abs _section_cstart, $3  }
0xc1: {  	[dreg:$0x1] =	wrdreg $0xFFFFFFFF  }
0xc2: {  	_ =	task.clear_ibuf [dreg:s7], $0x2FFFF;
	_ =	strace $0x9FFFFFFF  }
0xc3: {  	(tm) =	ssettm $0x7FFFFFFF  }
tec
execute0_lowered:
.L_overlay_start_1:
0x0: {  	(tag) =	ssettag $0x1  }
0x1: {  	s6 =	rddreg [dreg:$0x0]  }
0x2: {  	s1 =	rddreg [dreg:$0x1]  }
0x3: {  	s3 =	rddreg [dreg:$0x2]  }
0x4: {  	s0 =	rddreg [dreg:$0x3];
	s4 =	simm.s32 $0x0  }
0x5: {  	s5 =	srdreg.scid;
	s2 =	stileid.u32;
	s16 =	simm.s32 $0x3  }
0x6: {  	s17 =	simm.s32 $0x80;
	s18 =	simm.s32 $0x0;
	[smem:$0x7FF] =	sst s4  }
0x7: {  	s7 =	sand.u32 $0x1, s5;
	s8 =	smul.u32 $0xA000, s2;
	s5 =	sadd.s32 $0x8D600, s6  }
0x8: {  	s12 =	sadd.s32 $0x2400, s6;
	s26 =	smul.u32 $0x2800, s2;
	s28 =	sshll.u32 s2, $0x6  }
0x9: {  	_ =	strace $0x8000004A;
	s9 =	smul.u32 $0xA0000, s7;
	s10 =	sshll.u32 s7, $0x4  }
0xa: {  	s11 =	ssub.s32 $0x2, s7;
	s14 =	smul.u32 $0x28000, s7;
	s10 =	sor.u32 s2, s10  }
0xb: {  	s13 =	sshrl.u32 s11, $0x1;
	s15 =	sadd.s32 s8, s3;
	s9 =	sadd.s32 s8, s9  }
0xc: {  	s10 =	smul.u32 $0x2800, s10;
	s11 =	ssub.s32 s11, s13;
	s30 =	sadd.s32 s26, s14  }
0xd: {  	s14 =	simm.s32 $0x4;
	s9 =	sshrl.u32 s9, $0x3;
	s13 =	sadd.s32 $0x50500, s30  }
.Ltmp0:
0xe: {  	s9 =	sadd.s32 s9, s6;
	s29 =	sshrl.u32 s10, $0x3;
	(pc) =	sbr.rel .LBB2_1-.Ltmp0, $4  }
0xf: {  	s6 =	sor.u32 $0x1C04, s28;
	s10 =	sor.u32 $0x500, s30;
	s13 =	sshrl.u32 s13, $0x3  }
0x10: {  	s7 =	sadd.s32 s12, s29;
	s9 =	sadd.s32 $0xA1000, s9;
	s31 =	sshrl.u32 s10, $0x3  }
0x11: {  	s10 =	smax.u32 s11, $0x1;
	s11 =	sadd.s32 s13, s12;
	s13 =	sshrl.u32 s15, $0x3  }
0x12: {  	s15 =	simm.s32 $0xA00;
	s8 =	sadd.s32 $0xA000, s7;
	s12 =	sadd.s32 s31, s12  }
.LBB2_7:
0x13: {  	s18 =	sadd.s32 $0x1, s18  }
0x14: {  	p0 =	sne.s32 s18, s10  }
.Ltmp1:
0x15: {  	[bflag:$0x0] =	sbarrier.arrive $0xFFFF;
	(pc) =	sbr.rel @!p0 .LBB2_8-.Ltmp1, $4  }
0x16: {  	[hbm:s9], [sflag:s6] =	dma.local [spmem:s13], $0x1400  }
0x17: {  	_ =	swait.ge [sflag:s14], $0x1400  }
0x18: {  	[sflag:s14] =	ssyncset.done $0x0  }
0x19: {  	[sflag:s14] =	ssyncadd.s32 $0xFFFFEC00  }
.LBB2_1:
0x1a: {  	[spmem:s13], [sflag:s6] =	dma.local [hbm:s1], $0x1400  }
0x1b: {  	_ =	swait.ge [sflag:s14], $0x1400  }
0x1c: {  	[sflag:s14] =	ssyncset.done $0x0  }
0x1d: {  	[sflag:s14] =	ssyncadd.s32 $0xFFFFEC00  }
0x1e: {  	[tilespmem:s4], [sflag:$0x4] =	stream.linear.gather [hbm4b:s7+s4], $0x500, $0x38;
	[tilespmem:$0x1F400] =	vst v63  }
0x1f: {  	_ =	swait.ge [sflag:s14], $0x500  }
0x20: {  	[sflag:s14] =	ssyncset.done $0x0  }
0x21: {  	[sflag:s14] =	ssyncadd.s32 $0xFFFFFB00  }
0x22: {  	[tilespmem:s15], [sflag:$0x4] =	stream.linear.gather [hbm4b:s8+s4], $0x500, $0x38;
	[tilespmem:$0x1F400] =	vst v63  }
.Ltmp2:
0x23: {  	_ =	swait.ge [sflag:s14], $0x500;
	(pc) =	sbr.rel .LBB2_2-.Ltmp2, $4  }
0x24: {  	[sflag:s14] =	ssyncset.done $0x0  }
0x25: {  	[sflag:s14] =	ssyncadd.s32 $0xFFFFFB00  }
0x26: {  	[bflag:$0x0] =	sbarrier.arrive $0xFFFF  }
0x27: {  	s19 =	simm.s32 $0xFFFFFFFE;
	s20 =	smov.u32 s12;
	s21 =	smov.u32 s11  }
.LBB2_3:
0x28: {  	_ =	swait.ge [sflag:s16], $0x280  }
0x29: {  	[sflag:s16] =	ssyncset.done $0x0  }
0x2a: {  	[sflag:s16] =	ssyncadd.s32 $0xFFFFFD80  }
0x2b: {  	_ =	swait.ge [sflag:s16], $0x280  }
0x2c: {  	[sflag:s16] =	ssyncset.done $0x0  }
0x2d: {  	[sflag:s16] =	ssyncadd.s32 $0xFFFFFD80  }
.LBB2_5:
0x2e: {  	s23 =	sand.u32 $0x3, s22;
	s25 =	sand.u32 $0x1, s22  }
0x2f: {  	s22 =	simm.s32 $0xA000;
	p0 =	seq.s32 s25, $0x1;
	s23 =	smul.u32 $0xA00, s23  }
0x30: {  	s22 =	simm.s32 @!p0 $0x0  }
0x31: {  	s24 =	sor.u32 $0x1400, s22;
	s23 =	sshrl.u32 s23, $0x2  }
0x32: {  	[tilespmem:s24], [sflag:$0x1] =	stream.indirect.gather [hbm4b:s5+s17], $0x40, s23, s17, $0xb8;
	[tilespmem:$0x1F400] =	vst v63  }
0x33: {  	s26 =	sadd.s32 $0x3400, s22;
	s25 =	sadd.s32 $0x80, s23  }
0x34: {  	[tilespmem:s26], [sflag:$0x1] =	stream.indirect.gather [hbm4b:s5+s17], $0x40, s25, s17, $0xb8;
	[tilespmem:$0x1F400] =	vst v63  }
0x35: {  	s28 =	sor.u32 $0x5400, s22;
	s29 =	sadd.s32 $0x100, s23  }
0x36: {  	[tilespmem:s28], [sflag:$0x1] =	stream.indirect.gather [hbm4b:s5+s17], $0x40, s29, s17, $0xb8;
	[tilespmem:$0x1F400] =	vst v63  }
0x37: {  	s30 =	sadd.s32 $0x7400, s22;
	s31 =	sadd.s32 $0x180, s23  }
0x38: {  	[tilespmem:s30], [sflag:$0x1] =	stream.indirect.gather [hbm4b:s5+s17], $0x40, s31, s17, $0xb8;
	[tilespmem:$0x1F400] =	vst v63  }
0x39: {  	s22 =	sadd.s32 $0x9400, s22;
	s23 =	sadd.s32 $0x200, s23  }
0x3a: {  	[tilespmem:s22], [sflag:$0x1] =	stream.indirect.gather [hbm4b:s5+s17], $0x40, s23, s17, $0xb8;
	[tilespmem:$0x1F400] =	vst v63  }
.LBB2_6:
0x3b: {  	s19 =	sadd.s32 $0x1, s19  }
0x3c: {  	p0 =	sgt.u32 s19, $0xF  }
0x3d: {  	s22 =	simm.s32 @!p0 $0x1  }
0x3e: {  	_ =	swait.ge @!p0 [sflag:s22], $0x2000  }
0x3f: {  	[sflag:s22] =	ssyncset.done @!p0 $0x0  }
0x40: {  	[sflag:s22] =	ssyncadd.s32 @!p0 $0xFFFFE000  }
0x41: {  	_ =	swait.ge @!p0 [sflag:s22], $0x2000  }
0x42: {  	[sflag:s22] =	ssyncset.done @!p0 $0x0  }
0x43: {  	[sflag:s22] =	ssyncadd.s32 @!p0 $0xFFFFE000  }
0x44: {  	_ =	swait.ge @!p0 [sflag:s22], $0x2000  }
0x45: {  	[sflag:s22] =	ssyncset.done @!p0 $0x0  }
0x46: {  	[sflag:s22] =	ssyncadd.s32 @!p0 $0xFFFFE000  }
0x47: {  	s23 =	sand.u32 @!p0 $0x3, s19;
	_ =	swait.ge @!p0 [sflag:s22], $0x2000  }
0x48: {  	s24 =	sand.u32 @!p0 $0x1, s19;
	s26 =	simm.s32 @!p0 $0x80;
	[sflag:s22] =	ssyncset.done @!p0 $0x0  }
0x49: {  	p1 =	seq.s32 @!p0 s24, $0x1;
	s23 =	smul.u32 @!p0 $0xA00, s23;
	[sflag:s22] =	ssyncadd.s32 @!p0 $0xFFFFE000  }
0x4a: {  	s24 =	simm.s32 @!p0 $0xA000;
	p1 =	por !p1, p0;
	_ =	swait.ge @!p0 [sflag:s22], $0x2000  }
0x4b: {  	s24 =	simm.s32 @p1 $0x0;
	s23 =	sshrl.u32 @!p0 s23, $0x2;
	[sflag:s22] =	ssyncset.done @!p0 $0x0  }
0x4c: {  	s25 =	sor.u32 @!p0 $0x1400, s24;
	[sflag:s22] =	ssyncadd.s32 @!p0 $0xFFFFE000;
	s22 =	sadd.s32 @!p0 $0xA00, s23  }
0x4d: {  	[spmem:s3] =	stream.indirect.scatter.add.f32 @!p0 [tilespmem:s25], [sflag:$0x2], $0x40, s22, s26, $0xb8;
	[tilespmem:$0x1F400] =	vst v63  }
0x4e: {  	s22 =	sadd.s32 @!p0 $0x3400, s24;
	s25 =	sadd.s32 @!p0 $0xA80, s23  }
0x4f: {  	[spmem:s3] =	stream.indirect.scatter.add.f32 @!p0 [tilespmem:s22], [sflag:$0x2], $0x40, s25, s26, $0xb8;
	[tilespmem:$0x1F400] =	vst v63  }
0x50: {  	s22 =	sor.u32 @!p0 $0x5400, s24;
	s25 =	sadd.s32 @!p0 $0xB00, s23  }
0x51: {  	[spmem:s3] =	stream.indirect.scatter.add.f32 @!p0 [tilespmem:s22], [sflag:$0x2], $0x40, s25, s26, $0xb8;
	[tilespmem:$0x1F400] =	vst v63  }
0x52: {  	s22 =	sadd.s32 @!p0 $0x7400, s24;
	s25 =	sadd.s32 @!p0 $0xB80, s23  }
0x53: {  	[spmem:s3] =	stream.indirect.scatter.add.f32 @!p0 [tilespmem:s22], [sflag:$0x2], $0x40, s25, s26, $0xb8;
	[tilespmem:$0x1F400] =	vst v63  }
0x54: {  	s23 =	sadd.s32 @!p0 $0xC00, s23;
	s22 =	sadd.s32 @!p0 $0x9400, s24  }
0x55: {  	[spmem:s3] =	stream.indirect.scatter.add.f32 @!p0 [tilespmem:s22], [sflag:$0x2], $0x40, s23, s26, $0xb8;
	[tilespmem:$0x1F400] =	vst v63  }
0x56: {  	p0 =	sne.s32 s19, $0x10  }
.Ltmp3:
0x57: {  	_ = 	snop;
	(pc) =	sbr.rel @!p0 .LBB2_7-.Ltmp3, $2  }
0x58: {  	_ =	sdelay $0x2  }
0x59: {  	s21 =	sadd.s32 $0x50, s21;
	s20 =	sadd.s32 $0x50, s20  }
.LBB2_2:
0x5a: {  	s22 =	sadd.s32 $0x2, s19  }
0x5b: {  	p0 =	slt.u32 s22, $0x2  }
0x5c: {  	s23 =	simm.s32 @!p0 $0x2  }
0x5d: {  	_ =	swait.ge @!p0 [sflag:s23], $0x2000  }
0x5e: {  	[sflag:s23] =	ssyncset.done @!p0 $0x0  }
0x5f: {  	[sflag:s23] =	ssyncadd.s32 @!p0 $0xFFFFE000  }
0x60: {  	_ =	swait.ge @!p0 [sflag:s23], $0x2000  }
0x61: {  	[sflag:s23] =	ssyncset.done @!p0 $0x0  }
0x62: {  	[sflag:s23] =	ssyncadd.s32 @!p0 $0xFFFFE000  }
0x63: {  	_ =	swait.ge @!p0 [sflag:s23], $0x2000  }
0x64: {  	[sflag:s23] =	ssyncset.done @!p0 $0x0  }
0x65: {  	[sflag:s23] =	ssyncadd.s32 @!p0 $0xFFFFE000  }
0x66: {  	_ =	swait.ge @!p0 [sflag:s23], $0x2000  }
0x67: {  	[sflag:s23] =	ssyncset.done @!p0 $0x0  }
0x68: {  	[sflag:s23] =	ssyncadd.s32 @!p0 $0xFFFFE000  }
0x69: {  	p1 =	sgt.u32 @!p0 s22, $0xD;
	_ =	swait.ge @!p0 [sflag:s23], $0x2000  }
0x6a: {  	p1 =	por p0, !p1;
	[sflag:s23] =	ssyncset.done @!p0 $0x0  }
0x6b: {  	[sflag:s23] =	ssyncadd.s32 @!p0 $0xFFFFE000;
	s23 =	sadd.s32 @p1 $0x4, s19  }
0x6c: {  	s23 =	sand.u32 @p1 $0x3, s23  }
0x6d: {  	p0 =	sgt.u32 s19, $0xD;
	s23 =	smul.u32 @p1 $0x280, s23  }
.Ltmp4:
0x6e: {  	_ = 	snop;
	(pc) =	sbr.rel @!p0 .LBB2_3-.Ltmp4, $4  }
0x6f: {  	_ = 	snop  }
0x70: {  	[tilespmem:s23], [sflag:$0x3] =	stream.linear.gather @p1 [hbm4b:s20+s4], $0x280, $0x38;
	[tilespmem:$0x1F400] =	vst v63  }
0x71: {  	s23 =	sadd.s32 @p1 $0xA00, s23  }
0x72: {  	[tilespmem:s23], [sflag:$0x3] =	stream.linear.gather @p1 [hbm4b:s21+s4], $0x280, $0x38;
	[tilespmem:$0x1F400] =	vst v63  }
0x73: {  	p0 =	sgt.u32 s22, $0xF  }
.Ltmp5:
0x74: {  	_ = 	snop;
	(pc) =	sbr.rel @p0 .LBB2_6-.Ltmp5, $4  }
.Ltmp6:
0x75: {  	_ = 	snop;
	(pc) =	sbr.rel @!p0 .LBB2_5-.Ltmp6, $4  }
0x76: {  	_ = 	snop  }
0x77: {  	_ = 	snop  }
0x78: {  	_ = 	snop  }
0x79: {  	_ = 	snop  }
.LBB2_8:
0x7a: {  	_ =	sfence.sel $0x180000  }
0x7b: {  	[bflag:$0x0] =	sbarrier.arrive $0xFFFF  }
0x7c: {  	p0 =	sne.s32 s2, $0x0;
	_ =	strace $0x9000004A  }
0x7d: {  	s0 =	sadd.s32 @!p0 $0x100000, s0;
	[bflag:$0x2] =	sbarrier.arrive $0xFFFF  }
0x7e: {  	[sflag:s0] =	ssyncadd.tile.s32 @!p0 $0x1;
	_ =	shalt  }
.Lfunc_end2:
_tile_overlayer_lowered:
.L_overlay_start_2:
0x7f: {  	(tag) =	ssettag $0x2  }
0x80: {  	s0 =	rddreg [dreg:$0x0];
	s2 =	stileid.u32  }
0x81: {  	s1 =	rddreg [dreg:$0x1];
	p0 =	sne.s32 s2, $0x0  }
0x82: {  	s3 =	rddreg [dreg:$0x2];
	[bflag:$0x3] =	sbarrier.arrive $0xFFFF;
	s2 =	simm.s32 @!p0 $0x1C04  }
0x83: {  	[timem:s3], [sflag:s2] =	dma.local @!p0 [hbm:s0], s1  }
0x84: {  	s0 =	simm.s32 @!p0 $0x4  }
0x85: {  	_ =	swait.ge @!p0 [sflag:s0], s1  }
0x86: {  	s1 =	ssub.s32 @!p0 $0x0, s1;
	[sflag:s0] =	ssyncset.done @!p0 $0x0  }
0x87: {  	[sflag:s0] =	ssyncadd.s32 @!p0 s1  }
0x88: {  	[bflag:$0x3] =	sbarrier.arrive $0xFFFF  }
0x89: {  	_ =	shalt  }

// kernel: kernel.14.cloned.1.call-start
scs
__scs_entry_jumppad:
0x0: {  	(pc) =	sbr.rel $0x88, $3  }
0x1: {  	(tag) =	ssettag $0x0;
	lr =	simm.s32 $0x1  }
0x2: {  	[smem:$0x3F9B] =	sst lr;
	_ =	strace $0xD0000000  }
0x3: {  	_ = 	snop  }
0x4: {  	_ = 	snop  }
0x5: {  	_ = 	snop  }
0x6: {  	_ = 	snop  }
0x7: {  	_ = 	snop  }
__scs_overlays_trampoline_lowered:
0x8: {  	[smem:$0x3FAA] =	sst s0  }
0x9: {  	[smem:$0x3FAB] =	sst s1  }
0xa: {  	[smem:$0x3FAC] =	sst s2  }
0xb: {  	[smem:$0x3FAD] =	sst s3  }
0xc: {  	[smem:$0x3FAE] =	sst s4  }
0xd: {  	[smem:$0x3FAF] =	sst s5  }
0xe: {  	[smem:$0x3FB0] =	sst s6  }
0xf: {  	[smem:$0x3FB1] =	sst s7  }
0x10: {  	[smem:$0x3FB2] =	sst s8  }
0x11: {  	[smem:$0x3FB3] =	sst s9;
	s0 =	simm.s32 @!p0 $0x0  }
0x12: {  	s1 =	sld [smem:$0x3F99];
	s0 =	simm.s32 @p0 $0x1  }
0x13: {  	[smem:$0x3FB4] =	sst s0;
	s0 =	simm.s32 @!p1 $0x0  }
0x14: {  	s2 =	sld [smem:$0x3F98];
	s0 =	simm.s32 @p1 $0x1  }
0x15: {  	[smem:$0x3FB5] =	sst s0;
	s0 =	simm.s32 @!p2 $0x0  }
0x16: {  	s3 =	sld [smem:$0x3FDB];
	s0 =	simm.s32 @p2 $0x1  }
0x17: {  	s4 =	simm.s32 $0x1BF5;
	[smem:$0x3FB7] =	sst s0  }
0x18: {  	s0 =	sld [smem:$0x3F9A];
	_ =	swait.ge [sflag:s4], $0x0  }
0x19: {  	s7 =	sld [smem:$0x3F9B]  }
0x1a: {  	s8 =	sadd.s32 $0xFFFFE003, lr  }
0x1b: {  	s9 =	sadd.s32 $0xFFFFFEF7, lr;
	s5 =	simm.s32 $0xFFFFFFFF;
	p2 =	slt.u32 s8, $0xFFFFF086  }
0x1c: {  	p1 =	slt.u32 s9, $0xF7A;
	s5 =	simm.s32 @!p2 $0x0  }
0x1d: {  	s5 =	simm.s32 @p1 $0x1;
	p0 =	seq.s32 s7, s2  }
0x1e: {  	s7 =	smul.u32 @!p0 $0xF7A, s2;
	p2 =	seq.s32 @!p0 s5, $0x0  }
0x1f: {  	s9 =	smul.u32 $0xF7A, s1;
	s8 =	simm.s32 @!p0 $0x1BF5;
	p2 =	por !p2, p0  }
0x20: {  	[sflag:s8] =	ssyncset.s32 @!p0 $0xFFFFF086;
	s6 =	sadd.s32 @!p0 s3, s7;
	s7 =	simm.s32 @!p0 $0x108  }
0x21: {  	s3 =	sadd.s32 s3, s9;
	s6 =	sadd.s32 @!p0 $0x88, s6;
	s7 =	simm.s32 @p2 $0x1082  }
0x22: {  	[simem:s7], [sflag:s8] =	dma.local @!p0 [hbm:s6], $0xF7A  }
0x23: {  	s9 =	sor.u32 $0xD0000000, s2;
	s6 =	simm.s32 $0x108;
	_ =	swait.ge @!p0 [sflag:s8], $0x0  }
0x24: {  	s3 =	sadd.s32 $0x88, s3;
	s6 =	simm.s32 @!p1 $0x1082;
	[sflag:s4] =	ssyncset.s32 $0xFFFFF086  }
0x25: {  	[simem:s6], [sflag:s4] =	dma.local [hbm:s3], $0xF7A  }
0x26: {  	[smem:$0x3F9B] =	sst s1;
	(tag) =	ssettag s2;
	_ =	strace s9  }
0x27: {  	s1 =	sld [smem:$0x3FAB]  }
0x28: {  	s2 =	sld [smem:$0x3FAC]  }
0x29: {  	s4 =	sld [smem:$0x3FAE]  }
0x2a: {  	p0 =	seq.s32 s5, $0x0;
	s5 =	sld [smem:$0x3FAF]  }
0x2b: {  	s6 =	sld [smem:$0x3FB0]  }
0x2c: {  	s7 =	sld [smem:$0x3FB1]  }
0x2d: {  	s3 =	simm.s32 $0x108;
	s8 =	sld [smem:$0x3FB2]  }
0x2e: {  	s3 =	simm.s32 @!p0 $0x1082;
	s9 =	sld [smem:$0x3FB3]  }
0x2f: {  	lr =	sadd.s32 s0, s3;
	s0 =	sld [smem:$0x3FAA]  }
0x30: {  	s3 =	sld [smem:$0x3FAD]  }
0x31: {  	[smem:$0x3FB6] =	sst s10  }
0x32: {  	s10 =	sld [smem:$0x3FB4];
	_ =	sdelay $0x3  }
0x33: {  	p0 =	seq.s32 s10, $0x1;
	s10 =	sld [smem:$0x3FB6];
	_ =	sdelay $0x3  }
0x34: {  	[smem:$0x3FB6] =	sst s10  }
0x35: {  	s10 =	sld [smem:$0x3FB5];
	_ =	sdelay $0x3  }
0x36: {  	p1 =	seq.s32 s10, $0x1;
	s10 =	sld [smem:$0x3FB6];
	_ =	sdelay $0x3  }
0x37: {  	[smem:$0x3FB6] =	sst s10  }
0x38: {  	s10 =	sld [smem:$0x3FB7]  }
0x39: {  	_ = 	snop;
	(pc) =	sbr.ind lr, $3  }
0x3a: {  	_ = 	snop  }
0x3b: {  	_ = 	snop  }
0x3c: {  	p2 =	seq.s32 s10, $0x1;
	s10 =	sld [smem:$0x3FB6]  }
0x3d: {  	_ =	shalt  }
0x3e: {  	_ =	shalt  }
0x3f: {  	_ =	shalt  }
0x40: {  	_ =	shalt  }
0x41: {  	_ =	shalt  }
0x42: {  	_ =	shalt  }
0x43: {  	_ =	shalt  }
0x44: {  	_ =	shalt  }
0x45: {  	_ =	shalt  }
0x46: {  	_ =	shalt  }
0x47: {  	_ =	shalt  }
0x48: {  	_ =	shalt  }
0x49: {  	_ =	shalt  }
0x4a: {  	_ =	shalt  }
0x4b: {  	_ =	shalt  }
0x4c: {  	_ =	shalt  }
0x4d: {  	_ =	shalt  }
0x4e: {  	_ =	shalt  }
0x4f: {  	_ =	shalt  }
0x50: {  	_ =	shalt  }
0x51: {  	_ =	shalt  }
0x52: {  	_ =	shalt  }
0x53: {  	_ =	shalt  }
0x54: {  	_ =	shalt  }
0x55: {  	_ =	shalt  }
0x56: {  	_ =	shalt  }
0x57: {  	_ =	shalt  }
0x58: {  	_ =	shalt  }
0x59: {  	_ =	shalt  }
0x5a: {  	_ =	shalt  }
0x5b: {  	_ =	shalt  }
0x5c: {  	_ =	shalt  }
0x5d: {  	_ =	shalt  }
0x5e: {  	_ =	shalt  }
0x5f: {  	_ =	shalt  }
0x60: {  	_ =	shalt  }
0x61: {  	_ =	shalt  }
0x62: {  	_ =	shalt  }
0x63: {  	_ =	shalt  }
0x64: {  	_ =	shalt  }
0x65: {  	_ =	shalt  }
0x66: {  	_ =	shalt  }
0x67: {  	_ =	shalt  }
0x68: {  	_ =	shalt  }
0x69: {  	_ =	shalt  }
0x6a: {  	_ =	shalt  }
0x6b: {  	_ =	shalt  }
0x6c: {  	_ =	shalt  }
0x6d: {  	_ =	shalt  }
0x6e: {  	_ =	shalt  }
0x6f: {  	_ =	shalt  }
0x70: {  	_ =	shalt  }
0x71: {  	_ =	shalt  }
0x72: {  	_ =	shalt  }
0x73: {  	_ =	shalt  }
0x74: {  	_ =	shalt  }
0x75: {  	_ =	shalt  }
0x76: {  	_ =	shalt  }
0x77: {  	_ =	shalt  }
0x78: {  	_ =	shalt  }
0x79: {  	_ =	shalt  }
0x7a: {  	_ =	shalt  }
0x7b: {  	_ =	shalt  }
0x7c: {  	_ =	shalt  }
0x7d: {  	_ =	shalt  }
0x7e: {  	_ =	shalt  }
0x7f: {  	_ =	shalt  }
0x80: {  	_ =	shalt  }
0x81: {  	_ =	shalt  }
0x82: {  	_ =	shalt  }
0x83: {  	_ =	shalt  }
0x84: {  	_ =	shalt  }
0x85: {  	_ =	shalt  }
0x86: {  	_ =	shalt  }
0x87: {  	_ =	shalt  }
.Lfunc_end0:
.L_simem_size_0:
called_computation.2_lowered:
.L_overlay_start_0:
0x88: {  	s2 =	sld [smem:$0x3FD9]  }
0x89: {  	s3 =	sld [smem:$0x3FFE];
	_ =	sdelay $0x1  }
0x8a: {  	s1 =	srdreg.scid  }
0x8b: {  	s0 =	sand.u32 $0x1, s1  }
0x8c: {  	s17 =	sshll.u32 s0, $0xA;
	s2 =	sadd.s32 s3, s2  }
0x8d: {  	s2 =	sadd.s32 s2, s17  }
0x8e: {  	[smem:$0x3FC2] =	sst s2  }
0x8f: {  	_ = 	snop  }
0x90: {  	s2 =	sld [smem:$0x3FD0];
	(tm) =	ssettm $0x1  }
0x91: {  	s18 =	sld [smem:$0x3FFB];
	_ =	sdelay $0x3  }
0x92: {  	_ =	strace s18  }
0x93: {  	s3 =	sld [smem:$0x3FFC];
	_ =	sdelay $0x3  }
0x94: {  	_ =	strace s3  }
0x95: {  	s3 =	sld [smem:$0x3FFD];
	_ =	sdelay $0x3  }
0x96: {  	_ =	strace s3  }
0x97: {  	_ =	strace $0x8FFFFFFF  }
0x98: {  	s19 =	sld [smem:$0x3FDB];
	_ =	sdelay $0x1  }
0x99: {  	s4 =	simm.s32 $_scs_section_size  }
0x9a: {  	s5 =	simm.s32 $_size__tile_overlayer_lowered;
	s6 =	simm.s32 $_tile_overlayer_lowered  }
0x9b: {  	s22 =	simm.s32 $0x1BFF;
	s21 =	sshll.u32 s6, $0x1;
	s3 =	sadd.s32 s4, s19  }
0x9c: {  	s7 =	simm.s32 $0x0;
	s20 =	sshll.u32 s5, $0x1;
	s5 =	sadd.s32 s21, s3  }
0x9d: {  	[timem:s7], [sflag:s22] =	dma.local [hbm:s5], s20  }
0x9e: {  	_ =	swait.ge [sflag:s22], s20  }
0x9f: {  	s4 =	ssub.s32 $0x0, s20;
	[sflag:s22] =	ssyncset.done $0x0  }
0xa0: {  	[sflag:s22] =	ssyncadd.s32 s4;
	_ =	sdelay $0x1  }
0xa1: {  	s23 =	simm.s32 $0x1B8B  }
0xa2: {  	_ =	swait.ge [sflag:s23], $0x1  }
0xa3: {  	[sflag:s23] =	ssyncset.done $0x0  }
0xa4: {  	s25 =	simm.s32 $0x1B8E;
	s24 =	sld [smem:$0x3FFE];
	[sflag:s23] =	ssyncadd.s32 $0xFFFFFFFF  }
0xa5: {  	s26 =	simm.s32 $execute0_lowered;
	[smem:$0x3FD2] =	sst s25  }
0xa6: {  	s5 =	sshll.u32 s26, $0x1;
	_ =	strace $0x8000004C;
	[dreg:$0x1] =	wrdreg $0xFFFFFFFF  }
0xa7: {  	s28 =	simm.s32 $_size_execute0_lowered;
	s3 =	sadd.s32 s3, s5;
	[dreg:$0x0] =	wrdreg $0x0  }
0xa8: {  	s5 =	sshll.u32 s28, $0x1;
	[dreg:$0x2] =	wrdreg s3  }
0xa9: {  	[dreg:$0x3] =	wrdreg s5  }
0xaa: {  	[dreg:$0x4] =	wrdreg $0xC0  }
0xab: {  	_ =	task [dreg:s7], $0x5FFFF  }
0xac: {  	[dreg:$0x1] =	wrdreg $0xFFFFFFFF  }
0xad: {  	[dreg:$0x0] =	wrdreg $0x60  }
0xae: {  	[dreg:$0x2] =	wrdreg s2  }
0xaf: {  	[dreg:$0x3] =	wrdreg s24  }
0xb0: {  	[dreg:$0x4] =	wrdreg $0x64000  }
0xb1: {  	[dreg:$0x5] =	wrdreg $0x9  }
0xb2: {  	_ =	task.clear_ibuf [dreg:s7], $0x6FFFF;
	_ =	strace $0x9000004C  }
0xb3: {  	s29 =	simm.s32 $0x9;
	_ =	strace $0x8000004E  }
0xb4: {  	_ =	swait.ge [sflag:s29], $0x1  }
0xb5: {  	[sflag:s29] =	ssyncadd.s32 $0xFFFFFFFF  }
0xb6: {  	_ =	strace $0x9000004E  }
0xb7: {  	_ =	sfence  }
0xb8: {  	s30 =	sld [smem:$0x0];
	_ =	sdelay $0x2  }
0xb9: {  	s31 =	sshll.u32 s1, $0xD;
	s1 =	sshrl.u32 s1, $0x2  }
0xba: {  	s3 =	sand.u32 $0x4000, s31;
	s1 =	sadd.s32 s1, s30  }
0xbb: {  	s0 =	sor.u32 s3, s0;
	s1 =	sshll.u32 s1, $0x11  }
0xbc: {  	s0 =	sor.u32 s1, s0  }
0xbd: {  	s0 =	sadd.s32 $0x8F2B, s0  }
0xbe: {  	[sflag:s0] =	ssyncadd.remote.s32 $0x1  }
0xbf: {  	_ =	sfence.sel $0xFFFF  }
0xc0: {  	[dreg:$0x0] =	wrdreg $0xFFFFFFFF;
	(pc) =	sbr.abs _section_cstart, $3  }
0xc1: {  	[dreg:$0x1] =	wrdreg $0xFFFFFFFF  }
0xc2: {  	_ =	task.clear_ibuf [dreg:s7], $0x2FFFF;
	_ =	strace $0x9FFFFFFF  }
0xc3: {  	(tm) =	ssettm $0x7FFFFFFF  }
tec
execute0_lowered:
.L_overlay_start_1:
0x0: {  	(tag) =	ssettag $0x1  }
0x1: {  	s1 =	rddreg [dreg:$0x0]  }
0x2: {  	s6 =	rddreg [dreg:$0x1]  }
0x3: {  	s3 =	rddreg [dreg:$0x2]  }
0x4: {  	s0 =	rddreg [dreg:$0x3];
	s5 =	srdreg.scid  }
0x5: {  	s2 =	stileid.u32;
	s4 =	simm.s32 $0x0;
	s16 =	simm.s32 $0x3  }
0x6: {  	s17 =	simm.s32 $0x80;
	s18 =	simm.s32 $0x0;
	s5 =	sand.u32 $0x1, s5  }
0x7: {  	s7 =	smul.u32 $0x2800, s2;
	[smem:$0x7FF] =	sst s4;
	s12 =	sadd.s32 $0x2400, s6  }
0x8: {  	s31 =	sshll.u32 s2, $0x6;
	s8 =	smul.u32 $0x28000, s5;
	_ =	strace $0x8000004D  }
0x9: {  	s9 =	sshll.u32 s5, $0x4;
	s11 =	ssub.s32 $0x2, s5;
	s5 =	sadd.s32 $0x66400, s6  }
0xa: {  	s28 =	sor.u32 s2, s9;
	s30 =	sshrl.u32 s11, $0x1;
	s13 =	sadd.s32 s7, s3  }
0xb: {  	s10 =	sadd.s32 s7, s8;
	s8 =	smul.u32 $0x2800, s28;
	s11 =	ssub.s32 s11, s30  }
0xc: {  	s13 =	sshrl.u32 s13, $0x3;
	s29 =	sshrl.u32 s10, $0x3;
	s14 =	sadd.s32 $0x50500, s10  }
.Ltmp0:
0xd: {  	s10 =	sor.u32 $0x500, s10;
	s9 =	sadd.s32 s29, s6;
	(pc) =	sbr.rel .LBB2_1-.Ltmp0, $4  }
0xe: {  	s8 =	sshrl.u32 s8, $0x3;
	s6 =	sor.u32 $0x1C04, s31;
	s14 =	sshrl.u32 s14, $0x3  }
0xf: {  	s15 =	sshrl.u32 s10, $0x3;
	s10 =	smax.u32 s11, $0x1;
	s7 =	sadd.s32 s12, s8  }
0x10: {  	s9 =	sadd.s32 $0x66A00, s9;
	s11 =	sadd.s32 s14, s12;
	s12 =	sadd.s32 s15, s12  }
0x11: {  	s14 =	simm.s32 $0x4;
	s15 =	simm.s32 $0xA00;
	s8 =	sadd.s32 $0xA000, s7  }
.LBB2_7:
0x12: {  	s18 =	sadd.s32 $0x1, s18  }
0x13: {  	p0 =	sne.s32 s18, s10  }
.Ltmp1:
0x14: {  	[bflag:$0x0] =	sbarrier.arrive $0xFFFF;
	(pc) =	sbr.rel @!p0 .LBB2_8-.Ltmp1, $4  }
0x15: {  	[hbm:s9], [sflag:s6] =	dma.local [spmem:s13], $0x500  }
0x16: {  	_ =	swait.ge [sflag:s14], $0x500  }
0x17: {  	[sflag:s14] =	ssyncset.done $0x0  }
0x18: {  	[sflag:s14] =	ssyncadd.s32 $0xFFFFFB00  }
.LBB2_1:
0x19: {  	[spmem:s13], [sflag:s6] =	dma.local [hbm:s5], $0x500  }
0x1a: {  	_ =	swait.ge [sflag:s14], $0x500  }
0x1b: {  	[sflag:s14] =	ssyncset.done $0x0  }
0x1c: {  	[sflag:s14] =	ssyncadd.s32 $0xFFFFFB00  }
0x1d: {  	[tilespmem:s4], [sflag:$0x4] =	stream.linear.gather [hbm4b:s7+s4], $0x500, $0x38;
	[tilespmem:$0x8C00] =	vst v63  }
0x1e: {  	_ =	swait.ge [sflag:s14], $0x500  }
0x1f: {  	[sflag:s14] =	ssyncset.done $0x0  }
0x20: {  	[sflag:s14] =	ssyncadd.s32 $0xFFFFFB00  }
0x21: {  	[tilespmem:s15], [sflag:$0x4] =	stream.linear.gather [hbm4b:s8+s4], $0x500, $0x38;
	[tilespmem:$0x8C00] =	vst v63  }
.Ltmp2:
0x22: {  	_ =	swait.ge [sflag:s14], $0x500;
	(pc) =	sbr.rel .LBB2_2-.Ltmp2, $4  }
0x23: {  	[sflag:s14] =	ssyncset.done $0x0  }
0x24: {  	[sflag:s14] =	ssyncadd.s32 $0xFFFFFB00  }
0x25: {  	[bflag:$0x0] =	sbarrier.arrive $0xFFFF  }
0x26: {  	s19 =	simm.s32 $0xFFFFFFFE;
	s20 =	smov.u32 s12;
	s21 =	smov.u32 s11  }
.LBB2_3:
0x27: {  	_ =	swait.ge [sflag:s16], $0x280  }
0x28: {  	[sflag:s16] =	ssyncset.done $0x0  }
0x29: {  	[sflag:s16] =	ssyncadd.s32 $0xFFFFFD80  }
0x2a: {  	_ =	swait.ge [sflag:s16], $0x280  }
0x2b: {  	[sflag:s16] =	ssyncset.done $0x0  }
0x2c: {  	[sflag:s16] =	ssyncadd.s32 $0xFFFFFD80  }
.LBB2_5:
0x2d: {  	s23 =	sand.u32 $0x3, s22;
	s25 =	sand.u32 $0x1, s22  }
0x2e: {  	s22 =	simm.s32 $0x2800;
	p0 =	seq.s32 s25, $0x1;
	s23 =	smul.u32 $0xA00, s23  }
0x2f: {  	s22 =	simm.s32 @!p0 $0x0  }
0x30: {  	s24 =	sor.u32 $0x1400, s22;
	s23 =	sshrl.u32 s23, $0x2  }
0x31: {  	[tilespmem:s24], [sflag:$0x1] =	stream.indirect.gather [hbm4b:s1+s17], $0x10, s23, s17, $0xb8;
	[tilespmem:$0x8C00] =	vst v63  }
0x32: {  	s26 =	sadd.s32 $0x1C00, s22;
	s25 =	sadd.s32 $0x80, s23  }
0x33: {  	[tilespmem:s26], [sflag:$0x1] =	stream.indirect.gather [hbm4b:s1+s17], $0x10, s25, s17, $0xb8;
	[tilespmem:$0x8C00] =	vst v63  }
0x34: {  	s28 =	sadd.s32 $0x2400, s22;
	s29 =	sadd.s32 $0x100, s23  }
0x35: {  	[tilespmem:s28], [sflag:$0x1] =	stream.indirect.gather [hbm4b:s1+s17], $0x10, s29, s17, $0xb8;
	[tilespmem:$0x8C00] =	vst v63  }
0x36: {  	s30 =	sadd.s32 $0x2C00, s22;
	s31 =	sadd.s32 $0x180, s23  }
0x37: {  	[tilespmem:s30], [sflag:$0x1] =	stream.indirect.gather [hbm4b:s1+s17], $0x10, s31, s17, $0xb8;
	[tilespmem:$0x8C00] =	vst v63  }
0x38: {  	s22 =	sadd.s32 $0x3400, s22;
	s23 =	sadd.s32 $0x200, s23  }
0x39: {  	[tilespmem:s22], [sflag:$0x1] =	stream.indirect.gather [hbm4b:s1+s17], $0x10, s23, s17, $0xb8;
	[tilespmem:$0x8C00] =	vst v63  }
.LBB2_6:
0x3a: {  	s19 =	sadd.s32 $0x1, s19  }
0x3b: {  	p0 =	sgt.u32 s19, $0xF  }
0x3c: {  	s22 =	simm.s32 @!p0 $0x1  }
0x3d: {  	_ =	swait.ge @!p0 [sflag:s22], $0x800  }
0x3e: {  	[sflag:s22] =	ssyncset.done @!p0 $0x0  }
0x3f: {  	[sflag:s22] =	ssyncadd.s32 @!p0 $0xFFFFF800  }
0x40: {  	_ =	swait.ge @!p0 [sflag:s22], $0x800  }
0x41: {  	[sflag:s22] =	ssyncset.done @!p0 $0x0  }
0x42: {  	[sflag:s22] =	ssyncadd.s32 @!p0 $0xFFFFF800  }
0x43: {  	_ =	swait.ge @!p0 [sflag:s22], $0x800  }
0x44: {  	[sflag:s22] =	ssyncset.done @!p0 $0x0  }
0x45: {  	[sflag:s22] =	ssyncadd.s32 @!p0 $0xFFFFF800  }
0x46: {  	s23 =	sand.u32 @!p0 $0x3, s19;
	_ =	swait.ge @!p0 [sflag:s22], $0x800  }
0x47: {  	s24 =	sand.u32 @!p0 $0x1, s19;
	s26 =	simm.s32 @!p0 $0x80;
	[sflag:s22] =	ssyncset.done @!p0 $0x0  }
0x48: {  	p1 =	seq.s32 @!p0 s24, $0x1;
	s23 =	smul.u32 @!p0 $0xA00, s23;
	[sflag:s22] =	ssyncadd.s32 @!p0 $0xFFFFF800  }
0x49: {  	s24 =	simm.s32 @!p0 $0x2800;
	p1 =	por !p1, p0;
	_ =	swait.ge @!p0 [sflag:s22], $0x800  }
0x4a: {  	s24 =	simm.s32 @p1 $0x0;
	s23 =	sshrl.u32 @!p0 s23, $0x2;
	[sflag:s22] =	ssyncset.done @!p0 $0x0  }
0x4b: {  	s25 =	sor.u32 @!p0 $0x1400, s24;
	[sflag:s22] =	ssyncadd.s32 @!p0 $0xFFFFF800;
	s22 =	sadd.s32 @!p0 $0xA00, s23  }
0x4c: {  	[spmem:s3] =	stream.indirect.scatter.add.f32 @!p0 [tilespmem:s25], [sflag:$0x2], $0x10, s22, s26, $0xb8;
	[tilespmem:$0x8C00] =	vst v63  }
0x4d: {  	s22 =	sadd.s32 @!p0 $0x1C00, s24;
	s25 =	sadd.s32 @!p0 $0xA80, s23  }
0x4e: {  	[spmem:s3] =	stream.indirect.scatter.add.f32 @!p0 [tilespmem:s22], [sflag:$0x2], $0x10, s25, s26, $0xb8;
	[tilespmem:$0x8C00] =	vst v63  }
0x4f: {  	s22 =	sadd.s32 @!p0 $0x2400, s24;
	s25 =	sadd.s32 @!p0 $0xB00, s23  }
0x50: {  	[spmem:s3] =	stream.indirect.scatter.add.f32 @!p0 [tilespmem:s22], [sflag:$0x2], $0x10, s25, s26, $0xb8;
	[tilespmem:$0x8C00] =	vst v63  }
0x51: {  	s22 =	sadd.s32 @!p0 $0x2C00, s24;
	s25 =	sadd.s32 @!p0 $0xB80, s23  }
0x52: {  	[spmem:s3] =	stream.indirect.scatter.add.f32 @!p0 [tilespmem:s22], [sflag:$0x2], $0x10, s25, s26, $0xb8;
	[tilespmem:$0x8C00] =	vst v63  }
0x53: {  	s23 =	sadd.s32 @!p0 $0xC00, s23;
	s22 =	sadd.s32 @!p0 $0x3400, s24  }
0x54: {  	[spmem:s3] =	stream.indirect.scatter.add.f32 @!p0 [tilespmem:s22], [sflag:$0x2], $0x10, s23, s26, $0xb8;
	[tilespmem:$0x8C00] =	vst v63  }
0x55: {  	p0 =	sne.s32 s19, $0x10  }
.Ltmp3:
0x56: {  	_ = 	snop;
	(pc) =	sbr.rel @!p0 .LBB2_7-.Ltmp3, $2  }
0x57: {  	_ =	sdelay $0x2  }
0x58: {  	s21 =	sadd.s32 $0x50, s21;
	s20 =	sadd.s32 $0x50, s20  }
.LBB2_2:
0x59: {  	s22 =	sadd.s32 $0x2, s19  }
0x5a: {  	p0 =	slt.u32 s22, $0x2  }
0x5b: {  	s23 =	simm.s32 @!p0 $0x2  }
0x5c: {  	_ =	swait.ge @!p0 [sflag:s23], $0x800  }
0x5d: {  	[sflag:s23] =	ssyncset.done @!p0 $0x0  }
0x5e: {  	[sflag:s23] =	ssyncadd.s32 @!p0 $0xFFFFF800  }
0x5f: {  	_ =	swait.ge @!p0 [sflag:s23], $0x800  }
0x60: {  	[sflag:s23] =	ssyncset.done @!p0 $0x0  }
0x61: {  	[sflag:s23] =	ssyncadd.s32 @!p0 $0xFFFFF800  }
0x62: {  	_ =	swait.ge @!p0 [sflag:s23], $0x800  }
0x63: {  	[sflag:s23] =	ssyncset.done @!p0 $0x0  }
0x64: {  	[sflag:s23] =	ssyncadd.s32 @!p0 $0xFFFFF800  }
0x65: {  	_ =	swait.ge @!p0 [sflag:s23], $0x800  }
0x66: {  	[sflag:s23] =	ssyncset.done @!p0 $0x0  }
0x67: {  	[sflag:s23] =	ssyncadd.s32 @!p0 $0xFFFFF800  }
0x68: {  	p1 =	sgt.u32 @!p0 s22, $0xD;
	_ =	swait.ge @!p0 [sflag:s23], $0x800  }
0x69: {  	p1 =	por p0, !p1;
	[sflag:s23] =	ssyncset.done @!p0 $0x0  }
0x6a: {  	[sflag:s23] =	ssyncadd.s32 @!p0 $0xFFFFF800;
	s23 =	sadd.s32 @p1 $0x4, s19  }
0x6b: {  	s23 =	sand.u32 @p1 $0x3, s23  }
0x6c: {  	p0 =	sgt.u32 s19, $0xD;
	s23 =	smul.u32 @p1 $0x280, s23  }
.Ltmp4:
0x6d: {  	_ = 	snop;
	(pc) =	sbr.rel @!p0 .LBB2_3-.Ltmp4, $4  }
0x6e: {  	_ = 	snop  }
0x6f: {  	[tilespmem:s23], [sflag:$0x3] =	stream.linear.gather @p1 [hbm4b:s20+s4], $0x280, $0x38;
	[tilespmem:$0x8C00] =	vst v63  }
0x70: {  	s23 =	sadd.s32 @p1 $0xA00, s23  }
0x71: {  	[tilespmem:s23], [sflag:$0x3] =	stream.linear.gather @p1 [hbm4b:s21+s4], $0x280, $0x38;
	[tilespmem:$0x8C00] =	vst v63  }
0x72: {  	p0 =	sgt.u32 s22, $0xF  }
.Ltmp5:
0x73: {  	_ = 	snop;
	(pc) =	sbr.rel @p0 .LBB2_6-.Ltmp5, $4  }
.Ltmp6:
0x74: {  	_ = 	snop;
	(pc) =	sbr.rel @!p0 .LBB2_5-.Ltmp6, $4  }
0x75: {  	_ = 	snop  }
0x76: {  	_ = 	snop  }
0x77: {  	_ = 	snop  }
0x78: {  	_ = 	snop  }
.LBB2_8:
0x79: {  	_ =	sfence.sel $0x180000  }
0x7a: {  	[bflag:$0x0] =	sbarrier.arrive $0xFFFF  }
0x7b: {  	p0 =	sne.s32 s2, $0x0;
	_ =	strace $0x9000004D  }
0x7c: {  	s0 =	sadd.s32 @!p0 $0x100000, s0;
	[bflag:$0x2] =	sbarrier.arrive $0xFFFF  }
0x7d: {  	[sflag:s0] =	ssyncadd.tile.s32 @!p0 $0x1;
	_ =	shalt  }
.Lfunc_end2:
_tile_overlayer_lowered:
.L_overlay_start_2:
0x7e: {  	(tag) =	ssettag $0x2  }
0x7f: {  	s0 =	rddreg [dreg:$0x0];
	s2 =	stileid.u32  }
0x80: {  	s1 =	rddreg [dreg:$0x1];
	p0 =	sne.s32 s2, $0x0  }
0x81: {  	s3 =	rddreg [dreg:$0x2];
	[bflag:$0x3] =	sbarrier.arrive $0xFFFF;
	s2 =	simm.s32 @!p0 $0x1C04  }
0x82: {  	[timem:s3], [sflag:s2] =	dma.local @!p0 [hbm:s0], s1  }
0x83: {  	s0 =	simm.s32 @!p0 $0x4  }
0x84: {  	_ =	swait.ge @!p0 [sflag:s0], s1  }
0x85: {  	s1 =	ssub.s32 @!p0 $0x0, s1;
	[sflag:s0] =	ssyncset.done @!p0 $0x0  }
0x86: {  	[sflag:s0] =	ssyncadd.s32 @!p0 s1  }
0x87: {  	[bflag:$0x3] =	sbarrier.arrive $0xFFFF  }
0x88: {  	_ =	shalt  }

// kernel: kernel.8.cloned.1.call-start
scs
__scs_entry_jumppad:
0x0: {  	(pc) =	sbr.rel $0x88, $3  }
0x1: {  	(tag) =	ssettag $0x0;
	lr =	simm.s32 $0x1  }
0x2: {  	[smem:$0x3F9B] =	sst lr;
	_ =	strace $0xD0000000  }
0x3: {  	_ = 	snop  }
0x4: {  	_ = 	snop  }
0x5: {  	_ = 	snop  }
0x6: {  	_ = 	snop  }
0x7: {  	_ = 	snop  }
__scs_overlays_trampoline_lowered:
0x8: {  	[smem:$0x3FAA] =	sst s0  }
0x9: {  	[smem:$0x3FAB] =	sst s1  }
0xa: {  	[smem:$0x3FAC] =	sst s2  }
0xb: {  	[smem:$0x3FAD] =	sst s3  }
0xc: {  	[smem:$0x3FAE] =	sst s4  }
0xd: {  	[smem:$0x3FAF] =	sst s5  }
0xe: {  	[smem:$0x3FB0] =	sst s6  }
0xf: {  	[smem:$0x3FB1] =	sst s7  }
0x10: {  	[smem:$0x3FB2] =	sst s8  }
0x11: {  	[smem:$0x3FB3] =	sst s9;
	s0 =	simm.s32 @!p0 $0x0  }
0x12: {  	s1 =	sld [smem:$0x3F99];
	s0 =	simm.s32 @p0 $0x1  }
0x13: {  	[smem:$0x3FB4] =	sst s0;
	s0 =	simm.s32 @!p1 $0x0  }
0x14: {  	s2 =	sld [smem:$0x3F98];
	s0 =	simm.s32 @p1 $0x1  }
0x15: {  	[smem:$0x3FB5] =	sst s0;
	s0 =	simm.s32 @!p2 $0x0  }
0x16: {  	s3 =	sld [smem:$0x3FDB];
	s0 =	simm.s32 @p2 $0x1  }
0x17: {  	s4 =	simm.s32 $0x1BF5;
	[smem:$0x3FB7] =	sst s0  }
0x18: {  	s0 =	sld [smem:$0x3F9A];
	_ =	swait.ge [sflag:s4], $0x0  }
0x19: {  	s7 =	sld [smem:$0x3F9B]  }
0x1a: {  	s8 =	sadd.s32 $0xFFFFE003, lr  }
0x1b: {  	s9 =	sadd.s32 $0xFFFFFEF7, lr;
	s5 =	simm.s32 $0xFFFFFFFF;
	p2 =	slt.u32 s8, $0xFFFFF086  }
0x1c: {  	p1 =	slt.u32 s9, $0xF7A;
	s5 =	simm.s32 @!p2 $0x0  }
0x1d: {  	s5 =	simm.s32 @p1 $0x1;
	p0 =	seq.s32 s7, s2  }
0x1e: {  	s7 =	smul.u32 @!p0 $0xF7A, s2;
	p2 =	seq.s32 @!p0 s5, $0x0  }
0x1f: {  	s9 =	smul.u32 $0xF7A, s1;
	s8 =	simm.s32 @!p0 $0x1BF5;
	p2 =	por !p2, p0  }
0x20: {  	[sflag:s8] =	ssyncset.s32 @!p0 $0xFFFFF086;
	s6 =	sadd.s32 @!p0 s3, s7;
	s7 =	simm.s32 @!p0 $0x108  }
0x21: {  	s3 =	sadd.s32 s3, s9;
	s6 =	sadd.s32 @!p0 $0x88, s6;
	s7 =	simm.s32 @p2 $0x1082  }
0x22: {  	[simem:s7], [sflag:s8] =	dma.local @!p0 [hbm:s6], $0xF7A  }
0x23: {  	s9 =	sor.u32 $0xD0000000, s2;
	s6 =	simm.s32 $0x108;
	_ =	swait.ge @!p0 [sflag:s8], $0x0  }
0x24: {  	s3 =	sadd.s32 $0x88, s3;
	s6 =	simm.s32 @!p1 $0x1082;
	[sflag:s4] =	ssyncset.s32 $0xFFFFF086  }
0x25: {  	[simem:s6], [sflag:s4] =	dma.local [hbm:s3], $0xF7A  }
0x26: {  	[smem:$0x3F9B] =	sst s1;
	(tag) =	ssettag s2;
	_ =	strace s9  }
0x27: {  	s1 =	sld [smem:$0x3FAB]  }
0x28: {  	s2 =	sld [smem:$0x3FAC]  }
0x29: {  	s4 =	sld [smem:$0x3FAE]  }
0x2a: {  	p0 =	seq.s32 s5, $0x0;
	s5 =	sld [smem:$0x3FAF]  }
0x2b: {  	s6 =	sld [smem:$0x3FB0]  }
0x2c: {  	s7 =	sld [smem:$0x3FB1]  }
0x2d: {  	s3 =	simm.s32 $0x108;
	s8 =	sld [smem:$0x3FB2]  }
0x2e: {  	s3 =	simm.s32 @!p0 $0x1082;
	s9 =	sld [smem:$0x3FB3]  }
0x2f: {  	lr =	sadd.s32 s0, s3;
	s0 =	sld [smem:$0x3FAA]  }
0x30: {  	s3 =	sld [smem:$0x3FAD]  }
0x31: {  	[smem:$0x3FB6] =	sst s10  }
0x32: {  	s10 =	sld [smem:$0x3FB4];
	_ =	sdelay $0x3  }
0x33: {  	p0 =	seq.s32 s10, $0x1;
	s10 =	sld [smem:$0x3FB6];
	_ =	sdelay $0x3  }
0x34: {  	[smem:$0x3FB6] =	sst s10  }
0x35: {  	s10 =	sld [smem:$0x3FB5];
	_ =	sdelay $0x3  }
0x36: {  	p1 =	seq.s32 s10, $0x1;
	s10 =	sld [smem:$0x3FB6];
	_ =	sdelay $0x3  }
0x37: {  	[smem:$0x3FB6] =	sst s10  }
0x38: {  	s10 =	sld [smem:$0x3FB7]  }
0x39: {  	_ = 	snop;
	(pc) =	sbr.ind lr, $3  }
0x3a: {  	_ = 	snop  }
0x3b: {  	_ = 	snop  }
0x3c: {  	p2 =	seq.s32 s10, $0x1;
	s10 =	sld [smem:$0x3FB6]  }
0x3d: {  	_ =	shalt  }
0x3e: {  	_ =	shalt  }
0x3f: {  	_ =	shalt  }
0x40: {  	_ =	shalt  }
0x41: {  	_ =	shalt  }
0x42: {  	_ =	shalt  }
0x43: {  	_ =	shalt  }
0x44: {  	_ =	shalt  }
0x45: {  	_ =	shalt  }
0x46: {  	_ =	shalt  }
0x47: {  	_ =	shalt  }
0x48: {  	_ =	shalt  }
0x49: {  	_ =	shalt  }
0x4a: {  	_ =	shalt  }
0x4b: {  	_ =	shalt  }
0x4c: {  	_ =	shalt  }
0x4d: {  	_ =	shalt  }
0x4e: {  	_ =	shalt  }
0x4f: {  	_ =	shalt  }
0x50: {  	_ =	shalt  }
0x51: {  	_ =	shalt  }
0x52: {  	_ =	shalt  }
0x53: {  	_ =	shalt  }
0x54: {  	_ =	shalt  }
0x55: {  	_ =	shalt  }
0x56: {  	_ =	shalt  }
0x57: {  	_ =	shalt  }
0x58: {  	_ =	shalt  }
0x59: {  	_ =	shalt  }
0x5a: {  	_ =	shalt  }
0x5b: {  	_ =	shalt  }
0x5c: {  	_ =	shalt  }
0x5d: {  	_ =	shalt  }
0x5e: {  	_ =	shalt  }
0x5f: {  	_ =	shalt  }
0x60: {  	_ =	shalt  }
0x61: {  	_ =	shalt  }
0x62: {  	_ =	shalt  }
0x63: {  	_ =	shalt  }
0x64: {  	_ =	shalt  }
0x65: {  	_ =	shalt  }
0x66: {  	_ =	shalt  }
0x67: {  	_ =	shalt  }
0x68: {  	_ =	shalt  }
0x69: {  	_ =	shalt  }
0x6a: {  	_ =	shalt  }
0x6b: {  	_ =	shalt  }
0x6c: {  	_ =	shalt  }
0x6d: {  	_ =	shalt  }
0x6e: {  	_ =	shalt  }
0x6f: {  	_ =	shalt  }
0x70: {  	_ =	shalt  }
0x71: {  	_ =	shalt  }
0x72: {  	_ =	shalt  }
0x73: {  	_ =	shalt  }
0x74: {  	_ =	shalt  }
0x75: {  	_ =	shalt  }
0x76: {  	_ =	shalt  }
0x77: {  	_ =	shalt  }
0x78: {  	_ =	shalt  }
0x79: {  	_ =	shalt  }
0x7a: {  	_ =	shalt  }
0x7b: {  	_ =	shalt  }
0x7c: {  	_ =	shalt  }
0x7d: {  	_ =	shalt  }
0x7e: {  	_ =	shalt  }
0x7f: {  	_ =	shalt  }
0x80: {  	_ =	shalt  }
0x81: {  	_ =	shalt  }
0x82: {  	_ =	shalt  }
0x83: {  	_ =	shalt  }
0x84: {  	_ =	shalt  }
0x85: {  	_ =	shalt  }
0x86: {  	_ =	shalt  }
0x87: {  	_ =	shalt  }
.Lfunc_end0:
.L_simem_size_0:
called_computation_lowered:
.L_overlay_start_0:
0x88: {  	s2 =	sld [smem:$0x3FD9]  }
0x89: {  	s3 =	sld [smem:$0x3FFE];
	_ =	sdelay $0x1  }
0x8a: {  	s1 =	srdreg.scid  }
0x8b: {  	s0 =	sand.u32 $0x1, s1  }
0x8c: {  	s17 =	sshll.u32 s0, $0xA;
	s2 =	sadd.s32 s3, s2  }
0x8d: {  	s2 =	sadd.s32 s2, s17  }
0x8e: {  	[smem:$0x3FC2] =	sst s2  }
0x8f: {  	_ = 	snop  }
0x90: {  	s2 =	sld [smem:$0x3FD0];
	(tm) =	ssettm $0x1  }
0x91: {  	s18 =	sld [smem:$0x3FFB];
	_ =	sdelay $0x3  }
0x92: {  	_ =	strace s18  }
0x93: {  	s3 =	sld [smem:$0x3FFC];
	_ =	sdelay $0x3  }
0x94: {  	_ =	strace s3  }
0x95: {  	s3 =	sld [smem:$0x3FFD];
	_ =	sdelay $0x3  }
0x96: {  	_ =	strace s3  }
0x97: {  	_ =	strace $0x8FFFFFFF  }
0x98: {  	s19 =	sld [smem:$0x3FDB];
	_ =	sdelay $0x1  }
0x99: {  	s4 =	simm.s32 $_scs_section_size  }
0x9a: {  	s5 =	simm.s32 $_size__tile_overlayer_lowered;
	s6 =	simm.s32 $_tile_overlayer_lowered  }
0x9b: {  	s22 =	simm.s32 $0x1BFF;
	s21 =	sshll.u32 s6, $0x1;
	s3 =	sadd.s32 s4, s19  }
0x9c: {  	s7 =	simm.s32 $0x0;
	s20 =	sshll.u32 s5, $0x1;
	s5 =	sadd.s32 s21, s3  }
0x9d: {  	[timem:s7], [sflag:s22] =	dma.local [hbm:s5], s20  }
0x9e: {  	_ =	swait.ge [sflag:s22], s20  }
0x9f: {  	s4 =	ssub.s32 $0x0, s20;
	[sflag:s22] =	ssyncset.done $0x0  }
0xa0: {  	[sflag:s22] =	ssyncadd.s32 s4;
	_ =	sdelay $0x1  }
0xa1: {  	s23 =	simm.s32 $0x1B8B  }
0xa2: {  	_ =	swait.ge [sflag:s23], $0x1  }
0xa3: {  	[sflag:s23] =	ssyncset.done $0x0  }
0xa4: {  	s25 =	simm.s32 $0x1B8E;
	s24 =	sld [smem:$0x3FFE];
	[sflag:s23] =	ssyncadd.s32 $0xFFFFFFFF  }
0xa5: {  	s26 =	simm.s32 $execute0_lowered;
	[smem:$0x3FD2] =	sst s25  }
0xa6: {  	s5 =	sshll.u32 s26, $0x1;
	_ =	strace $0x80000046;
	[dreg:$0x1] =	wrdreg $0xFFFFFFFF  }
0xa7: {  	s28 =	simm.s32 $_size_execute0_lowered;
	s3 =	sadd.s32 s3, s5;
	[dreg:$0x0] =	wrdreg $0x0  }
0xa8: {  	s5 =	sshll.u32 s28, $0x1;
	[dreg:$0x2] =	wrdreg s3  }
0xa9: {  	[dreg:$0x3] =	wrdreg s5  }
0xaa: {  	[dreg:$0x4] =	wrdreg $0xC0  }
0xab: {  	_ =	task [dreg:s7], $0x5FFFF  }
0xac: {  	[dreg:$0x1] =	wrdreg $0xFFFFFFFF  }
0xad: {  	[dreg:$0x0] =	wrdreg $0x60  }
0xae: {  	[dreg:$0x2] =	wrdreg s24  }
0xaf: {  	[dreg:$0x3] =	wrdreg s2  }
0xb0: {  	[dreg:$0x4] =	wrdreg $0x28800  }
0xb1: {  	[dreg:$0x5] =	wrdreg $0x9  }
0xb2: {  	_ =	task.clear_ibuf [dreg:s7], $0x6FFFF;
	_ =	strace $0x90000046  }
0xb3: {  	s29 =	simm.s32 $0x9;
	_ =	strace $0x80000048  }
0xb4: {  	_ =	swait.ge [sflag:s29], $0x1  }
0xb5: {  	[sflag:s29] =	ssyncadd.s32 $0xFFFFFFFF  }
0xb6: {  	_ =	strace $0x90000048  }
0xb7: {  	_ =	sfence  }
0xb8: {  	s30 =	sld [smem:$0x0];
	_ =	sdelay $0x2  }
0xb9: {  	s31 =	sshll.u32 s1, $0xD;
	s1 =	sshrl.u32 s1, $0x2  }
0xba: {  	s3 =	sand.u32 $0x4000, s31;
	s1 =	sadd.s32 s1, s30  }
0xbb: {  	s0 =	sor.u32 s3, s0;
	s1 =	sshll.u32 s1, $0x11  }
0xbc: {  	s0 =	sor.u32 s1, s0  }
0xbd: {  	s0 =	sadd.s32 $0x8F2B, s0  }
0xbe: {  	[sflag:s0] =	ssyncadd.remote.s32 $0x1  }
0xbf: {  	_ =	sfence.sel $0xFFFF  }
0xc0: {  	[dreg:$0x0] =	wrdreg $0xFFFFFFFF;
	(pc) =	sbr.abs _section_cstart, $3  }
0xc1: {  	[dreg:$0x1] =	wrdreg $0xFFFFFFFF  }
0xc2: {  	_ =	task.clear_ibuf [dreg:s7], $0x2FFFF;
	_ =	strace $0x9FFFFFFF  }
0xc3: {  	(tm) =	ssettm $0x7FFFFFFF  }
tec
execute0_lowered:
.L_overlay_start_1:
0x0: {  	(tag) =	ssettag $0x1  }
0x1: {  	s5 =	rddreg [dreg:$0x0]  }
0x2: {  	s7 =	rddreg [dreg:$0x1]  }
0x3: {  	s0 =	srdreg.scid;
	s2 =	rddreg [dreg:$0x2]  }
0x4: {  	s1 =	stileid.u32;
	s13 =	simm.s32 $0x0;
	s4 =	sand.u32 $0x1, s0  }
0x5: {  	s0 =	rddreg [dreg:$0x3];
	s6 =	smul.u32 $0x280, s1;
	s31 =	sshll.u32 s1, $0x6  }
0x6: {  	s3 =	sshll.u32 s4, $0x4;
	s9 =	ssub.s32 $0x2, s4;
	s11 =	smul.u32 $0x2800, s4  }
0x7: {  	s4 =	sadd.s32 $0x16400, s5;
	s8 =	sor.u32 s1, s3;
	s3 =	simm.s32 $0x0  }
0x8: {  	s10 =	sshrl.u32 s9, $0x1;
	s30 =	sadd.s32 s6, s2;
	s8 =	smul.u32 $0x2800, s8  }
0x9: {  	[smem:$0x7FF] =	sst s3;
	s9 =	ssub.s32 s9, s10;
	s6 =	sadd.s32 s6, s11  }
0xa: {  	s10 =	simm.s32 $0x1;
	s11 =	simm.s32 $0x80;
	s12 =	sshrl.u32 s6, $0x3  }
0xb: {  	_ =	strace $0x80000047;
	s8 =	sshrl.u32 s8, $0x3;
	s7 =	sadd.s32 s7, s12  }
0xc: {  	s12 =	simm.s32 $0x2800;
	s8 =	sadd.s32 s5, s8;
	s5 =	sor.u32 $0x1C01, s31  }
0xd: {  	v0 =	vimm.f32 $1.000000000e+00;
	s6 =	sadd.s32 $0xC400, s8;
	s8 =	smax.u32 s9, $0x1;
	s9 =	sshrl.u32 s30, $0x3  }
.LBB2_1:
0xe: {  	[tilespmem:$0x2800] =	vst v0  }
0xf: {  	[tilespmem:$0x2810] =	vst v0  }
0x10: {  	[tilespmem:$0x2820] =	vst v0  }
0x11: {  	[tilespmem:$0x2830] =	vst v0  }
0x12: {  	[tilespmem:$0x2840] =	vst v0  }
0x13: {  	[tilespmem:$0x2850] =	vst v0  }
0x14: {  	[tilespmem:$0x2860] =	vst v0  }
0x15: {  	[tilespmem:$0x2870] =	vst v0  }
0x16: {  	[spmem:s9], [sflag:s5] =	dma.local [hbm:s4], $0x50  }
0x17: {  	_ =	swait.ge [sflag:s10], $0x50  }
0x18: {  	[sflag:s10] =	ssyncset.done $0x0  }
0x19: {  	[sflag:s10] =	ssyncadd.s32 $0xFFFFFFB0  }
0x1a: {  	[tilespmem:s3], [sflag:$0x1] =	stream.linear.gather [hbm4b:s6+s3], $0x2800, $0x38;
	[tilespmem:$0x2B00] =	vst v63  }
0x1b: {  	_ =	swait.ge [sflag:s10], $0x2800  }
0x1c: {  	[sflag:s10] =	ssyncset.done $0x0  }
0x1d: {  	[sflag:s10] =	ssyncadd.s32 $0xFFFFD800  }
0x1e: {  	s14 =	simm.s32 $0x0;
	[bflag:$0x0] =	sbarrier.arrive $0xFFFF  }
0x1f: {  	[spmem:s2] =	stream.indirect.scatter.add.f32 [tilespmem:s12], [sflag:$0x1], $0x1, s14, s11, $0xb8;
	[tilespmem:$0x2B00] =	vst v63  }
0x20: {  	_ =	swait.ge [sflag:s10], $0x80  }
0x21: {  	s14 =	simm.s32 $0x200;
	[sflag:s10] =	ssyncset.done $0x0  }
.LBB2_2:
0x22: {  	s15 =	sshra.s32 s14, $0x2;
	[sflag:s10] =	ssyncadd.s32 $0xFFFFFF80;
	p0 =	sne.s32 s14, $0x9E00  }
0x23: {  	[spmem:s2] =	stream.indirect.scatter.add.f32 [tilespmem:s12], [sflag:$0x1], $0x1, s15, s11, $0xb8;
	[tilespmem:$0x2B00] =	vst v63  }
.Ltmp0:
0x24: {  	_ = 	snop;
	(pc) =	sbr.rel @p0 .LBB2_2-.Ltmp0, $4  }
0x25: {  	_ = 	snop  }
0x26: {  	s14 =	sadd.s32 $0x200, s14  }
0x27: {  	_ =	swait.ge [sflag:s10], $0x80  }
0x28: {  	[sflag:s10] =	ssyncset.done $0x0  }
0x29: {  	s13 =	sadd.s32 $0x1, s13  }
0x2a: {  	[sflag:s10] =	ssyncadd.s32 $0xFFFFFF80;
	p0 =	sne.s32 s13, s8  }
.Ltmp1:
0x2b: {  	[bflag:$0x0] =	sbarrier.arrive $0xFFFF;
	(pc) =	sbr.rel @p0 .LBB2_1-.Ltmp1, $4  }
0x2c: {  	[hbm:s7], [sflag:s5] =	dma.local [spmem:s9], $0x50  }
0x2d: {  	_ =	swait.ge [sflag:s10], $0x50  }
0x2e: {  	[sflag:s10] =	ssyncset.done $0x0  }
0x2f: {  	[sflag:s10] =	ssyncadd.s32 $0xFFFFFFB0  }
0x30: {  	_ =	sfence.sel $0x180000  }
0x31: {  	[bflag:$0x0] =	sbarrier.arrive $0xFFFF  }
0x32: {  	p0 =	sne.s32 s1, $0x0;
	_ =	strace $0x90000047  }
0x33: {  	s0 =	sadd.s32 @!p0 $0x100000, s0;
	[bflag:$0x2] =	sbarrier.arrive $0xFFFF  }
0x34: {  	[sflag:s0] =	ssyncadd.tile.s32 @!p0 $0x1;
	_ =	shalt  }
.Lfunc_end2:
_tile_overlayer_lowered:
.L_overlay_start_2:
0x35: {  	(tag) =	ssettag $0x2  }
0x36: {  	s0 =	rddreg [dreg:$0x0];
	s2 =	stileid.u32  }
0x37: {  	s1 =	rddreg [dreg:$0x1];
	p0 =	sne.s32 s2, $0x0  }
0x38: {  	s3 =	rddreg [dreg:$0x2];
	[bflag:$0x3] =	sbarrier.arrive $0xFFFF;
	s2 =	simm.s32 @!p0 $0x1C01  }
0x39: {  	[timem:s3], [sflag:s2] =	dma.local @!p0 [hbm:s0], s1  }
0x3a: {  	s0 =	simm.s32 @!p0 $0x1  }
0x3b: {  	_ =	swait.ge @!p0 [sflag:s0], s1  }
0x3c: {  	s1 =	ssub.s32 @!p0 $0x0, s1;
	[sflag:s0] =	ssyncset.done @!p0 $0x0  }
0x3d: {  	[sflag:s0] =	ssyncadd.s32 @!p0 s1  }
0x3e: {  	[bflag:$0x3] =	sbarrier.arrive $0xFFFF  }
0x3f: {  	_ =	shalt  }

</sc_bundles>
